<compile_context>
chip_gen: v7x
topology: tpu7x:2x2x1
jax: 0.10.2.dev20260603
libtpu: 0.0.44.dev20260713+nightly
codegen_flags: <defaults>
</compile_context>

<pallas_src>
import functools

import jax
import jax.numpy as jnp
from jax import lax
from jax.experimental import pallas as pl
from jax.experimental.pallas import tpu as pltpu
from jax.experimental.pallas import tpu_sc as plsc

B = 16384
D = 32
H1 = 64
H2 = 32
NU = 100000
NS = 1000000

_info = plsc.get_sparse_core_info()
_NC, _NSUB = _info.num_cores, _info.num_subcores
_NW = _NC * _NSUB

_CHUNK = 1536
_IDXC = 4096
_RING = 4
_PSH = 14

_U_BLKS = NU // 128
_S_BLKS = NS // 128
_U_BOUND = _U_BLKS * 128
_S_BOUND = _S_BLKS * 128

_sc_mesh = plsc.VectorSubcoreMesh(core_axis_name="c", subcore_axis_name="s")


def _nchunks(nblks_total):
    span = (nblks_total // _NW + 1) * 128
    return (span + _CHUNK - 1) // _CHUNK


def _gather_table(tbl_hbm, out_hbm, idx_hbm, idx_v, hpk_v, chunk_v, stage_v,
                  pos_v, sem, fsem, wid, nblks_total, nchunks):
    nbase = nblks_total // _NW
    nrem = nblks_total - nbase * _NW
    nblk = nbase + jnp.where(wid < nrem, 1, 0)
    blk0 = wid * nbase + jnp.minimum(wid, nrem)
    lo = blk0 * 128
    hi = lo + nblk * 128

    lane = lax.iota(jnp.int32, 16)
    lo_v = jnp.zeros((16,), jnp.int32) + lo
    hi_v = jnp.zeros((16,), jnp.int32) + hi

    def chunk_start(c):
        return jnp.minimum(lo + c * _CHUNK, hi - _CHUNK)

    def fetch(c, par):
        s0 = chunk_start(c)
        pltpu.async_copy(
            tbl_hbm.at[pl.ds(0, 16), pl.ds(s0, _CHUNK)],
            chunk_v.at[par, pl.ds(0, 16)], fsem)
        pltpu.async_copy(
            tbl_hbm.at[pl.ds(16, 16), pl.ds(s0, _CHUNK)],
            chunk_v.at[par, pl.ds(16, 16)], fsem)

    fetch(0, 0)
    fetch(1, 1)

    def pf_stage(pbase, hcnt0):
        def pf_body(g, hcnt):
            h = hcnt
            for k in range(2):
                gg = g * 2 + k
                v16 = idx_v[pl.ds(gg * 16, 16)]
                m = (v16 >= lo_v) & (v16 < hi_v)
                pk = lax.shift_left(v16 - lo_v, jnp.int32(_PSH)) | (
                    pbase + gg * 16 + lane)
                plsc.store_compressed(hpk_v.at[pl.ds(h, 16)], pk, mask=m)
                h = h + jnp.max(plsc.all_reduce_population_count(m))
            return h
        return lax.fori_loop(0, _IDXC // 32, pf_body, hcnt0)

    with jax.named_scope("prefilter"):
        hcnt = jnp.int32(0)
        for pp in range(B // _IDXC):
            pltpu.sync_copy(idx_hbm.at[pl.ds(pp * _IDXC, _IDXC)], idx_v)
            hcnt = pf_stage(jnp.int32(pp * _IDXC), hcnt)
    hpk_v[pl.ds(hcnt, 16)] = jnp.full((16,), -1, jnp.int32)
    ngroups = (hcnt + 15) // 16

    def chunk_body(c, rc):
        par = lax.bitwise_and(c, jnp.int32(1))

        pltpu.make_async_copy(
            tbl_hbm.at[:, pl.ds(0, _CHUNK)], chunk_v.at[par], fsem).wait()

        crel = chunk_start(c) - lo
        a_v = jnp.zeros((16,), jnp.int32) + lax.shift_left(crel, jnp.int32(_PSH))
        b_v = jnp.zeros((16,), jnp.int32) + lax.shift_left(
            crel + _CHUNK, jnp.int32(_PSH))
        crel_v = jnp.zeros((16,), jnp.int32) + crel

        def grp_body(g, rc):
            h16 = hpk_v[pl.ds(g * 16, 16)]
            inm = (h16 >= a_v) & (h16 < b_v)
            nhit = jnp.any(inm)

            def do_extract(rc):
                slot = lax.bitwise_and(rc, jnp.int32(_RING - 1))

                @pl.when(rc >= _RING)
                def _():
                    pltpu.make_async_copy(
                        out_hbm.at[pl.ds(0, 16)],
                        stage_v.at[pl.ds(slot * 16, 16)], sem).wait()

                c16 = lax.shift_right_logical(h16, jnp.int32(_PSH)) - crel_v
                c16c = jnp.clip(c16, 0, _CHUNK - 1)
                p16 = lax.bitwise_and(h16, jnp.int32((1 << _PSH) - 1))
                rows16 = slot * 16 + lane
                par16 = jnp.zeros((16,), jnp.int32) + par
                for f in range(D):
                    fv = jnp.full((16,), f, jnp.int32)
                    v = plsc.load_gather(chunk_v, [par16, fv, c16c])
                    plsc.store_scatter(stage_v, [rows16, fv], v)
                pos_v[slot] = jnp.where(inm, p16, -1)
                pltpu.async_copy(
                    stage_v.at[pl.ds(slot * 16, 16)],
                    out_hbm.at[plsc.Indices(pos_v.at[slot],
                                            ignored_value=-1)],
                    sem)
                return rc + 1

            return lax.cond(nhit, do_extract, lambda rc: rc, rc)

        rc = lax.fori_loop(0, ngroups, grp_body, rc)

        @pl.when(c + 2 < nchunks)
        def _():
            fetch(c + 2, par)

        return rc

    with jax.named_scope("stream"):
        rc = lax.fori_loop(0, nchunks, chunk_body, jnp.int32(0))

    def drain_body(k, _):
        @pl.when(k < jnp.minimum(rc, _RING))
        def _():
            pltpu.make_async_copy(
                out_hbm.at[pl.ds(0, 16)],
                stage_v.at[pl.ds(0, 16)], sem).wait()
        return 0

    lax.fori_loop(0, _RING, drain_body, 0)


@functools.partial(
    pl.kernel,
    out_type=[
        jax.ShapeDtypeStruct((B, 128), jnp.float32),
        jax.ShapeDtypeStruct((B, 128), jnp.float32),
    ],
    mesh=_sc_mesh,
    compiler_params=pltpu.CompilerParams(needs_layout_passes=False),
    scratch_types=[
        pltpu.VMEM((_IDXC,), jnp.int32),
        pltpu.VMEM((B + 16,), jnp.int32),
        pltpu.VMEM((2, D, _CHUNK), jnp.float32),
        pltpu.VMEM((_RING * 16, 128), jnp.float32),
        pltpu.VMEM((_RING, 16), jnp.int32),
        pltpu.SemaphoreType.DMA,
        pltpu.SemaphoreType.DMA,
    ],
)
def _sc_gather(u_fm_hbm, s_fm_hbm, uidx_hbm, sidx_hbm, uout_hbm, sout_hbm,
               idx_v, hpk_v, chunk_v, stage_v, pos_v, sem, fsem):
    wid = lax.axis_index("s") * _NC + lax.axis_index("c")

    _gather_table(u_fm_hbm, uout_hbm, uidx_hbm, idx_v, hpk_v, chunk_v,
                  stage_v, pos_v, sem, fsem, wid, _U_BLKS, _nchunks(_U_BLKS))
    _gather_table(s_fm_hbm, sout_hbm, sidx_hbm, idx_v, hpk_v, chunk_v,
                  stage_v, pos_v, sem, fsem, wid, _S_BLKS, _nchunks(_S_BLKS))


def _mlp_body(u_ref, s_ref, uq_ref, sq_ref, tu_ref, ts_ref, wt_ref,
              w1u_ref, w1s_ref, w1c_ref, b1_ref, w2_ref, b2_ref, w3_ref,
              b3_ref, out_ref):
    uq = uq_ref[...]
    sq = sq_ref[...]
    iu = lax.broadcasted_iota(jnp.int32, (1, NU - _U_BOUND), 1).astype(jnp.float32)
    isv = lax.broadcasted_iota(jnp.int32, (1, NS - _S_BOUND), 1).astype(jnp.float32)
    ohu = (uq == iu).astype(jnp.float32)
    ohs = (sq == isv).astype(jnp.float32)
    tvu = jnp.dot(ohu, tu_ref[...], preferred_element_type=jnp.float32)
    tvs = jnp.dot(ohs, ts_ref[...], preferred_element_type=jnp.float32)
    u = jnp.where(uq >= 0, tvu, u_ref[:, :D])
    s = jnp.where(sq >= 0, tvs, s_ref[:, :D])
    x = (
        jnp.dot(u, w1u_ref[...], preferred_element_type=jnp.float32)
        + jnp.dot(s, w1s_ref[...], preferred_element_type=jnp.float32)
        + jnp.dot(wt_ref[...], w1c_ref[...], preferred_element_type=jnp.float32)
        + b1_ref[...]
    )
    h = jnp.maximum(x, 0.0)
    h = jnp.dot(h, w2_ref[...], preferred_element_type=jnp.float32) + b2_ref[...]
    h = jnp.maximum(h, 0.0)
    o = jnp.dot(h, w3_ref[...], preferred_element_type=jnp.float32) + b3_ref[...]
    out_ref[...] = jax.nn.sigmoid(o)


_MLP_BLK = 2048


def _mlp(u, s, uq, sq, tu, ts, wt, w1u, w1s, w1c, b1, w2, b2, w3, b3):
    grid = (B // _MLP_BLK,)
    return pl.pallas_call(
        _mlp_body,
        grid=grid,
        in_specs=[
            pl.BlockSpec((_MLP_BLK, 128), lambda i: (i, 0)),
            pl.BlockSpec((_MLP_BLK, 128), lambda i: (i, 0)),
            pl.BlockSpec((_MLP_BLK, 1), lambda i: (i, 0)),
            pl.BlockSpec((_MLP_BLK, 1), lambda i: (i, 0)),
            pl.BlockSpec((NU - _U_BOUND, D), lambda i: (0, 0)),
            pl.BlockSpec((NS - _S_BOUND, D), lambda i: (0, 0)),
            pl.BlockSpec((_MLP_BLK, 2), lambda i: (i, 0)),
            pl.BlockSpec((D, H1), lambda i: (0, 0)),
            pl.BlockSpec((D, H1), lambda i: (0, 0)),
            pl.BlockSpec((2, H1), lambda i: (0, 0)),
            pl.BlockSpec((1, H1), lambda i: (0, 0)),
            pl.BlockSpec((H1, H2), lambda i: (0, 0)),
            pl.BlockSpec((1, H2), lambda i: (0, 0)),
            pl.BlockSpec((H2, 1), lambda i: (0, 0)),
            pl.BlockSpec((1, 1), lambda i: (0, 0)),
        ],
        out_specs=pl.BlockSpec((_MLP_BLK, 1), lambda i: (i, 0)),
        out_shape=jax.ShapeDtypeStruct((B, 1), jnp.float32),
    )(u, s, uq, sq, tu, ts, wt, w1u, w1s, w1c, b1, w2, b2, w3, b3)


@jax.jit
def kernel(user, song, weather, time, user_emb, song_emb, W1, b1, W2, b2, W3, b3):
    uidx = user.astype(jnp.int32)
    sidx = song.astype(jnp.int32)
    u_fm = user_emb.T
    s_fm = song_emb.T

    uidx_c = jnp.minimum(uidx, _U_BOUND - 1)
    sidx_c = jnp.minimum(sidx, _S_BOUND - 1)
    u_pad, s_pad = _sc_gather(u_fm, s_fm, uidx_c, sidx_c)

    uq = jnp.where(uidx >= _U_BOUND, uidx - _U_BOUND, -1).astype(jnp.float32)[:, None]
    sq = jnp.where(sidx >= _S_BOUND, sidx - _S_BOUND, -1).astype(jnp.float32)[:, None]
    tu = user_emb[_U_BOUND:]
    ts = song_emb[_S_BOUND:]

    wt = jnp.stack([weather, time], axis=1)
    w1u = W1[:D]
    w1s = W1[D:2 * D]
    w1c = W1[2 * D:]

    out = _mlp(u_pad, s_pad, uq, sq, tu, ts, wt, w1u, w1s, w1c,
               b1[None, :], W2, b2[None, :], W3, b3[None, :])
    return jnp.squeeze(out, axis=-1)

# --- scband reference (transcript-rebuilt; emitter-appended) ---
"""Pipeline reference for scband-context-aware-recommender-77137612636520 (READ-ONLY COPY).

The authoritative reference and input builder live on the scoring server;
editing this copy changes nothing except your own understanding.
"""

import jax, jax.numpy as jnp
import numpy as np

NUM_USERS = 100000
NUM_SONGS = 1000000
EMB = 32
BATCH = 16384


def setup_inputs(seed: int = 0) -> dict:
    key = jax.random.key(seed)
    ks = jax.random.split(key, 12)
    user = jax.random.randint(ks[0], (BATCH,), 0, NUM_USERS, dtype=jnp.int64 if jax.config.jax_enable_x64 else jnp.int32)
    song = jax.random.randint(ks[1], (BATCH,), 0, NUM_SONGS, dtype=jnp.int64 if jax.config.jax_enable_x64 else jnp.int32)
    weather = jax.random.uniform(ks[2], (BATCH,), dtype=jnp.float32)
    time = jax.random.uniform(ks[3], (BATCH,), dtype=jnp.float32)
    user_emb = jax.random.normal(ks[4], (NUM_USERS, EMB), dtype=jnp.float32)
    song_emb = jax.random.normal(ks[5], (NUM_SONGS, EMB), dtype=jnp.float32)
    W1 = jax.random.normal(ks[6], (EMB * 2 + 2, 64), dtype=jnp.float32) * (1.0 / np.sqrt(EMB * 2 + 2))
    b1 = jnp.zeros((64,), dtype=jnp.float32)
    W2 = jax.random.normal(ks[7], (64, 32), dtype=jnp.float32) * (1.0 / np.sqrt(64))
    b2 = jnp.zeros((32,), dtype=jnp.float32)
    W3 = jax.random.normal(ks[8], (32, 1), dtype=jnp.float32) * (1.0 / np.sqrt(32))
    b3 = jnp.zeros((1,), dtype=jnp.float32)
    return {"user": user, "song": song, "weather": weather, "time": time,
            "user_emb": user_emb, "song_emb": song_emb,
            "W1": W1, "b1": b1, "W2": W2, "b2": b2, "W3": W3, "b3": b3}


def reference(user, song, weather, time, user_emb, song_emb, W1, b1, W2, b2, W3, b3):
    u = jnp.take(user_emb, user, axis=0)
    s = jnp.take(song_emb, song, axis=0)
    x = jnp.concatenate([u, s, weather[:, None], time[:, None]], axis=1)
    h = jax.nn.relu(x @ W1 + b1)
    h = jax.nn.relu(h @ W2 + b2)
    out = jax.nn.sigmoid(h @ W3 + b3)
    return jnp.squeeze(out, axis=-1)

if __name__ == "__main__":
    import jax
    _d = setup_inputs()
    print(jax.jit(kernel)(*tuple(_d.values())))

</pallas_src>

<mosaic_0001>
#map = affine_map<(d0, d1) -> (0, 0)>
#map1 = affine_map<(d0, d1) -> (0)>
module attributes {stable_mosaic.version = 14 : i64} {
  func.func @_sc_gather(%arg0: i32, %arg1: i32, %arg2: memref<32x100000xf32, #tpu.memory_space<hbm>>, %arg3: memref<32x1000000xf32, #tpu.memory_space<hbm>>, %arg4: memref<16384xi32, #tpu.memory_space<hbm>>, %arg5: memref<16384xi32, #tpu.memory_space<hbm>>, %arg6: memref<16384x128xf32, #tpu.memory_space<hbm>>, %arg7: memref<16384x128xf32, #tpu.memory_space<hbm>>, %arg8: memref<4096xi32, #tpu.memory_space<vmem>>, %arg9: memref<16400xi32, #tpu.memory_space<vmem>>, %arg10: memref<2x32x1536xf32, #tpu.memory_space<vmem>>, %arg11: memref<64x128xf32, #tpu.memory_space<vmem>>, %arg12: memref<4x16xi32, #tpu.memory_space<vmem>>, %arg13: memref<!tpu.dma_semaphore, #tpu.memory_space<semaphore_mem>>, %arg14: memref<!tpu.dma_semaphore, #tpu.memory_space<semaphore_mem>>) attributes {dimension_semantics = [#tpu.dimension_semantics<core_parallel>, #tpu.dimension_semantics<subcore_parallel>], iteration_bounds = array<i64: 2, 16>, scalar_prefetch = 0 : i64, scratch_operands = 7 : i64, tpu.core_type = #tpu.core_type<sc_vector_subcore>, window_params = [{transform_indices = #map}, {transform_indices = #map}, {transform_indices = #map1}, {transform_indices = #map1}, {transform_indices = #map}, {transform_indices = #map}]} {
    %mul3A = arith.constant 2 : i32
    %mul3A_0 = arith.muli %arg1, %mul3A : i32
    %add3A = arith.addi %mul3A_0, %arg0 : i32
    %lt3A = arith.constant 13 : i32
    %lt3A_1 = arith.cmpi slt, %add3A, %lt3A : i32
    %jit3A = arith.constant 1 : i32
    %jit3A_2 = arith.constant 0 : i32
    %select_n3A = arith.select %lt3A_1, %jit3A, %jit3A_2 : i32
    %add3A_3 = arith.constant 24 : i32
    %add3A_4 = arith.addi %add3A_3, %select_n3A : i32
    %mul3A_5 = arith.constant 24 : i32
    %mul3A_6 = arith.muli %add3A, %mul3A_5 : i32
    %min3A = arith.constant 13 : i32
    %min3A_7 = arith.minsi %add3A, %min3A : i32
    %add3A_8 = arith.addi %mul3A_6, %min3A_7 : i32
    %mul3A_9 = arith.constant 128 : i32
    %mul3A_10 = arith.muli %add3A_8, %mul3A_9 : i32
    %mul3A_11 = arith.constant 128 : i32
    %mul3A_12 = arith.muli %add3A_4, %mul3A_11 : i32
    %add3A_13 = arith.addi %mul3A_10, %mul3A_12 : i32
    %iota3A = tpu.iota {dimensions = array<i32: 0>} : vector<16xi32>
    %broadcast_in_dim3A = arith.constant 0 : i32
    %broadcast_in_dim3A_14 = vector.broadcast %broadcast_in_dim3A : i32 to vector<16xi32>
    %add3A_15 = vector.broadcast %mul3A_10 : i32 to vector<16xi32>
    %add3A_16 = arith.addi %broadcast_in_dim3A_14, %add3A_15 : vector<16xi32>
    %broadcast_in_dim3A_17 = arith.constant 0 : i32
    %broadcast_in_dim3A_18 = vector.broadcast %broadcast_in_dim3A_17 : i32 to vector<16xi32>
    %add3A_19 = vector.broadcast %add3A_13 : i32 to vector<16xi32>
    %add3A_20 = arith.addi %broadcast_in_dim3A_18, %add3A_19 : vector<16xi32>
    %add3A_21 = arith.constant 0 : i32
    %add3A_22 = arith.addi %mul3A_10, %add3A_21 : i32
    %sub3A = arith.constant 1536 : i32
    %sub3A_23 = arith.subi %add3A_13, %sub3A : i32
    %min3A_24 = arith.minsi %add3A_22, %sub3A_23 : i32
    %dma_start3A = arith.constant 0 : i32
    %dma_start3A_25 = arith.constant 0 : i32
    %dma_start3A_26 = arith.constant 0 : i32
    %dma_start3A_27 = tpu.memref_slice %arg10[%dma_start3A, %dma_start3A_25, %dma_start3A_26] : memref<2x32x1536xf32, #tpu.memory_space<vmem>> -> memref<1x16x1536xf32, #tpu.memory_space<vmem>>
    %dma_start3A_28 = tpu.memref_squeeze %dma_start3A_27 : memref<1x16x1536xf32, #tpu.memory_space<vmem>> -> memref<16x1536xf32, #tpu.memory_space<vmem>>
    %dma_start3A_29 = arith.constant 0 : i32
    %dma_start3A_30 = tpu.memref_slice %arg2[%dma_start3A_29, %min3A_24] : memref<32x100000xf32, #tpu.memory_space<hbm>> -> memref<16x1536xf32, #tpu.memory_space<hbm>>
    %dma_start3A_31 = arith.constant 0 : i32
    %dma_start3A_32 = arith.constant 0 : i32
    %dma_start3A_33 = tpu.memref_slice %arg10[%dma_start3A, %dma_start3A_31, %dma_start3A_32] : memref<2x32x1536xf32, #tpu.memory_space<vmem>> -> memref<1x16x1536xf32, #tpu.memory_space<vmem>>
    %dma_start3A_34 = tpu.memref_squeeze %dma_start3A_33 : memref<1x16x1536xf32, #tpu.memory_space<vmem>> -> memref<16x1536xf32, #tpu.memory_space<vmem>>
    %dma_start3A_35 = arith.constant 0 : i32
    %dma_start3A_36 = tpu.memref_slice %arg2[%dma_start3A_35, %min3A_24] : memref<32x100000xf32, #tpu.memory_space<hbm>> -> memref<16x1536xf32, #tpu.memory_space<hbm>>
    tpu.enqueue_dma source(%dma_start3A_36 : memref<16x1536xf32, #tpu.memory_space<hbm>>) target(%dma_start3A_34 : memref<16x1536xf32, #tpu.memory_space<vmem>>) target_semaphore(%arg14 : memref<!tpu.dma_semaphore, #tpu.memory_space<semaphore_mem>>)
    %dma_start3A_37 = arith.constant 0 : i32
    %dma_start3A_38 = arith.constant 16 : i32
    %dma_start3A_39 = arith.constant 0 : i32
    %dma_start3A_40 = tpu.memref_slice %arg10[%dma_start3A_37, %dma_start3A_38, %dma_start3A_39] : memref<2x32x1536xf32, #tpu.memory_space<vmem>> -> memref<1x16x1536xf32, #tpu.memory_space<vmem>>
    %dma_start3A_41 = tpu.memref_squeeze %dma_start3A_40 : memref<1x16x1536xf32, #tpu.memory_space<vmem>> -> memref<16x1536xf32, #tpu.memory_space<vmem>>
    %dma_start3A_42 = arith.constant 16 : i32
    %dma_start3A_43 = tpu.memref_slice %arg2[%dma_start3A_42, %min3A_24] : memref<32x100000xf32, #tpu.memory_space<hbm>> -> memref<16x1536xf32, #tpu.memory_space<hbm>>
    %dma_start3A_44 = arith.constant 16 : i32
    %dma_start3A_45 = arith.constant 0 : i32
    %dma_start3A_46 = tpu.memref_slice %arg10[%dma_start3A_37, %dma_start3A_44, %dma_start3A_45] : memref<2x32x1536xf32, #tpu.memory_space<vmem>> -> memref<1x16x1536xf32, #tpu.memory_space<vmem>>
    %dma_start3A_47 = tpu.memref_squeeze %dma_start3A_46 : memref<1x16x1536xf32, #tpu.memory_space<vmem>> -> memref<16x1536xf32, #tpu.memory_space<vmem>>
    %dma_start3A_48 = arith.constant 16 : i32
    %dma_start3A_49 = tpu.memref_slice %arg2[%dma_start3A_48, %min3A_24] : memref<32x100000xf32, #tpu.memory_space<hbm>> -> memref<16x1536xf32, #tpu.memory_space<hbm>>
    tpu.enqueue_dma source(%dma_start3A_49 : memref<16x1536xf32, #tpu.memory_space<hbm>>) target(%dma_start3A_47 : memref<16x1536xf32, #tpu.memory_space<vmem>>) target_semaphore(%arg14 : memref<!tpu.dma_semaphore, #tpu.memory_space<semaphore_mem>>)
    %add3A_50 = arith.constant 1536 : i32
    %add3A_51 = arith.addi %mul3A_10, %add3A_50 : i32
    %sub3A_52 = arith.constant 1536 : i32
    %sub3A_53 = arith.subi %add3A_13, %sub3A_52 : i32
    %min3A_54 = arith.minsi %add3A_51, %sub3A_53 : i32
    %dma_start3A_55 = arith.constant 1 : i32
    %dma_start3A_56 = arith.constant 0 : i32
    %dma_start3A_57 = arith.constant 0 : i32
    %dma_start3A_58 = tpu.memref_slice %arg10[%dma_start3A_55, %dma_start3A_56, %dma_start3A_57] : memref<2x32x1536xf32, #tpu.memory_space<vmem>> -> memref<1x16x1536xf32, #tpu.memory_space<vmem>>
    %dma_start3A_59 = tpu.memref_squeeze %dma_start3A_58 : memref<1x16x1536xf32, #tpu.memory_space<vmem>> -> memref<16x1536xf32, #tpu.memory_space<vmem>>
    %dma_start3A_60 = arith.constant 0 : i32
    %dma_start3A_61 = tpu.memref_slice %arg2[%dma_start3A_60, %min3A_54] : memref<32x100000xf32, #tpu.memory_space<hbm>> -> memref<16x1536xf32, #tpu.memory_space<hbm>>
    %dma_start3A_62 = arith.constant 0 : i32
    %dma_start3A_63 = arith.constant 0 : i32
    %dma_start3A_64 = tpu.memref_slice %arg10[%dma_start3A_55, %dma_start3A_62, %dma_start3A_63] : memref<2x32x1536xf32, #tpu.memory_space<vmem>> -> memref<1x16x1536xf32, #tpu.memory_space<vmem>>
    %dma_start3A_65 = tpu.memref_squeeze %dma_start3A_64 : memref<1x16x1536xf32, #tpu.memory_space<vmem>> -> memref<16x1536xf32, #tpu.memory_space<vmem>>
    %dma_start3A_66 = arith.constant 0 : i32
    %dma_start3A_67 = tpu.memref_slice %arg2[%dma_start3A_66, %min3A_54] : memref<32x100000xf32, #tpu.memory_space<hbm>> -> memref<16x1536xf32, #tpu.memory_space<hbm>>
    tpu.enqueue_dma source(%dma_start3A_67 : memref<16x1536xf32, #tpu.memory_space<hbm>>) target(%dma_start3A_65 : memref<16x1536xf32, #tpu.memory_space<vmem>>) target_semaphore(%arg14 : memref<!tpu.dma_semaphore, #tpu.memory_space<semaphore_mem>>)
    %dma_start3A_68 = arith.constant 1 : i32
    %dma_start3A_69 = arith.constant 16 : i32
    %dma_start3A_70 = arith.constant 0 : i32
    %dma_start3A_71 = tpu.memref_slice %arg10[%dma_start3A_68, %dma_start3A_69, %dma_start3A_70] : memref<2x32x1536xf32, #tpu.memory_space<vmem>> -> memref<1x16x1536xf32, #tpu.memory_space<vmem>>
    %dma_start3A_72 = tpu.memref_squeeze %dma_start3A_71 : memref<1x16x1536xf32, #tpu.memory_space<vmem>> -> memref<16x1536xf32, #tpu.memory_space<vmem>>
    %dma_start3A_73 = arith.constant 16 : i32
    %dma_start3A_74 = tpu.memref_slice %arg2[%dma_start3A_73, %min3A_54] : memref<32x100000xf32, #tpu.memory_space<hbm>> -> memref<16x1536xf32, #tpu.memory_space<hbm>>
    %dma_start3A_75 = arith.constant 16 : i32
    %dma_start3A_76 = arith.constant 0 : i32
    %dma_start3A_77 = tpu.memref_slice %arg10[%dma_start3A_68, %dma_start3A_75, %dma_start3A_76] : memref<2x32x1536xf32, #tpu.memory_space<vmem>> -> memref<1x16x1536xf32, #tpu.memory_space<vmem>>
    %dma_start3A_78 = tpu.memref_squeeze %dma_start3A_77 : memref<1x16x1536xf32, #tpu.memory_space<vmem>> -> memref<16x1536xf32, #tpu.memory_space<vmem>>
    %dma_start3A_79 = arith.constant 16 : i32
    %dma_start3A_80 = tpu.memref_slice %arg2[%dma_start3A_79, %min3A_54] : memref<32x100000xf32, #tpu.memory_space<hbm>> -> memref<16x1536xf32, #tpu.memory_space<hbm>>
    tpu.enqueue_dma source(%dma_start3A_80 : memref<16x1536xf32, #tpu.memory_space<hbm>>) target(%dma_start3A_78 : memref<16x1536xf32, #tpu.memory_space<vmem>>) target_semaphore(%arg14 : memref<!tpu.dma_semaphore, #tpu.memory_space<semaphore_mem>>)
    "tpu.trace_start"() <{level = 10 : i32, message = "prefilter"}> : () -> ()
    "tpu.region"() ({
      %run_scoped3A = tpu.sem_alloc : memref<!tpu.dma_semaphore, #tpu.memory_space<semaphore_mem>>
      %dma_start3A_308 = arith.constant 0 : i32
      %dma_start3A_309 = tpu.memref_slice %arg4[%dma_start3A_308] : memref<16384xi32, #tpu.memory_space<hbm>> -> memref<4096xi32, #tpu.memory_space<hbm>>
      %dma_start3A_310 = arith.constant 0 : i32
      %dma_start3A_311 = tpu.memref_slice %arg4[%dma_start3A_310] : memref<16384xi32, #tpu.memory_space<hbm>> -> memref<4096xi32, #tpu.memory_space<hbm>>
      tpu.enqueue_dma source(%dma_start3A_311 : memref<4096xi32, #tpu.memory_space<hbm>>) target(%arg8 : memref<4096xi32, #tpu.memory_space<vmem>>) target_semaphore(%run_scoped3A : memref<!tpu.dma_semaphore, #tpu.memory_space<semaphore_mem>>)
      %dma_wait3A = arith.constant 0 : i32
      %dma_wait3A_312 = tpu.memref_slice %arg4[%dma_wait3A] : memref<16384xi32, #tpu.memory_space<hbm>> -> memref<4096xi32, #tpu.memory_space<hbm>>
      %dma_wait3A_313 = arith.constant 0 : i32
      %dma_wait3A_314 = tpu.memref_slice %arg4[%dma_wait3A_313] : memref<16384xi32, #tpu.memory_space<hbm>> -> memref<4096xi32, #tpu.memory_space<hbm>>
      tpu.wait_dma2 semaphore(%run_scoped3A : memref<!tpu.dma_semaphore, #tpu.memory_space<semaphore_mem>>) src(%dma_wait3A_314 : memref<4096xi32, #tpu.memory_space<hbm>>) dst(%arg8 : memref<4096xi32, #tpu.memory_space<vmem>>)
      tpu.yield
    }) : () -> ()
    %scan3A = arith.constant 0 : i32
    %scan3A_81 = arith.constant 0 : i32
    %scan3A_82 = arith.constant 0 : i32
    %scan3A_83 = arith.constant 128 : i32
    %scan3A_84 = arith.addi %scan3A_82, %scan3A_83 : i32
    %scan3A_85 = arith.constant 1 : i32
    %scan3A_86 = scf.for %scan3A_308 = %scan3A_82 to %scan3A_84 step %scan3A_85 iter_args(%scan3A_309 = %scan3A_81) -> (i32)  : i32 {
      %mul3A_310 = arith.constant 2 : i32
      %mul3A_311 = arith.muli %scan3A_308, %mul3A_310 : i32
      %add3A_312 = arith.constant 0 : i32
      %add3A_313 = arith.addi %mul3A_311, %add3A_312 : i32
      %mul3A_314 = arith.constant 16 : i32
      %mul3A_315 = arith.muli %add3A_313, %mul3A_314 : i32
      %get3A = arith.index_cast %mul3A_315 : i32 to index
      %get3A_316 = tpu.vector_load %arg8[%get3A] {strides = array<i32>} : memref<4096xi32, #tpu.memory_space<vmem>>, vector<16xi32>,
      %ge3A = arith.cmpi sge, %get3A_316, %add3A_16 : vector<16xi32>
      %lt3A_317 = arith.cmpi slt, %get3A_316, %add3A_20 : vector<16xi32>
      %and3A_318 = arith.andi %ge3A, %lt3A_317 : vector<16xi1>
      %sub3A_319 = arith.subi %get3A_316, %add3A_16 : vector<16xi32>
      %shift_left3A = arith.constant 14 : i32
      %shift_left3A_320 = vector.broadcast %shift_left3A : i32 to vector<16xi32>
      %shift_left3A_321 = arith.shli %sub3A_319, %shift_left3A_320 : vector<16xi32>
      %mul3A_322 = arith.constant 16 : i32
      %mul3A_323 = arith.muli %add3A_313, %mul3A_322 : i32
      %add3A_324 = arith.addi %scan3A, %mul3A_323 : i32
      %add3A_325 = vector.broadcast %add3A_324 : i32 to vector<16xi32>
      %add3A_326 = arith.addi %add3A_325, %iota3A : vector<16xi32>
      %or3A = arith.ori %shift_left3A_321, %add3A_326 : vector<16xi32>
      %swap3A_327 = arith.index_cast %scan3A_309 : i32 to index
      %swap3A_328 = tpu.vector_load %arg9[%swap3A_327] masked %and3A_318 {strides = array<i32>} : memref<16400xi32, #tpu.memory_space<vmem>>, vector<16xi32>, vector<16xi1>
      tpu.vector_store %arg9[%swap3A_327], %or3A masked %and3A_318 {strides = array<i32>} : memref<16400xi32, #tpu.memory_space<vmem>>, vector<16xi32>, vector<16xi1>
      %all_reduce_population_count3A = tpu.all_reduce %and3A_318 {dim = 0 : i64, kind = #tpu.reduction_kind<sum>} : vector<16xi1> -> vector<16xi32>
      %reduce_max3A = arith.constant true
      %reduce_max3A_329 = vector.broadcast %reduce_max3A : i1 to vector<16xi1>
      %reduce_max3A_330 = arith.constant -2147483648 : i32
      %reduce_max3A_331 = vector.broadcast %reduce_max3A_330 : i32 to vector<16xi32>
      %reduce_max3A_332 = arith.xori %all_reduce_population_count3A, %reduce_max3A_331 : vector<16xi32>
      %reduce_max3A_333 = tpu.scan <max>, %reduce_max3A_332 masked %reduce_max3A_329 : vector<16xi32>, vector<16xi1> -> vector<16xi32>
      %reduce_max3A_334 = arith.xori %reduce_max3A_333, %reduce_max3A_331 : vector<16xi32>
      %reduce_max3A_335 = vector.extract %reduce_max3A_334[15] : i32 from vector<16xi32>
      %add3A_336 = arith.addi %scan3A_309, %reduce_max3A_335 : i32
      %mul3A_337 = arith.constant 2 : i32
      %mul3A_338 = arith.muli %scan3A_308, %mul3A_337 : i32
      %add3A_339 = arith.constant 1 : i32
      %add3A_340 = arith.addi %mul3A_338, %add3A_339 : i32
      %mul3A_341 = arith.constant 16 : i32
      %mul3A_342 = arith.muli %add3A_340, %mul3A_341 : i32
      %get3A_343 = arith.index_cast %mul3A_342 : i32 to index
      %get3A_344 = tpu.vector_load %arg8[%get3A_343] {strides = array<i32>} : memref<4096xi32, #tpu.memory_space<vmem>>, vector<16xi32>,
      %ge3A_345 = arith.cmpi sge, %get3A_344, %add3A_16 : vector<16xi32>
      %lt3A_346 = arith.cmpi slt, %get3A_344, %add3A_20 : vector<16xi32>
      %and3A_347 = arith.andi %ge3A_345, %lt3A_346 : vector<16xi1>
      %sub3A_348 = arith.subi %get3A_344, %add3A_16 : vector<16xi32>
      %shift_left3A_349 = arith.constant 14 : i32
      %shift_left3A_350 = vector.broadcast %shift_left3A_349 : i32 to vector<16xi32>
      %shift_left3A_351 = arith.shli %sub3A_348, %shift_left3A_350 : vector<16xi32>
      %mul3A_352 = arith.constant 16 : i32
      %mul3A_353 = arith.muli %add3A_340, %mul3A_352 : i32
      %add3A_354 = arith.addi %scan3A, %mul3A_353 : i32
      %add3A_355 = vector.broadcast %add3A_354 : i32 to vector<16xi32>
      %add3A_356 = arith.addi %add3A_355, %iota3A : vector<16xi32>
      %or3A_357 = arith.ori %shift_left3A_351, %add3A_356 : vector<16xi32>
      %swap3A_358 = arith.index_cast %add3A_336 : i32 to index
      %swap3A_359 = tpu.vector_load %arg9[%swap3A_358] masked %and3A_347 {strides = array<i32>} : memref<16400xi32, #tpu.memory_space<vmem>>, vector<16xi32>, vector<16xi1>
      tpu.vector_store %arg9[%swap3A_358], %or3A_357 masked %and3A_347 {strides = array<i32>} : memref<16400xi32, #tpu.memory_space<vmem>>, vector<16xi32>, vector<16xi1>
      %all_reduce_population_count3A_360 = tpu.all_reduce %and3A_347 {dim = 0 : i64, kind = #tpu.reduction_kind<sum>} : vector<16xi1> -> vector<16xi32>
      %reduce_max3A_361 = arith.constant true
      %reduce_max3A_362 = vector.broadcast %reduce_max3A_361 : i1 to vector<16xi1>
      %reduce_max3A_363 = arith.constant -2147483648 : i32
      %reduce_max3A_364 = vector.broadcast %reduce_max3A_363 : i32 to vector<16xi32>
      %reduce_max3A_365 = arith.xori %all_reduce_population_count3A_360, %reduce_max3A_364 : vector<16xi32>
      %reduce_max3A_366 = tpu.scan <max>, %reduce_max3A_365 masked %reduce_max3A_362 : vector<16xi32>, vector<16xi1> -> vector<16xi32>
      %reduce_max3A_367 = arith.xori %reduce_max3A_366, %reduce_max3A_364 : vector<16xi32>
      %reduce_max3A_368 = vector.extract %reduce_max3A_367[15] : i32 from vector<16xi32>
      %add3A_369 = arith.addi %add3A_336, %reduce_max3A_368 : i32
      scf.yield %add3A_369 : i32
    }
    %scan3A_87 = arith.constant 128 : i32
    "tpu.region"() ({
      %run_scoped3A = tpu.sem_alloc : memref<!tpu.dma_semaphore, #tpu.memory_space<semaphore_mem>>
      %dma_start3A_308 = arith.constant 4096 : i32
      %dma_start3A_309 = tpu.memref_slice %arg4[%dma_start3A_308] : memref<16384xi32, #tpu.memory_space<hbm>> -> memref<4096xi32, #tpu.memory_space<hbm>>
      %dma_start3A_310 = arith.constant 4096 : i32
      %dma_start3A_311 = tpu.memref_slice %arg4[%dma_start3A_310] : memref<16384xi32, #tpu.memory_space<hbm>> -> memref<4096xi32, #tpu.memory_space<hbm>>
      tpu.enqueue_dma source(%dma_start3A_311 : memref<4096xi32, #tpu.memory_space<hbm>>) target(%arg8 : memref<4096xi32, #tpu.memory_space<vmem>>) target_semaphore(%run_scoped3A : memref<!tpu.dma_semaphore, #tpu.memory_space<semaphore_mem>>)
      %dma_wait3A = arith.constant 4096 : i32
      %dma_wait3A_312 = tpu.memref_slice %arg4[%dma_wait3A] : memref<16384xi32, #tpu.memory_space<hbm>> -> memref<4096xi32, #tpu.memory_space<hbm>>
      %dma_wait3A_313 = arith.constant 4096 : i32
      %dma_wait3A_314 = tpu.memref_slice %arg4[%dma_wait3A_313] : memref<16384xi32, #tpu.memory_space<hbm>> -> memref<4096xi32, #tpu.memory_space<hbm>>
      tpu.wait_dma2 semaphore(%run_scoped3A : memref<!tpu.dma_semaphore, #tpu.memory_space<semaphore_mem>>) src(%dma_wait3A_314 : memref<4096xi32, #tpu.memory_space<hbm>>) dst(%arg8 : memref<4096xi32, #tpu.memory_space<vmem>>)
      tpu.yield
    }) : () -> ()
    %scan3A_88 = arith.constant 4096 : i32
    %scan3A_89 = arith.constant 0 : i32
    %scan3A_90 = arith.constant 128 : i32
    %scan3A_91 = arith.addi %scan3A_89, %scan3A_90 : i32
    %scan3A_92 = arith.constant 1 : i32
    %scan3A_93 = scf.for %scan3A_308 = %scan3A_89 to %scan3A_91 step %scan3A_92 iter_args(%scan3A_309 = %scan3A_86) -> (i32)  : i32 {
      %mul3A_310 = arith.constant 2 : i32
      %mul3A_311 = arith.muli %scan3A_308, %mul3A_310 : i32
      %add3A_312 = arith.constant 0 : i32
      %add3A_313 = arith.addi %mul3A_311, %add3A_312 : i32
      %mul3A_314 = arith.constant 16 : i32
      %mul3A_315 = arith.muli %add3A_313, %mul3A_314 : i32
      %get3A = arith.index_cast %mul3A_315 : i32 to index
      %get3A_316 = tpu.vector_load %arg8[%get3A] {strides = array<i32>} : memref<4096xi32, #tpu.memory_space<vmem>>, vector<16xi32>,
      %ge3A = arith.cmpi sge, %get3A_316, %add3A_16 : vector<16xi32>
      %lt3A_317 = arith.cmpi slt, %get3A_316, %add3A_20 : vector<16xi32>
      %and3A_318 = arith.andi %ge3A, %lt3A_317 : vector<16xi1>
      %sub3A_319 = arith.subi %get3A_316, %add3A_16 : vector<16xi32>
      %shift_left3A = arith.constant 14 : i32
      %shift_left3A_320 = vector.broadcast %shift_left3A : i32 to vector<16xi32>
      %shift_left3A_321 = arith.shli %sub3A_319, %shift_left3A_320 : vector<16xi32>
      %mul3A_322 = arith.constant 16 : i32
      %mul3A_323 = arith.muli %add3A_313, %mul3A_322 : i32
      %add3A_324 = arith.addi %scan3A_88, %mul3A_323 : i32
      %add3A_325 = vector.broadcast %add3A_324 : i32 to vector<16xi32>
      %add3A_326 = arith.addi %add3A_325, %iota3A : vector<16xi32>
      %or3A = arith.ori %shift_left3A_321, %add3A_326 : vector<16xi32>
      %swap3A_327 = arith.index_cast %scan3A_309 : i32 to index
      %swap3A_328 = tpu.vector_load %arg9[%swap3A_327] masked %and3A_318 {strides = array<i32>} : memref<16400xi32, #tpu.memory_space<vmem>>, vector<16xi32>, vector<16xi1>
      tpu.vector_store %arg9[%swap3A_327], %or3A masked %and3A_318 {strides = array<i32>} : memref<16400xi32, #tpu.memory_space<vmem>>, vector<16xi32>, vector<16xi1>
      %all_reduce_population_count3A = tpu.all_reduce %and3A_318 {dim = 0 : i64, kind = #tpu.reduction_kind<sum>} : vector<16xi1> -> vector<16xi32>
      %reduce_max3A = arith.constant true
      %reduce_max3A_329 = vector.broadcast %reduce_max3A : i1 to vector<16xi1>
      %reduce_max3A_330 = arith.constant -2147483648 : i32
      %reduce_max3A_331 = vector.broadcast %reduce_max3A_330 : i32 to vector<16xi32>
      %reduce_max3A_332 = arith.xori %all_reduce_population_count3A, %reduce_max3A_331 : vector<16xi32>
      %reduce_max3A_333 = tpu.scan <max>, %reduce_max3A_332 masked %reduce_max3A_329 : vector<16xi32>, vector<16xi1> -> vector<16xi32>
      %reduce_max3A_334 = arith.xori %reduce_max3A_333, %reduce_max3A_331 : vector<16xi32>
      %reduce_max3A_335 = vector.extract %reduce_max3A_334[15] : i32 from vector<16xi32>
      %add3A_336 = arith.addi %scan3A_309, %reduce_max3A_335 : i32
      %mul3A_337 = arith.constant 2 : i32
      %mul3A_338 = arith.muli %scan3A_308, %mul3A_337 : i32
      %add3A_339 = arith.constant 1 : i32
      %add3A_340 = arith.addi %mul3A_338, %add3A_339 : i32
      %mul3A_341 = arith.constant 16 : i32
      %mul3A_342 = arith.muli %add3A_340, %mul3A_341 : i32
      %get3A_343 = arith.index_cast %mul3A_342 : i32 to index
      %get3A_344 = tpu.vector_load %arg8[%get3A_343] {strides = array<i32>} : memref<4096xi32, #tpu.memory_space<vmem>>, vector<16xi32>,
      %ge3A_345 = arith.cmpi sge, %get3A_344, %add3A_16 : vector<16xi32>
      %lt3A_346 = arith.cmpi slt, %get3A_344, %add3A_20 : vector<16xi32>
      %and3A_347 = arith.andi %ge3A_345, %lt3A_346 : vector<16xi1>
      %sub3A_348 = arith.subi %get3A_344, %add3A_16 : vector<16xi32>
      %shift_left3A_349 = arith.constant 14 : i32
      %shift_left3A_350 = vector.broadcast %shift_left3A_349 : i32 to vector<16xi32>
      %shift_left3A_351 = arith.shli %sub3A_348, %shift_left3A_350 : vector<16xi32>
      %mul3A_352 = arith.constant 16 : i32
      %mul3A_353 = arith.muli %add3A_340, %mul3A_352 : i32
      %add3A_354 = arith.addi %scan3A_88, %mul3A_353 : i32
      %add3A_355 = vector.broadcast %add3A_354 : i32 to vector<16xi32>
      %add3A_356 = arith.addi %add3A_355, %iota3A : vector<16xi32>
      %or3A_357 = arith.ori %shift_left3A_351, %add3A_356 : vector<16xi32>
      %swap3A_358 = arith.index_cast %add3A_336 : i32 to index
      %swap3A_359 = tpu.vector_load %arg9[%swap3A_358] masked %and3A_347 {strides = array<i32>} : memref<16400xi32, #tpu.memory_space<vmem>>, vector<16xi32>, vector<16xi1>
      tpu.vector_store %arg9[%swap3A_358], %or3A_357 masked %and3A_347 {strides = array<i32>} : memref<16400xi32, #tpu.memory_space<vmem>>, vector<16xi32>, vector<16xi1>
      %all_reduce_population_count3A_360 = tpu.all_reduce %and3A_347 {dim = 0 : i64, kind = #tpu.reduction_kind<sum>} : vector<16xi1> -> vector<16xi32>
      %reduce_max3A_361 = arith.constant true
      %reduce_max3A_362 = vector.broadcast %reduce_max3A_361 : i1 to vector<16xi1>
      %reduce_max3A_363 = arith.constant -2147483648 : i32
      %reduce_max3A_364 = vector.broadcast %reduce_max3A_363 : i32 to vector<16xi32>
      %reduce_max3A_365 = arith.xori %all_reduce_population_count3A_360, %reduce_max3A_364 : vector<16xi32>
      %reduce_max3A_366 = tpu.scan <max>, %reduce_max3A_365 masked %reduce_max3A_362 : vector<16xi32>, vector<16xi1> -> vector<16xi32>
      %reduce_max3A_367 = arith.xori %reduce_max3A_366, %reduce_max3A_364 : vector<16xi32>
      %reduce_max3A_368 = vector.extract %reduce_max3A_367[15] : i32 from vector<16xi32>
      %add3A_369 = arith.addi %add3A_336, %reduce_max3A_368 : i32
      scf.yield %add3A_369 : i32
    }
    %scan3A_94 = arith.constant 128 : i32
    "tpu.region"() ({
      %run_scoped3A = tpu.sem_alloc : memref<!tpu.dma_semaphore, #tpu.memory_space<semaphore_mem>>
      %dma_start3A_308 = arith.constant 8192 : i32
      %dma_start3A_309 = tpu.memref_slice %arg4[%dma_start3A_308] : memref<16384xi32, #tpu.memory_space<hbm>> -> memref<4096xi32, #tpu.memory_space<hbm>>
      %dma_start3A_310 = arith.constant 8192 : i32
      %dma_start3A_311 = tpu.memref_slice %arg4[%dma_start3A_310] : memref<16384xi32, #tpu.memory_space<hbm>> -> memref<4096xi32, #tpu.memory_space<hbm>>
      tpu.enqueue_dma source(%dma_start3A_311 : memref<4096xi32, #tpu.memory_space<hbm>>) target(%arg8 : memref<4096xi32, #tpu.memory_space<vmem>>) target_semaphore(%run_scoped3A : memref<!tpu.dma_semaphore, #tpu.memory_space<semaphore_mem>>)
      %dma_wait3A = arith.constant 8192 : i32
      %dma_wait3A_312 = tpu.memref_slice %arg4[%dma_wait3A] : memref<16384xi32, #tpu.memory_space<hbm>> -> memref<4096xi32, #tpu.memory_space<hbm>>
      %dma_wait3A_313 = arith.constant 8192 : i32
      %dma_wait3A_314 = tpu.memref_slice %arg4[%dma_wait3A_313] : memref<16384xi32, #tpu.memory_space<hbm>> -> memref<4096xi32, #tpu.memory_space<hbm>>
      tpu.wait_dma2 semaphore(%run_scoped3A : memref<!tpu.dma_semaphore, #tpu.memory_space<semaphore_mem>>) src(%dma_wait3A_314 : memref<4096xi32, #tpu.memory_space<hbm>>) dst(%arg8 : memref<4096xi32, #tpu.memory_space<vmem>>)
      tpu.yield
    }) : () -> ()
    %scan3A_95 = arith.constant 8192 : i32
    %scan3A_96 = arith.constant 0 : i32
    %scan3A_97 = arith.constant 128 : i32
    %scan3A_98 = arith.addi %scan3A_96, %scan3A_97 : i32
    %scan3A_99 = arith.constant 1 : i32
    %scan3A_100 = scf.for %scan3A_308 = %scan3A_96 to %scan3A_98 step %scan3A_99 iter_args(%scan3A_309 = %scan3A_93) -> (i32)  : i32 {
      %mul3A_310 = arith.constant 2 : i32
      %mul3A_311 = arith.muli %scan3A_308, %mul3A_310 : i32
      %add3A_312 = arith.constant 0 : i32
      %add3A_313 = arith.addi %mul3A_311, %add3A_312 : i32
      %mul3A_314 = arith.constant 16 : i32
      %mul3A_315 = arith.muli %add3A_313, %mul3A_314 : i32
      %get3A = arith.index_cast %mul3A_315 : i32 to index
      %get3A_316 = tpu.vector_load %arg8[%get3A] {strides = array<i32>} : memref<4096xi32, #tpu.memory_space<vmem>>, vector<16xi32>,
      %ge3A = arith.cmpi sge, %get3A_316, %add3A_16 : vector<16xi32>
      %lt3A_317 = arith.cmpi slt, %get3A_316, %add3A_20 : vector<16xi32>
      %and3A_318 = arith.andi %ge3A, %lt3A_317 : vector<16xi1>
      %sub3A_319 = arith.subi %get3A_316, %add3A_16 : vector<16xi32>
      %shift_left3A = arith.constant 14 : i32
      %shift_left3A_320 = vector.broadcast %shift_left3A : i32 to vector<16xi32>
      %shift_left3A_321 = arith.shli %sub3A_319, %shift_left3A_320 : vector<16xi32>
      %mul3A_322 = arith.constant 16 : i32
      %mul3A_323 = arith.muli %add3A_313, %mul3A_322 : i32
      %add3A_324 = arith.addi %scan3A_95, %mul3A_323 : i32
      %add3A_325 = vector.broadcast %add3A_324 : i32 to vector<16xi32>
      %add3A_326 = arith.addi %add3A_325, %iota3A : vector<16xi32>
      %or3A = arith.ori %shift_left3A_321, %add3A_326 : vector<16xi32>
      %swap3A_327 = arith.index_cast %scan3A_309 : i32 to index
      %swap3A_328 = tpu.vector_load %arg9[%swap3A_327] masked %and3A_318 {strides = array<i32>} : memref<16400xi32, #tpu.memory_space<vmem>>, vector<16xi32>, vector<16xi1>
      tpu.vector_store %arg9[%swap3A_327], %or3A masked %and3A_318 {strides = array<i32>} : memref<16400xi32, #tpu.memory_space<vmem>>, vector<16xi32>, vector<16xi1>
      %all_reduce_population_count3A = tpu.all_reduce %and3A_318 {dim = 0 : i64, kind = #tpu.reduction_kind<sum>} : vector<16xi1> -> vector<16xi32>
      %reduce_max3A = arith.constant true
      %reduce_max3A_329 = vector.broadcast %reduce_max3A : i1 to vector<16xi1>
      %reduce_max3A_330 = arith.constant -2147483648 : i32
      %reduce_max3A_331 = vector.broadcast %reduce_max3A_330 : i32 to vector<16xi32>
      %reduce_max3A_332 = arith.xori %all_reduce_population_count3A, %reduce_max3A_331 : vector<16xi32>
      %reduce_max3A_333 = tpu.scan <max>, %reduce_max3A_332 masked %reduce_max3A_329 : vector<16xi32>, vector<16xi1> -> vector<16xi32>
      %reduce_max3A_334 = arith.xori %reduce_max3A_333, %reduce_max3A_331 : vector<16xi32>
      %reduce_max3A_335 = vector.extract %reduce_max3A_334[15] : i32 from vector<16xi32>
      %add3A_336 = arith.addi %scan3A_309, %reduce_max3A_335 : i32
      %mul3A_337 = arith.constant 2 : i32
      %mul3A_338 = arith.muli %scan3A_308, %mul3A_337 : i32
      %add3A_339 = arith.constant 1 : i32
      %add3A_340 = arith.addi %mul3A_338, %add3A_339 : i32
      %mul3A_341 = arith.constant 16 : i32
      %mul3A_342 = arith.muli %add3A_340, %mul3A_341 : i32
      %get3A_343 = arith.index_cast %mul3A_342 : i32 to index
      %get3A_344 = tpu.vector_load %arg8[%get3A_343] {strides = array<i32>} : memref<4096xi32, #tpu.memory_space<vmem>>, vector<16xi32>,
      %ge3A_345 = arith.cmpi sge, %get3A_344, %add3A_16 : vector<16xi32>
      %lt3A_346 = arith.cmpi slt, %get3A_344, %add3A_20 : vector<16xi32>
      %and3A_347 = arith.andi %ge3A_345, %lt3A_346 : vector<16xi1>
      %sub3A_348 = arith.subi %get3A_344, %add3A_16 : vector<16xi32>
      %shift_left3A_349 = arith.constant 14 : i32
      %shift_left3A_350 = vector.broadcast %shift_left3A_349 : i32 to vector<16xi32>
      %shift_left3A_351 = arith.shli %sub3A_348, %shift_left3A_350 : vector<16xi32>
      %mul3A_352 = arith.constant 16 : i32
      %mul3A_353 = arith.muli %add3A_340, %mul3A_352 : i32
      %add3A_354 = arith.addi %scan3A_95, %mul3A_353 : i32
      %add3A_355 = vector.broadcast %add3A_354 : i32 to vector<16xi32>
      %add3A_356 = arith.addi %add3A_355, %iota3A : vector<16xi32>
      %or3A_357 = arith.ori %shift_left3A_351, %add3A_356 : vector<16xi32>
      %swap3A_358 = arith.index_cast %add3A_336 : i32 to index
      %swap3A_359 = tpu.vector_load %arg9[%swap3A_358] masked %and3A_347 {strides = array<i32>} : memref<16400xi32, #tpu.memory_space<vmem>>, vector<16xi32>, vector<16xi1>
      tpu.vector_store %arg9[%swap3A_358], %or3A_357 masked %and3A_347 {strides = array<i32>} : memref<16400xi32, #tpu.memory_space<vmem>>, vector<16xi32>, vector<16xi1>
      %all_reduce_population_count3A_360 = tpu.all_reduce %and3A_347 {dim = 0 : i64, kind = #tpu.reduction_kind<sum>} : vector<16xi1> -> vector<16xi32>
      %reduce_max3A_361 = arith.constant true
      %reduce_max3A_362 = vector.broadcast %reduce_max3A_361 : i1 to vector<16xi1>
      %reduce_max3A_363 = arith.constant -2147483648 : i32
      %reduce_max3A_364 = vector.broadcast %reduce_max3A_363 : i32 to vector<16xi32>
      %reduce_max3A_365 = arith.xori %all_reduce_population_count3A_360, %reduce_max3A_364 : vector<16xi32>
      %reduce_max3A_366 = tpu.scan <max>, %reduce_max3A_365 masked %reduce_max3A_362 : vector<16xi32>, vector<16xi1> -> vector<16xi32>
      %reduce_max3A_367 = arith.xori %reduce_max3A_366, %reduce_max3A_364 : vector<16xi32>
      %reduce_max3A_368 = vector.extract %reduce_max3A_367[15] : i32 from vector<16xi32>
      %add3A_369 = arith.addi %add3A_336, %reduce_max3A_368 : i32
      scf.yield %add3A_369 : i32
    }
    %scan3A_101 = arith.constant 128 : i32
    "tpu.region"() ({
      %run_scoped3A = tpu.sem_alloc : memref<!tpu.dma_semaphore, #tpu.memory_space<semaphore_mem>>
      %dma_start3A_308 = arith.constant 12288 : i32
      %dma_start3A_309 = tpu.memref_slice %arg4[%dma_start3A_308] : memref<16384xi32, #tpu.memory_space<hbm>> -> memref<4096xi32, #tpu.memory_space<hbm>>
      %dma_start3A_310 = arith.constant 12288 : i32
      %dma_start3A_311 = tpu.memref_slice %arg4[%dma_start3A_310] : memref<16384xi32, #tpu.memory_space<hbm>> -> memref<4096xi32, #tpu.memory_space<hbm>>
      tpu.enqueue_dma source(%dma_start3A_311 : memref<4096xi32, #tpu.memory_space<hbm>>) target(%arg8 : memref<4096xi32, #tpu.memory_space<vmem>>) target_semaphore(%run_scoped3A : memref<!tpu.dma_semaphore, #tpu.memory_space<semaphore_mem>>)
      %dma_wait3A = arith.constant 12288 : i32
      %dma_wait3A_312 = tpu.memref_slice %arg4[%dma_wait3A] : memref<16384xi32, #tpu.memory_space<hbm>> -> memref<4096xi32, #tpu.memory_space<hbm>>
      %dma_wait3A_313 = arith.constant 12288 : i32
      %dma_wait3A_314 = tpu.memref_slice %arg4[%dma_wait3A_313] : memref<16384xi32, #tpu.memory_space<hbm>> -> memref<4096xi32, #tpu.memory_space<hbm>>
      tpu.wait_dma2 semaphore(%run_scoped3A : memref<!tpu.dma_semaphore, #tpu.memory_space<semaphore_mem>>) src(%dma_wait3A_314 : memref<4096xi32, #tpu.memory_space<hbm>>) dst(%arg8 : memref<4096xi32, #tpu.memory_space<vmem>>)
      tpu.yield
    }) : () -> ()
    %scan3A_102 = arith.constant 12288 : i32
    %scan3A_103 = arith.constant 0 : i32
    %scan3A_104 = arith.constant 128 : i32
    %scan3A_105 = arith.addi %scan3A_103, %scan3A_104 : i32
    %scan3A_106 = arith.constant 1 : i32
    %scan3A_107 = scf.for %scan3A_308 = %scan3A_103 to %scan3A_105 step %scan3A_106 iter_args(%scan3A_309 = %scan3A_100) -> (i32)  : i32 {
      %mul3A_310 = arith.constant 2 : i32
      %mul3A_311 = arith.muli %scan3A_308, %mul3A_310 : i32
      %add3A_312 = arith.constant 0 : i32
      %add3A_313 = arith.addi %mul3A_311, %add3A_312 : i32
      %mul3A_314 = arith.constant 16 : i32
      %mul3A_315 = arith.muli %add3A_313, %mul3A_314 : i32
      %get3A = arith.index_cast %mul3A_315 : i32 to index
      %get3A_316 = tpu.vector_load %arg8[%get3A] {strides = array<i32>} : memref<4096xi32, #tpu.memory_space<vmem>>, vector<16xi32>,
      %ge3A = arith.cmpi sge, %get3A_316, %add3A_16 : vector<16xi32>
      %lt3A_317 = arith.cmpi slt, %get3A_316, %add3A_20 : vector<16xi32>
      %and3A_318 = arith.andi %ge3A, %lt3A_317 : vector<16xi1>
      %sub3A_319 = arith.subi %get3A_316, %add3A_16 : vector<16xi32>
      %shift_left3A = arith.constant 14 : i32
      %shift_left3A_320 = vector.broadcast %shift_left3A : i32 to vector<16xi32>
      %shift_left3A_321 = arith.shli %sub3A_319, %shift_left3A_320 : vector<16xi32>
      %mul3A_322 = arith.constant 16 : i32
      %mul3A_323 = arith.muli %add3A_313, %mul3A_322 : i32
      %add3A_324 = arith.addi %scan3A_102, %mul3A_323 : i32
      %add3A_325 = vector.broadcast %add3A_324 : i32 to vector<16xi32>
      %add3A_326 = arith.addi %add3A_325, %iota3A : vector<16xi32>
      %or3A = arith.ori %shift_left3A_321, %add3A_326 : vector<16xi32>
      %swap3A_327 = arith.index_cast %scan3A_309 : i32 to index
      %swap3A_328 = tpu.vector_load %arg9[%swap3A_327] masked %and3A_318 {strides = array<i32>} : memref<16400xi32, #tpu.memory_space<vmem>>, vector<16xi32>, vector<16xi1>
      tpu.vector_store %arg9[%swap3A_327], %or3A masked %and3A_318 {strides = array<i32>} : memref<16400xi32, #tpu.memory_space<vmem>>, vector<16xi32>, vector<16xi1>
      %all_reduce_population_count3A = tpu.all_reduce %and3A_318 {dim = 0 : i64, kind = #tpu.reduction_kind<sum>} : vector<16xi1> -> vector<16xi32>
      %reduce_max3A = arith.constant true
      %reduce_max3A_329 = vector.broadcast %reduce_max3A : i1 to vector<16xi1>
      %reduce_max3A_330 = arith.constant -2147483648 : i32
      %reduce_max3A_331 = vector.broadcast %reduce_max3A_330 : i32 to vector<16xi32>
      %reduce_max3A_332 = arith.xori %all_reduce_population_count3A, %reduce_max3A_331 : vector<16xi32>
      %reduce_max3A_333 = tpu.scan <max>, %reduce_max3A_332 masked %reduce_max3A_329 : vector<16xi32>, vector<16xi1> -> vector<16xi32>
      %reduce_max3A_334 = arith.xori %reduce_max3A_333, %reduce_max3A_331 : vector<16xi32>
      %reduce_max3A_335 = vector.extract %reduce_max3A_334[15] : i32 from vector<16xi32>
      %add3A_336 = arith.addi %scan3A_309, %reduce_max3A_335 : i32
      %mul3A_337 = arith.constant 2 : i32
      %mul3A_338 = arith.muli %scan3A_308, %mul3A_337 : i32
      %add3A_339 = arith.constant 1 : i32
      %add3A_340 = arith.addi %mul3A_338, %add3A_339 : i32
      %mul3A_341 = arith.constant 16 : i32
      %mul3A_342 = arith.muli %add3A_340, %mul3A_341 : i32
      %get3A_343 = arith.index_cast %mul3A_342 : i32 to index
      %get3A_344 = tpu.vector_load %arg8[%get3A_343] {strides = array<i32>} : memref<4096xi32, #tpu.memory_space<vmem>>, vector<16xi32>,
      %ge3A_345 = arith.cmpi sge, %get3A_344, %add3A_16 : vector<16xi32>
      %lt3A_346 = arith.cmpi slt, %get3A_344, %add3A_20 : vector<16xi32>
      %and3A_347 = arith.andi %ge3A_345, %lt3A_346 : vector<16xi1>
      %sub3A_348 = arith.subi %get3A_344, %add3A_16 : vector<16xi32>
      %shift_left3A_349 = arith.constant 14 : i32
      %shift_left3A_350 = vector.broadcast %shift_left3A_349 : i32 to vector<16xi32>
      %shift_left3A_351 = arith.shli %sub3A_348, %shift_left3A_350 : vector<16xi32>
      %mul3A_352 = arith.constant 16 : i32
      %mul3A_353 = arith.muli %add3A_340, %mul3A_352 : i32
      %add3A_354 = arith.addi %scan3A_102, %mul3A_353 : i32
      %add3A_355 = vector.broadcast %add3A_354 : i32 to vector<16xi32>
      %add3A_356 = arith.addi %add3A_355, %iota3A : vector<16xi32>
      %or3A_357 = arith.ori %shift_left3A_351, %add3A_356 : vector<16xi32>
      %swap3A_358 = arith.index_cast %add3A_336 : i32 to index
      %swap3A_359 = tpu.vector_load %arg9[%swap3A_358] masked %and3A_347 {strides = array<i32>} : memref<16400xi32, #tpu.memory_space<vmem>>, vector<16xi32>, vector<16xi1>
      tpu.vector_store %arg9[%swap3A_358], %or3A_357 masked %and3A_347 {strides = array<i32>} : memref<16400xi32, #tpu.memory_space<vmem>>, vector<16xi32>, vector<16xi1>
      %all_reduce_population_count3A_360 = tpu.all_reduce %and3A_347 {dim = 0 : i64, kind = #tpu.reduction_kind<sum>} : vector<16xi1> -> vector<16xi32>
      %reduce_max3A_361 = arith.constant true
      %reduce_max3A_362 = vector.broadcast %reduce_max3A_361 : i1 to vector<16xi1>
      %reduce_max3A_363 = arith.constant -2147483648 : i32
      %reduce_max3A_364 = vector.broadcast %reduce_max3A_363 : i32 to vector<16xi32>
      %reduce_max3A_365 = arith.xori %all_reduce_population_count3A_360, %reduce_max3A_364 : vector<16xi32>
      %reduce_max3A_366 = tpu.scan <max>, %reduce_max3A_365 masked %reduce_max3A_362 : vector<16xi32>, vector<16xi1> -> vector<16xi32>
      %reduce_max3A_367 = arith.xori %reduce_max3A_366, %reduce_max3A_364 : vector<16xi32>
      %reduce_max3A_368 = vector.extract %reduce_max3A_367[15] : i32 from vector<16xi32>
      %add3A_369 = arith.addi %add3A_336, %reduce_max3A_368 : i32
      scf.yield %add3A_369 : i32
    }
    %scan3A_108 = arith.constant 128 : i32
    %broadcast_in_dim3A_109 = arith.constant -1 : i32
    "tpu.trace_stop"() : () -> ()
    %broadcast_in_dim3A_110 = vector.broadcast %broadcast_in_dim3A_109 : i32 to vector<16xi32>
    %swap3A = arith.index_cast %scan3A_107 : i32 to index
    %swap3A_111 = tpu.vector_load %arg9[%swap3A] {strides = array<i32>} : memref<16400xi32, #tpu.memory_space<vmem>>, vector<16xi32>,
    tpu.vector_store %arg9[%swap3A], %broadcast_in_dim3A_110 {strides = array<i32>} : memref<16400xi32, #tpu.memory_space<vmem>>, vector<16xi32>,
    %add3A_112 = arith.constant 15 : i32
    %add3A_113 = arith.addi %scan3A_107, %add3A_112 : i32
    %jit3A_114 = arith.constant 16 : i32
    %div3A = arith.divsi %add3A_113, %jit3A_114 : i32
    %sign3A = arith.constant 0 : i32
    %sign3A_115 = arith.cmpi sgt, %add3A_113, %sign3A : i32
    %sign3A_116 = arith.extui %sign3A_115 : i1 to i32
    %sign3A_117 = arith.constant 0 : i32
    %sign3A_118 = arith.cmpi slt, %add3A_113, %sign3A_117 : i32
    %sign3A_119 = arith.extui %sign3A_118 : i1 to i32
    %sign3A_120 = arith.subi %sign3A_116, %sign3A_119 : i32
    %sign3A_121 = arith.constant 0 : i32
    %sign3A_122 = arith.cmpi sgt, %jit3A_114, %sign3A_121 : i32
    %sign3A_123 = arith.extui %sign3A_122 : i1 to i32
    %sign3A_124 = arith.constant 0 : i32
    %sign3A_125 = arith.cmpi slt, %jit3A_114, %sign3A_124 : i32
    %sign3A_126 = arith.extui %sign3A_125 : i1 to i32
    %sign3A_127 = arith.subi %sign3A_123, %sign3A_126 : i32
    %ne3A = arith.cmpi ne, %sign3A_120, %sign3A_127 : i32
    %rem3A = arith.remsi %add3A_113, %jit3A_114 : i32
    %ne3A_128 = arith.constant 0 : i32
    %ne3A_129 = arith.cmpi ne, %rem3A, %ne3A_128 : i32
    %and3A = arith.andi %ne3A, %ne3A_129 : i1
    %sub3A_130 = arith.constant 1 : i32
    %sub3A_131 = arith.subi %div3A, %sub3A_130 : i32
    %select_n3A_132 = arith.select %and3A, %sub3A_131, %div3A : i32
    "tpu.trace_start"() <{level = 10 : i32, message = "stream"}> : () -> ()
    %scan3A_133 = arith.constant 0 : i32
    %scan3A_134 = arith.constant 0 : i32
    %scan3A_135 = arith.constant 3 : i32
    %scan3A_136 = arith.addi %scan3A_134, %scan3A_135 : i32
    %scan3A_137 = arith.constant 1 : i32
    %scan3A_138 = scf.for %scan3A_308 = %scan3A_134 to %scan3A_136 step %scan3A_137 iter_args(%scan3A_309 = %scan3A_133) -> (i32)  : i32 {
      %and3A_310 = arith.constant 1 : i32
      %and3A_311 = arith.andi %scan3A_308, %and3A_310 : i32
      %dma_wait3A = arith.constant 0 : i32
      %dma_wait3A_312 = arith.constant 0 : i32
      %dma_wait3A_313 = tpu.memref_slice %arg10[%and3A_311, %dma_wait3A, %dma_wait3A_312] : memref<2x32x1536xf32, #tpu.memory_space<vmem>> -> memref<1x32x1536xf32, #tpu.memory_space<vmem>>
      %dma_wait3A_314 = tpu.memref_squeeze %dma_wait3A_313 : memref<1x32x1536xf32, #tpu.memory_space<vmem>> -> memref<32x1536xf32, #tpu.memory_space<vmem>>
      %dma_wait3A_315 = arith.constant 0 : i32
      %dma_wait3A_316 = arith.constant 0 : i32
      %dma_wait3A_317 = tpu.memref_slice %arg2[%dma_wait3A_315, %dma_wait3A_316] : memref<32x100000xf32, #tpu.memory_space<hbm>> -> memref<32x1536xf32, #tpu.memory_space<hbm>>
      %dma_wait3A_318 = arith.constant 0 : i32
      %dma_wait3A_319 = arith.constant 0 : i32
      %dma_wait3A_320 = tpu.memref_slice %arg10[%and3A_311, %dma_wait3A_318, %dma_wait3A_319] : memref<2x32x1536xf32, #tpu.memory_space<vmem>> -> memref<1x32x1536xf32, #tpu.memory_space<vmem>>
      %dma_wait3A_321 = tpu.memref_squeeze %dma_wait3A_320 : memref<1x32x1536xf32, #tpu.memory_space<vmem>> -> memref<32x1536xf32, #tpu.memory_space<vmem>>
      %dma_wait3A_322 = arith.constant 0 : i32
      %dma_wait3A_323 = arith.constant 0 : i32
      %dma_wait3A_324 = tpu.memref_slice %arg2[%dma_wait3A_322, %dma_wait3A_323] : memref<32x100000xf32, #tpu.memory_space<hbm>> -> memref<32x1536xf32, #tpu.memory_space<hbm>>
      tpu.wait_dma2 semaphore(%arg14 : memref<!tpu.dma_semaphore, #tpu.memory_space<semaphore_mem>>) src(%dma_wait3A_324 : memref<32x1536xf32, #tpu.memory_space<hbm>>) dst(%dma_wait3A_321 : memref<32x1536xf32, #tpu.memory_space<vmem>>)
      %mul3A_325 = arith.constant 1536 : i32
      %mul3A_326 = arith.muli %scan3A_308, %mul3A_325 : i32
      %add3A_327 = arith.addi %mul3A_10, %mul3A_326 : i32
      %sub3A_328 = arith.constant 1536 : i32
      %sub3A_329 = arith.subi %add3A_13, %sub3A_328 : i32
      %min3A_330 = arith.minsi %add3A_327, %sub3A_329 : i32
      %sub3A_331 = arith.subi %min3A_330, %mul3A_10 : i32
      %broadcast_in_dim3A_332 = arith.constant 0 : i32
      %broadcast_in_dim3A_333 = vector.broadcast %broadcast_in_dim3A_332 : i32 to vector<16xi32>
      %shift_left3A = arith.constant 14 : i32
      %shift_left3A_334 = arith.shli %sub3A_331, %shift_left3A : i32
      %add3A_335 = vector.broadcast %shift_left3A_334 : i32 to vector<16xi32>
      %add3A_336 = arith.addi %broadcast_in_dim3A_333, %add3A_335 : vector<16xi32>
      %broadcast_in_dim3A_337 = arith.constant 0 : i32
      %broadcast_in_dim3A_338 = vector.broadcast %broadcast_in_dim3A_337 : i32 to vector<16xi32>
      %add3A_339 = arith.constant 1536 : i32
      %add3A_340 = arith.addi %sub3A_331, %add3A_339 : i32
      %shift_left3A_341 = arith.constant 14 : i32
      %shift_left3A_342 = arith.shli %add3A_340, %shift_left3A_341 : i32
      %add3A_343 = vector.broadcast %shift_left3A_342 : i32 to vector<16xi32>
      %add3A_344 = arith.addi %broadcast_in_dim3A_338, %add3A_343 : vector<16xi32>
      %broadcast_in_dim3A_345 = arith.constant 0 : i32
      %broadcast_in_dim3A_346 = vector.broadcast %broadcast_in_dim3A_345 : i32 to vector<16xi32>
      %add3A_347 = vector.broadcast %sub3A_331 : i32 to vector<16xi32>
      %add3A_348 = arith.addi %broadcast_in_dim3A_346, %add3A_347 : vector<16xi32>
      %while3A = arith.constant 0 : i32
      %while3A_349 = arith.subi %select_n3A_132, %while3A : i32
      %while3A_350 = arith.addi %while3A, %while3A_349 : i32
      %while3A_351 = arith.constant 1 : i32
      %while3A_352 = arith.divsi %while3A_349, %while3A_351 : i32
      %while3A_353 = arith.muli %while3A_352, %while3A_351 : i32
      %while3A_354 = arith.addi %while3A, %while3A_353 : i32
      %while3A_355 = arith.constant 1 : i32
      %while3A_356 = scf.for %while3A_364 = %while3A to %while3A_354 step %while3A_355 iter_args(%while3A_365 = %scan3A_309) -> (i32)  : i32 {
        %mul3A_366 = arith.constant 16 : i32
        %mul3A_367 = arith.muli %while3A_364, %mul3A_366 : i32
        %get3A = arith.index_cast %mul3A_367 : i32 to index
        %get3A_368 = tpu.vector_load %arg9[%get3A] {strides = array<i32>} : memref<16400xi32, #tpu.memory_space<vmem>>, vector<16xi32>,
        %ge3A = arith.cmpi sge, %get3A_368, %add3A_336 : vector<16xi32>
        %lt3A_369 = arith.cmpi slt, %get3A_368, %add3A_344 : vector<16xi32>
        %and3A_370 = arith.andi %ge3A, %lt3A_369 : vector<16xi1>
        %reduce_or3A = arith.constant 1.000000e+00 : f32
        %reduce_or3A_371 = arith.constant 0.000000e+00 : f32
        %reduce_or3A_372 = vector.broadcast %reduce_or3A : f32 to vector<16xf32>
        %reduce_or3A_373 = vector.broadcast %reduce_or3A_371 : f32 to vector<16xf32>
        %reduce_or3A_374 = arith.select %and3A_370, %reduce_or3A_372, %reduce_or3A_373 : vector<16xi1>, vector<16xf32>
        %reduce_or3A_375 = arith.constant true
        %reduce_or3A_376 = vector.broadcast %reduce_or3A_375 : i1 to vector<16xi1>
        %reduce_or3A_377 = tpu.scan <max>, %reduce_or3A_374 masked %reduce_or3A_376 : vector<16xf32>, vector<16xi1> -> vector<16xf32>
        %reduce_or3A_378 = vector.extract %reduce_or3A_377[15] : f32 from vector<16xf32>
        %reduce_or3A_379 = arith.constant 0.000000e+00 : f32
        %reduce_or3A_380 = arith.cmpf ogt, %reduce_or3A_378, %reduce_or3A_379 : f32
        %convert_element_type3A_381 = arith.extui %reduce_or3A_380 : i1 to i32
        %cond3A_382 = arith.constant 0 : i32
        %cond3A_383 = arith.cmpi ne, %convert_element_type3A_381, %cond3A_382 : i32
        %cond3A_384 = scf.if %cond3A_383 -> (i32) {
          %and3A_385 = arith.constant 3 : i32
          %and3A_386 = arith.andi %while3A_365, %and3A_385 : i32
          %ge3A_387 = arith.constant 4 : i32
          %ge3A_388 = arith.cmpi sge, %while3A_365, %ge3A_387 : i32
          %convert_element_type3A_389 = arith.extui %ge3A_388 : i1 to i32
          %cond3A_390 = arith.constant 0 : i32
          %cond3A_391 = arith.cmpi ne, %convert_element_type3A_389, %cond3A_390 : i32
          scf.if %cond3A_391 {
            %mul3A_525 = arith.constant 16 : i32
            %mul3A_526 = arith.muli %and3A_386, %mul3A_525 : i32
            %dma_wait3A_527 = arith.constant 0 : i32
            %dma_wait3A_528 = tpu.memref_slice %arg11[%mul3A_526, %dma_wait3A_527] : memref<64x128xf32, #tpu.memory_space<vmem>> -> memref<16x128xf32, #tpu.memory_space<vmem>>
            %dma_wait3A_529 = arith.constant 0 : i32
            %dma_wait3A_530 = arith.constant 0 : i32
            %dma_wait3A_531 = tpu.memref_slice %arg6[%dma_wait3A_529, %dma_wait3A_530] : memref<16384x128xf32, #tpu.memory_space<hbm>> -> memref<16x128xf32, #tpu.memory_space<hbm>>
            %dma_wait3A_532 = arith.constant 0 : i32
            %dma_wait3A_533 = tpu.memref_slice %arg11[%mul3A_526, %dma_wait3A_532] : memref<64x128xf32, #tpu.memory_space<vmem>> -> memref<16x128xf32, #tpu.memory_space<vmem>>
            %dma_wait3A_534 = arith.constant 0 : i32
            %dma_wait3A_535 = arith.constant 0 : i32
            %dma_wait3A_536 = tpu.memref_slice %arg6[%dma_wait3A_534, %dma_wait3A_535] : memref<16384x128xf32, #tpu.memory_space<hbm>> -> memref<16x128xf32, #tpu.memory_space<hbm>>
            tpu.wait_dma2 semaphore(%arg13 : memref<!tpu.dma_semaphore, #tpu.memory_space<semaphore_mem>>) src(%dma_wait3A_536 : memref<16x128xf32, #tpu.memory_space<hbm>>) dst(%dma_wait3A_533 : memref<16x128xf32, #tpu.memory_space<vmem>>)
          } else {
          }
          %shift_right_logical3A = arith.constant 14 : i32
          %shift_right_logical3A_392 = vector.broadcast %shift_right_logical3A : i32 to vector<16xi32>
          %shift_right_logical3A_393 = arith.shrui %get3A_368, %shift_right_logical3A_392 : vector<16xi32>
          %sub3A_394 = arith.subi %shift_right_logical3A_393, %add3A_348 : vector<16xi32>
          %jit3A_395 = arith.constant 0 : i32
          %jit3A_396 = arith.constant 1535 : i32
          %max3A = vector.broadcast %jit3A_395 : i32 to vector<16xi32>
          %max3A_397 = arith.maxsi %max3A, %sub3A_394 : vector<16xi32>
          %min3A_398 = vector.broadcast %jit3A_396 : i32 to vector<16xi32>
          %min3A_399 = arith.minsi %min3A_398, %max3A_397 : vector<16xi32>
          %and3A_400 = arith.constant 16383 : i32
          %and3A_401 = vector.broadcast %and3A_400 : i32 to vector<16xi32>
          %and3A_402 = arith.andi %get3A_368, %and3A_401 : vector<16xi32>
          %mul3A_403 = arith.constant 16 : i32
          %mul3A_404 = arith.muli %and3A_386, %mul3A_403 : i32
          %add3A_405 = vector.broadcast %mul3A_404 : i32 to vector<16xi32>
          %add3A_406 = arith.addi %add3A_405, %iota3A : vector<16xi32>
          %broadcast_in_dim3A_407 = arith.constant 0 : i32
          %broadcast_in_dim3A_408 = vector.broadcast %broadcast_in_dim3A_407 : i32 to vector<16xi32>
          %add3A_409 = vector.broadcast %and3A_311 : i32 to vector<16xi32>
          %add3A_410 = arith.addi %broadcast_in_dim3A_408, %add3A_409 : vector<16xi32>
          %broadcast_in_dim3A_411 = arith.constant 0 : i32
          %broadcast_in_dim3A_412 = vector.broadcast %broadcast_in_dim3A_411 : i32 to vector<16xi32>
          %gather3A = tpu.vector_load_idx %arg10[%add3A_410, %broadcast_in_dim3A_412, %min3A_399] : memref<2x32x1536xf32, #tpu.memory_space<vmem>>[vector<16xi32>, vector<16xi32>, vector<16xi32>], vector<16xf32>,
          tpu.vector_store_idx %arg11[%add3A_406, %broadcast_in_dim3A_412], %gather3A : memref<64x128xf32, #tpu.memory_space<vmem>>[vector<16xi32>, vector<16xi32>], vector<16xf32>,
          %broadcast_in_dim3A_413 = arith.constant 1 : i32
          %broadcast_in_dim3A_414 = vector.broadcast %broadcast_in_dim3A_413 : i32 to vector<16xi32>
          %gather3A_415 = tpu.vector_load_idx %arg10[%add3A_410, %broadcast_in_dim3A_414, %min3A_399] : memref<2x32x1536xf32, #tpu.memory_space<vmem>>[vector<16xi32>, vector<16xi32>, vector<16xi32>], vector<16xf32>,
          tpu.vector_store_idx %arg11[%add3A_406, %broadcast_in_dim3A_414], %gather3A_415 : memref<64x128xf32, #tpu.memory_space<vmem>>[vector<16xi32>, vector<16xi32>], vector<16xf32>,
          %broadcast_in_dim3A_416 = arith.constant 2 : i32
          %broadcast_in_dim3A_417 = vector.broadcast %broadcast_in_dim3A_416 : i32 to vector<16xi32>
          %gather3A_418 = tpu.vector_load_idx %arg10[%add3A_410, %broadcast_in_dim3A_417, %min3A_399] : memref<2x32x1536xf32, #tpu.memory_space<vmem>>[vector<16xi32>, vector<16xi32>, vector<16xi32>], vector<16xf32>,
          tpu.vector_store_idx %arg11[%add3A_406, %broadcast_in_dim3A_417], %gather3A_418 : memref<64x128xf32, #tpu.memory_space<vmem>>[vector<16xi32>, vector<16xi32>], vector<16xf32>,
          %broadcast_in_dim3A_419 = arith.constant 3 : i32
          %broadcast_in_dim3A_420 = vector.broadcast %broadcast_in_dim3A_419 : i32 to vector<16xi32>
          %gather3A_421 = tpu.vector_load_idx %arg10[%add3A_410, %broadcast_in_dim3A_420, %min3A_399] : memref<2x32x1536xf32, #tpu.memory_space<vmem>>[vector<16xi32>, vector<16xi32>, vector<16xi32>], vector<16xf32>,
          tpu.vector_store_idx %arg11[%add3A_406, %broadcast_in_dim3A_420], %gather3A_421 : memref<64x128xf32, #tpu.memory_space<vmem>>[vector<16xi32>, vector<16xi32>], vector<16xf32>,
          %broadcast_in_dim3A_422 = arith.constant 4 : i32
          %broadcast_in_dim3A_423 = vector.broadcast %broadcast_in_dim3A_422 : i32 to vector<16xi32>
          %gather3A_424 = tpu.vector_load_idx %arg10[%add3A_410, %broadcast_in_dim3A_423, %min3A_399] : memref<2x32x1536xf32, #tpu.memory_space<vmem>>[vector<16xi32>, vector<16xi32>, vector<16xi32>], vector<16xf32>,
          tpu.vector_store_idx %arg11[%add3A_406, %broadcast_in_dim3A_423], %gather3A_424 : memref<64x128xf32, #tpu.memory_space<vmem>>[vector<16xi32>, vector<16xi32>], vector<16xf32>,
          %broadcast_in_dim3A_425 = arith.constant 5 : i32
          %broadcast_in_dim3A_426 = vector.broadcast %broadcast_in_dim3A_425 : i32 to vector<16xi32>
          %gather3A_427 = tpu.vector_load_idx %arg10[%add3A_410, %broadcast_in_dim3A_426, %min3A_399] : memref<2x32x1536xf32, #tpu.memory_space<vmem>>[vector<16xi32>, vector<16xi32>, vector<16xi32>], vector<16xf32>,
          tpu.vector_store_idx %arg11[%add3A_406, %broadcast_in_dim3A_426], %gather3A_427 : memref<64x128xf32, #tpu.memory_space<vmem>>[vector<16xi32>, vector<16xi32>], vector<16xf32>,
          %broadcast_in_dim3A_428 = arith.constant 6 : i32
          %broadcast_in_dim3A_429 = vector.broadcast %broadcast_in_dim3A_428 : i32 to vector<16xi32>
          %gather3A_430 = tpu.vector_load_idx %arg10[%add3A_410, %broadcast_in_dim3A_429, %min3A_399] : memref<2x32x1536xf32, #tpu.memory_space<vmem>>[vector<16xi32>, vector<16xi32>, vector<16xi32>], vector<16xf32>,
          tpu.vector_store_idx %arg11[%add3A_406, %broadcast_in_dim3A_429], %gather3A_430 : memref<64x128xf32, #tpu.memory_space<vmem>>[vector<16xi32>, vector<16xi32>], vector<16xf32>,
          %broadcast_in_dim3A_431 = arith.constant 7 : i32
          %broadcast_in_dim3A_432 = vector.broadcast %broadcast_in_dim3A_431 : i32 to vector<16xi32>
          %gather3A_433 = tpu.vector_load_idx %arg10[%add3A_410, %broadcast_in_dim3A_432, %min3A_399] : memref<2x32x1536xf32, #tpu.memory_space<vmem>>[vector<16xi32>, vector<16xi32>, vector<16xi32>], vector<16xf32>,
          tpu.vector_store_idx %arg11[%add3A_406, %broadcast_in_dim3A_432], %gather3A_433 : memref<64x128xf32, #tpu.memory_space<vmem>>[vector<16xi32>, vector<16xi32>], vector<16xf32>,
          %broadcast_in_dim3A_434 = arith.constant 8 : i32
          %broadcast_in_dim3A_435 = vector.broadcast %broadcast_in_dim3A_434 : i32 to vector<16xi32>
          %gather3A_436 = tpu.vector_load_idx %arg10[%add3A_410, %broadcast_in_dim3A_435, %min3A_399] : memref<2x32x1536xf32, #tpu.memory_space<vmem>>[vector<16xi32>, vector<16xi32>, vector<16xi32>], vector<16xf32>,
          tpu.vector_store_idx %arg11[%add3A_406, %broadcast_in_dim3A_435], %gather3A_436 : memref<64x128xf32, #tpu.memory_space<vmem>>[vector<16xi32>, vector<16xi32>], vector<16xf32>,
          %broadcast_in_dim3A_437 = arith.constant 9 : i32
          %broadcast_in_dim3A_438 = vector.broadcast %broadcast_in_dim3A_437 : i32 to vector<16xi32>
          %gather3A_439 = tpu.vector_load_idx %arg10[%add3A_410, %broadcast_in_dim3A_438, %min3A_399] : memref<2x32x1536xf32, #tpu.memory_space<vmem>>[vector<16xi32>, vector<16xi32>, vector<16xi32>], vector<16xf32>,
          tpu.vector_store_idx %arg11[%add3A_406, %broadcast_in_dim3A_438], %gather3A_439 : memref<64x128xf32, #tpu.memory_space<vmem>>[vector<16xi32>, vector<16xi32>], vector<16xf32>,
          %broadcast_in_dim3A_440 = arith.constant 10 : i32
          %broadcast_in_dim3A_441 = vector.broadcast %broadcast_in_dim3A_440 : i32 to vector<16xi32>
          %gather3A_442 = tpu.vector_load_idx %arg10[%add3A_410, %broadcast_in_dim3A_441, %min3A_399] : memref<2x32x1536xf32, #tpu.memory_space<vmem>>[vector<16xi32>, vector<16xi32>, vector<16xi32>], vector<16xf32>,
          tpu.vector_store_idx %arg11[%add3A_406, %broadcast_in_dim3A_441], %gather3A_442 : memref<64x128xf32, #tpu.memory_space<vmem>>[vector<16xi32>, vector<16xi32>], vector<16xf32>,
          %broadcast_in_dim3A_443 = arith.constant 11 : i32
          %broadcast_in_dim3A_444 = vector.broadcast %broadcast_in_dim3A_443 : i32 to vector<16xi32>
          %gather3A_445 = tpu.vector_load_idx %arg10[%add3A_410, %broadcast_in_dim3A_444, %min3A_399] : memref<2x32x1536xf32, #tpu.memory_space<vmem>>[vector<16xi32>, vector<16xi32>, vector<16xi32>], vector<16xf32>,
          tpu.vector_store_idx %arg11[%add3A_406, %broadcast_in_dim3A_444], %gather3A_445 : memref<64x128xf32, #tpu.memory_space<vmem>>[vector<16xi32>, vector<16xi32>], vector<16xf32>,
          %broadcast_in_dim3A_446 = arith.constant 12 : i32
          %broadcast_in_dim3A_447 = vector.broadcast %broadcast_in_dim3A_446 : i32 to vector<16xi32>
          %gather3A_448 = tpu.vector_load_idx %arg10[%add3A_410, %broadcast_in_dim3A_447, %min3A_399] : memref<2x32x1536xf32, #tpu.memory_space<vmem>>[vector<16xi32>, vector<16xi32>, vector<16xi32>], vector<16xf32>,
          tpu.vector_store_idx %arg11[%add3A_406, %broadcast_in_dim3A_447], %gather3A_448 : memref<64x128xf32, #tpu.memory_space<vmem>>[vector<16xi32>, vector<16xi32>], vector<16xf32>,
          %broadcast_in_dim3A_449 = arith.constant 13 : i32
          %broadcast_in_dim3A_450 = vector.broadcast %broadcast_in_dim3A_449 : i32 to vector<16xi32>
          %gather3A_451 = tpu.vector_load_idx %arg10[%add3A_410, %broadcast_in_dim3A_450, %min3A_399] : memref<2x32x1536xf32, #tpu.memory_space<vmem>>[vector<16xi32>, vector<16xi32>, vector<16xi32>], vector<16xf32>,
          tpu.vector_store_idx %arg11[%add3A_406, %broadcast_in_dim3A_450], %gather3A_451 : memref<64x128xf32, #tpu.memory_space<vmem>>[vector<16xi32>, vector<16xi32>], vector<16xf32>,
          %broadcast_in_dim3A_452 = arith.constant 14 : i32
          %broadcast_in_dim3A_453 = vector.broadcast %broadcast_in_dim3A_452 : i32 to vector<16xi32>
          %gather3A_454 = tpu.vector_load_idx %arg10[%add3A_410, %broadcast_in_dim3A_453, %min3A_399] : memref<2x32x1536xf32, #tpu.memory_space<vmem>>[vector<16xi32>, vector<16xi32>, vector<16xi32>], vector<16xf32>,
          tpu.vector_store_idx %arg11[%add3A_406, %broadcast_in_dim3A_453], %gather3A_454 : memref<64x128xf32, #tpu.memory_space<vmem>>[vector<16xi32>, vector<16xi32>], vector<16xf32>,
          %broadcast_in_dim3A_455 = arith.constant 15 : i32
          %broadcast_in_dim3A_456 = vector.broadcast %broadcast_in_dim3A_455 : i32 to vector<16xi32>
          %gather3A_457 = tpu.vector_load_idx %arg10[%add3A_410, %broadcast_in_dim3A_456, %min3A_399] : memref<2x32x1536xf32, #tpu.memory_space<vmem>>[vector<16xi32>, vector<16xi32>, vector<16xi32>], vector<16xf32>,
          tpu.vector_store_idx %arg11[%add3A_406, %broadcast_in_dim3A_456], %gather3A_457 : memref<64x128xf32, #tpu.memory_space<vmem>>[vector<16xi32>, vector<16xi32>], vector<16xf32>,
          %broadcast_in_dim3A_458 = arith.constant 16 : i32
          %broadcast_in_dim3A_459 = vector.broadcast %broadcast_in_dim3A_458 : i32 to vector<16xi32>
          %gather3A_460 = tpu.vector_load_idx %arg10[%add3A_410, %broadcast_in_dim3A_459, %min3A_399] : memref<2x32x1536xf32, #tpu.memory_space<vmem>>[vector<16xi32>, vector<16xi32>, vector<16xi32>], vector<16xf32>,
          tpu.vector_store_idx %arg11[%add3A_406, %broadcast_in_dim3A_459], %gather3A_460 : memref<64x128xf32, #tpu.memory_space<vmem>>[vector<16xi32>, vector<16xi32>], vector<16xf32>,
          %broadcast_in_dim3A_461 = arith.constant 17 : i32
          %broadcast_in_dim3A_462 = vector.broadcast %broadcast_in_dim3A_461 : i32 to vector<16xi32>
          %gather3A_463 = tpu.vector_load_idx %arg10[%add3A_410, %broadcast_in_dim3A_462, %min3A_399] : memref<2x32x1536xf32, #tpu.memory_space<vmem>>[vector<16xi32>, vector<16xi32>, vector<16xi32>], vector<16xf32>,
          tpu.vector_store_idx %arg11[%add3A_406, %broadcast_in_dim3A_462], %gather3A_463 : memref<64x128xf32, #tpu.memory_space<vmem>>[vector<16xi32>, vector<16xi32>], vector<16xf32>,
          %broadcast_in_dim3A_464 = arith.constant 18 : i32
          %broadcast_in_dim3A_465 = vector.broadcast %broadcast_in_dim3A_464 : i32 to vector<16xi32>
          %gather3A_466 = tpu.vector_load_idx %arg10[%add3A_410, %broadcast_in_dim3A_465, %min3A_399] : memref<2x32x1536xf32, #tpu.memory_space<vmem>>[vector<16xi32>, vector<16xi32>, vector<16xi32>], vector<16xf32>,
          tpu.vector_store_idx %arg11[%add3A_406, %broadcast_in_dim3A_465], %gather3A_466 : memref<64x128xf32, #tpu.memory_space<vmem>>[vector<16xi32>, vector<16xi32>], vector<16xf32>,
          %broadcast_in_dim3A_467 = arith.constant 19 : i32
          %broadcast_in_dim3A_468 = vector.broadcast %broadcast_in_dim3A_467 : i32 to vector<16xi32>
          %gather3A_469 = tpu.vector_load_idx %arg10[%add3A_410, %broadcast_in_dim3A_468, %min3A_399] : memref<2x32x1536xf32, #tpu.memory_space<vmem>>[vector<16xi32>, vector<16xi32>, vector<16xi32>], vector<16xf32>,
          tpu.vector_store_idx %arg11[%add3A_406, %broadcast_in_dim3A_468], %gather3A_469 : memref<64x128xf32, #tpu.memory_space<vmem>>[vector<16xi32>, vector<16xi32>], vector<16xf32>,
          %broadcast_in_dim3A_470 = arith.constant 20 : i32
          %broadcast_in_dim3A_471 = vector.broadcast %broadcast_in_dim3A_470 : i32 to vector<16xi32>
          %gather3A_472 = tpu.vector_load_idx %arg10[%add3A_410, %broadcast_in_dim3A_471, %min3A_399] : memref<2x32x1536xf32, #tpu.memory_space<vmem>>[vector<16xi32>, vector<16xi32>, vector<16xi32>], vector<16xf32>,
          tpu.vector_store_idx %arg11[%add3A_406, %broadcast_in_dim3A_471], %gather3A_472 : memref<64x128xf32, #tpu.memory_space<vmem>>[vector<16xi32>, vector<16xi32>], vector<16xf32>,
          %broadcast_in_dim3A_473 = arith.constant 21 : i32
          %broadcast_in_dim3A_474 = vector.broadcast %broadcast_in_dim3A_473 : i32 to vector<16xi32>
          %gather3A_475 = tpu.vector_load_idx %arg10[%add3A_410, %broadcast_in_dim3A_474, %min3A_399] : memref<2x32x1536xf32, #tpu.memory_space<vmem>>[vector<16xi32>, vector<16xi32>, vector<16xi32>], vector<16xf32>,
          tpu.vector_store_idx %arg11[%add3A_406, %broadcast_in_dim3A_474], %gather3A_475 : memref<64x128xf32, #tpu.memory_space<vmem>>[vector<16xi32>, vector<16xi32>], vector<16xf32>,
          %broadcast_in_dim3A_476 = arith.constant 22 : i32
          %broadcast_in_dim3A_477 = vector.broadcast %broadcast_in_dim3A_476 : i32 to vector<16xi32>
          %gather3A_478 = tpu.vector_load_idx %arg10[%add3A_410, %broadcast_in_dim3A_477, %min3A_399] : memref<2x32x1536xf32, #tpu.memory_space<vmem>>[vector<16xi32>, vector<16xi32>, vector<16xi32>], vector<16xf32>,
          tpu.vector_store_idx %arg11[%add3A_406, %broadcast_in_dim3A_477], %gather3A_478 : memref<64x128xf32, #tpu.memory_space<vmem>>[vector<16xi32>, vector<16xi32>], vector<16xf32>,
          %broadcast_in_dim3A_479 = arith.constant 23 : i32
          %broadcast_in_dim3A_480 = vector.broadcast %broadcast_in_dim3A_479 : i32 to vector<16xi32>
          %gather3A_481 = tpu.vector_load_idx %arg10[%add3A_410, %broadcast_in_dim3A_480, %min3A_399] : memref<2x32x1536xf32, #tpu.memory_space<vmem>>[vector<16xi32>, vector<16xi32>, vector<16xi32>], vector<16xf32>,
          tpu.vector_store_idx %arg11[%add3A_406, %broadcast_in_dim3A_480], %gather3A_481 : memref<64x128xf32, #tpu.memory_space<vmem>>[vector<16xi32>, vector<16xi32>], vector<16xf32>,
          %broadcast_in_dim3A_482 = arith.constant 24 : i32
          %broadcast_in_dim3A_483 = vector.broadcast %broadcast_in_dim3A_482 : i32 to vector<16xi32>
          %gather3A_484 = tpu.vector_load_idx %arg10[%add3A_410, %broadcast_in_dim3A_483, %min3A_399] : memref<2x32x1536xf32, #tpu.memory_space<vmem>>[vector<16xi32>, vector<16xi32>, vector<16xi32>], vector<16xf32>,
          tpu.vector_store_idx %arg11[%add3A_406, %broadcast_in_dim3A_483], %gather3A_484 : memref<64x128xf32, #tpu.memory_space<vmem>>[vector<16xi32>, vector<16xi32>], vector<16xf32>,
          %broadcast_in_dim3A_485 = arith.constant 25 : i32
          %broadcast_in_dim3A_486 = vector.broadcast %broadcast_in_dim3A_485 : i32 to vector<16xi32>
          %gather3A_487 = tpu.vector_load_idx %arg10[%add3A_410, %broadcast_in_dim3A_486, %min3A_399] : memref<2x32x1536xf32, #tpu.memory_space<vmem>>[vector<16xi32>, vector<16xi32>, vector<16xi32>], vector<16xf32>,
          tpu.vector_store_idx %arg11[%add3A_406, %broadcast_in_dim3A_486], %gather3A_487 : memref<64x128xf32, #tpu.memory_space<vmem>>[vector<16xi32>, vector<16xi32>], vector<16xf32>,
          %broadcast_in_dim3A_488 = arith.constant 26 : i32
          %broadcast_in_dim3A_489 = vector.broadcast %broadcast_in_dim3A_488 : i32 to vector<16xi32>
          %gather3A_490 = tpu.vector_load_idx %arg10[%add3A_410, %broadcast_in_dim3A_489, %min3A_399] : memref<2x32x1536xf32, #tpu.memory_space<vmem>>[vector<16xi32>, vector<16xi32>, vector<16xi32>], vector<16xf32>,
          tpu.vector_store_idx %arg11[%add3A_406, %broadcast_in_dim3A_489], %gather3A_490 : memref<64x128xf32, #tpu.memory_space<vmem>>[vector<16xi32>, vector<16xi32>], vector<16xf32>,
          %broadcast_in_dim3A_491 = arith.constant 27 : i32
          %broadcast_in_dim3A_492 = vector.broadcast %broadcast_in_dim3A_491 : i32 to vector<16xi32>
          %gather3A_493 = tpu.vector_load_idx %arg10[%add3A_410, %broadcast_in_dim3A_492, %min3A_399] : memref<2x32x1536xf32, #tpu.memory_space<vmem>>[vector<16xi32>, vector<16xi32>, vector<16xi32>], vector<16xf32>,
          tpu.vector_store_idx %arg11[%add3A_406, %broadcast_in_dim3A_492], %gather3A_493 : memref<64x128xf32, #tpu.memory_space<vmem>>[vector<16xi32>, vector<16xi32>], vector<16xf32>,
          %broadcast_in_dim3A_494 = arith.constant 28 : i32
          %broadcast_in_dim3A_495 = vector.broadcast %broadcast_in_dim3A_494 : i32 to vector<16xi32>
          %gather3A_496 = tpu.vector_load_idx %arg10[%add3A_410, %broadcast_in_dim3A_495, %min3A_399] : memref<2x32x1536xf32, #tpu.memory_space<vmem>>[vector<16xi32>, vector<16xi32>, vector<16xi32>], vector<16xf32>,
          tpu.vector_store_idx %arg11[%add3A_406, %broadcast_in_dim3A_495], %gather3A_496 : memref<64x128xf32, #tpu.memory_space<vmem>>[vector<16xi32>, vector<16xi32>], vector<16xf32>,
          %broadcast_in_dim3A_497 = arith.constant 29 : i32
          %broadcast_in_dim3A_498 = vector.broadcast %broadcast_in_dim3A_497 : i32 to vector<16xi32>
          %gather3A_499 = tpu.vector_load_idx %arg10[%add3A_410, %broadcast_in_dim3A_498, %min3A_399] : memref<2x32x1536xf32, #tpu.memory_space<vmem>>[vector<16xi32>, vector<16xi32>, vector<16xi32>], vector<16xf32>,
          tpu.vector_store_idx %arg11[%add3A_406, %broadcast_in_dim3A_498], %gather3A_499 : memref<64x128xf32, #tpu.memory_space<vmem>>[vector<16xi32>, vector<16xi32>], vector<16xf32>,
          %broadcast_in_dim3A_500 = arith.constant 30 : i32
          %broadcast_in_dim3A_501 = vector.broadcast %broadcast_in_dim3A_500 : i32 to vector<16xi32>
          %gather3A_502 = tpu.vector_load_idx %arg10[%add3A_410, %broadcast_in_dim3A_501, %min3A_399] : memref<2x32x1536xf32, #tpu.memory_space<vmem>>[vector<16xi32>, vector<16xi32>, vector<16xi32>], vector<16xf32>,
          tpu.vector_store_idx %arg11[%add3A_406, %broadcast_in_dim3A_501], %gather3A_502 : memref<64x128xf32, #tpu.memory_space<vmem>>[vector<16xi32>, vector<16xi32>], vector<16xf32>,
          %broadcast_in_dim3A_503 = arith.constant 31 : i32
          %broadcast_in_dim3A_504 = vector.broadcast %broadcast_in_dim3A_503 : i32 to vector<16xi32>
          %gather3A_505 = tpu.vector_load_idx %arg10[%add3A_410, %broadcast_in_dim3A_504, %min3A_399] : memref<2x32x1536xf32, #tpu.memory_space<vmem>>[vector<16xi32>, vector<16xi32>, vector<16xi32>], vector<16xf32>,
          tpu.vector_store_idx %arg11[%add3A_406, %broadcast_in_dim3A_504], %gather3A_505 : memref<64x128xf32, #tpu.memory_space<vmem>>[vector<16xi32>, vector<16xi32>], vector<16xf32>,
          %jit3A_506 = arith.constant -1 : i32
          %broadcast_in_dim3A_507 = vector.broadcast %jit3A_506 : i32 to vector<16xi32>
          %select_n3A_508 = arith.select %and3A_370, %and3A_402, %broadcast_in_dim3A_507 : vector<16xi1>, vector<16xi32>
          %swap3A_509 = arith.index_cast %and3A_386 : i32 to index
          %swap3A_510 = arith.constant 0 : index
          %swap3A_511 = tpu.vector_load %arg12[%swap3A_509, %swap3A_510] {strides = array<i32>} : memref<4x16xi32, #tpu.memory_space<vmem>>, vector<16xi32>,
          tpu.vector_store %arg12[%swap3A_509, %swap3A_510], %select_n3A_508 {strides = array<i32>} : memref<4x16xi32, #tpu.memory_space<vmem>>, vector<16xi32>,
          %mul3A_512 = arith.constant 16 : i32
          %mul3A_513 = arith.muli %and3A_386, %mul3A_512 : i32
          %dma_start3A_514 = arith.constant 0 : i32
          %dma_start3A_515 = tpu.memref_slice %arg11[%mul3A_513, %dma_start3A_514] : memref<64x128xf32, #tpu.memory_space<vmem>> -> memref<16x128xf32, #tpu.memory_space<vmem>>
          %dma_start3A_516 = arith.constant 0 : i32
          %dma_start3A_517 = tpu.memref_slice %arg12[%and3A_386, %dma_start3A_516] : memref<4x16xi32, #tpu.memory_space<vmem>> -> memref<1x16xi32, #tpu.memory_space<vmem>>
          %dma_start3A_518 = tpu.memref_squeeze %dma_start3A_517 : memref<1x16xi32, #tpu.memory_space<vmem>> -> memref<16xi32, #tpu.memory_space<vmem>>
          %dma_start3A_519 = arith.constant 0 : i32
          %dma_start3A_520 = arith.constant 0 : i32
          %dma_start3A_521 = tpu.memref_slice %arg6[%dma_start3A_519, %dma_start3A_520] : memref<16384x128xf32, #tpu.memory_space<hbm>> -> memref<16384x128xf32, #tpu.memory_space<hbm>>
          %dma_start3A_522 = arith.constant -1 : i32
          tpu.enqueue_indirect_dma source(%dma_start3A_515 : memref<16x128xf32, #tpu.memory_space<vmem>>) target(%dma_start3A_521 : memref<16384x128xf32, #tpu.memory_space<hbm>>) offsets(%dma_start3A_518 : memref<16xi32, #tpu.memory_space<vmem>>) offset_filter(%dma_start3A_522) semaphore(%arg13 : memref<!tpu.dma_semaphore, #tpu.memory_space<semaphore_mem>>)
          %add3A_523 = arith.constant 1 : i32
          %add3A_524 = arith.addi %while3A_365, %add3A_523 : i32
          scf.yield %add3A_524 : i32
        } else {
          scf.yield %while3A_365 : i32
        }
        scf.yield %cond3A_384 : i32
      }
      %while3A_357 = arith.constant 1 : i32
      %while3A_358 = scf.for %while3A_364 = %while3A_354 to %while3A_350 step %while3A_357 iter_args(%while3A_365 = %while3A_356) -> (i32)  : i32 {
        %mul3A_366 = arith.constant 16 : i32
        %mul3A_367 = arith.muli %while3A_364, %mul3A_366 : i32
        %get3A = arith.index_cast %mul3A_367 : i32 to index
        %get3A_368 = tpu.vector_load %arg9[%get3A] {strides = array<i32>} : memref<16400xi32, #tpu.memory_space<vmem>>, vector<16xi32>,
        %ge3A = arith.cmpi sge, %get3A_368, %add3A_336 : vector<16xi32>
        %lt3A_369 = arith.cmpi slt, %get3A_368, %add3A_344 : vector<16xi32>
        %and3A_370 = arith.andi %ge3A, %lt3A_369 : vector<16xi1>
        %reduce_or3A = arith.constant 1.000000e+00 : f32
        %reduce_or3A_371 = arith.constant 0.000000e+00 : f32
        %reduce_or3A_372 = vector.broadcast %reduce_or3A : f32 to vector<16xf32>
        %reduce_or3A_373 = vector.broadcast %reduce_or3A_371 : f32 to vector<16xf32>
        %reduce_or3A_374 = arith.select %and3A_370, %reduce_or3A_372, %reduce_or3A_373 : vector<16xi1>, vector<16xf32>
        %reduce_or3A_375 = arith.constant true
        %reduce_or3A_376 = vector.broadcast %reduce_or3A_375 : i1 to vector<16xi1>
        %reduce_or3A_377 = tpu.scan <max>, %reduce_or3A_374 masked %reduce_or3A_376 : vector<16xf32>, vector<16xi1> -> vector<16xf32>
        %reduce_or3A_378 = vector.extract %reduce_or3A_377[15] : f32 from vector<16xf32>
        %reduce_or3A_379 = arith.constant 0.000000e+00 : f32
        %reduce_or3A_380 = arith.cmpf ogt, %reduce_or3A_378, %reduce_or3A_379 : f32
        %convert_element_type3A_381 = arith.extui %reduce_or3A_380 : i1 to i32
        %cond3A_382 = arith.constant 0 : i32
        %cond3A_383 = arith.cmpi ne, %convert_element_type3A_381, %cond3A_382 : i32
        %cond3A_384 = scf.if %cond3A_383 -> (i32) {
          %and3A_385 = arith.constant 3 : i32
          %and3A_386 = arith.andi %while3A_365, %and3A_385 : i32
          %ge3A_387 = arith.constant 4 : i32
          %ge3A_388 = arith.cmpi sge, %while3A_365, %ge3A_387 : i32
          %convert_element_type3A_389 = arith.extui %ge3A_388 : i1 to i32
          %cond3A_390 = arith.constant 0 : i32
          %cond3A_391 = arith.cmpi ne, %convert_element_type3A_389, %cond3A_390 : i32
          scf.if %cond3A_391 {
            %mul3A_525 = arith.constant 16 : i32
            %mul3A_526 = arith.muli %and3A_386, %mul3A_525 : i32
            %dma_wait3A_527 = arith.constant 0 : i32
            %dma_wait3A_528 = tpu.memref_slice %arg11[%mul3A_526, %dma_wait3A_527] : memref<64x128xf32, #tpu.memory_space<vmem>> -> memref<16x128xf32, #tpu.memory_space<vmem>>
            %dma_wait3A_529 = arith.constant 0 : i32
            %dma_wait3A_530 = arith.constant 0 : i32
            %dma_wait3A_531 = tpu.memref_slice %arg6[%dma_wait3A_529, %dma_wait3A_530] : memref<16384x128xf32, #tpu.memory_space<hbm>> -> memref<16x128xf32, #tpu.memory_space<hbm>>
            %dma_wait3A_532 = arith.constant 0 : i32
            %dma_wait3A_533 = tpu.memref_slice %arg11[%mul3A_526, %dma_wait3A_532] : memref<64x128xf32, #tpu.memory_space<vmem>> -> memref<16x128xf32, #tpu.memory_space<vmem>>
            %dma_wait3A_534 = arith.constant 0 : i32
            %dma_wait3A_535 = arith.constant 0 : i32
            %dma_wait3A_536 = tpu.memref_slice %arg6[%dma_wait3A_534, %dma_wait3A_535] : memref<16384x128xf32, #tpu.memory_space<hbm>> -> memref<16x128xf32, #tpu.memory_space<hbm>>
            tpu.wait_dma2 semaphore(%arg13 : memref<!tpu.dma_semaphore, #tpu.memory_space<semaphore_mem>>) src(%dma_wait3A_536 : memref<16x128xf32, #tpu.memory_space<hbm>>) dst(%dma_wait3A_533 : memref<16x128xf32, #tpu.memory_space<vmem>>)
          } else {
          }
          %shift_right_logical3A = arith.constant 14 : i32
          %shift_right_logical3A_392 = vector.broadcast %shift_right_logical3A : i32 to vector<16xi32>
          %shift_right_logical3A_393 = arith.shrui %get3A_368, %shift_right_logical3A_392 : vector<16xi32>
          %sub3A_394 = arith.subi %shift_right_logical3A_393, %add3A_348 : vector<16xi32>
          %jit3A_395 = arith.constant 0 : i32
          %jit3A_396 = arith.constant 1535 : i32
          %max3A = vector.broadcast %jit3A_395 : i32 to vector<16xi32>
          %max3A_397 = arith.maxsi %max3A, %sub3A_394 : vector<16xi32>
          %min3A_398 = vector.broadcast %jit3A_396 : i32 to vector<16xi32>
          %min3A_399 = arith.minsi %min3A_398, %max3A_397 : vector<16xi32>
          %and3A_400 = arith.constant 16383 : i32
          %and3A_401 = vector.broadcast %and3A_400 : i32 to vector<16xi32>
          %and3A_402 = arith.andi %get3A_368, %and3A_401 : vector<16xi32>
          %mul3A_403 = arith.constant 16 : i32
          %mul3A_404 = arith.muli %and3A_386, %mul3A_403 : i32
          %add3A_405 = vector.broadcast %mul3A_404 : i32 to vector<16xi32>
          %add3A_406 = arith.addi %add3A_405, %iota3A : vector<16xi32>
          %broadcast_in_dim3A_407 = arith.constant 0 : i32
          %broadcast_in_dim3A_408 = vector.broadcast %broadcast_in_dim3A_407 : i32 to vector<16xi32>
          %add3A_409 = vector.broadcast %and3A_311 : i32 to vector<16xi32>
          %add3A_410 = arith.addi %broadcast_in_dim3A_408, %add3A_409 : vector<16xi32>
          %broadcast_in_dim3A_411 = arith.constant 0 : i32
          %broadcast_in_dim3A_412 = vector.broadcast %broadcast_in_dim3A_411 : i32 to vector<16xi32>
          %gather3A = tpu.vector_load_idx %arg10[%add3A_410, %broadcast_in_dim3A_412, %min3A_399] : memref<2x32x1536xf32, #tpu.memory_space<vmem>>[vector<16xi32>, vector<16xi32>, vector<16xi32>], vector<16xf32>,
          tpu.vector_store_idx %arg11[%add3A_406, %broadcast_in_dim3A_412], %gather3A : memref<64x128xf32, #tpu.memory_space<vmem>>[vector<16xi32>, vector<16xi32>], vector<16xf32>,
          %broadcast_in_dim3A_413 = arith.constant 1 : i32
          %broadcast_in_dim3A_414 = vector.broadcast %broadcast_in_dim3A_413 : i32 to vector<16xi32>
          %gather3A_415 = tpu.vector_load_idx %arg10[%add3A_410, %broadcast_in_dim3A_414, %min3A_399] : memref<2x32x1536xf32, #tpu.memory_space<vmem>>[vector<16xi32>, vector<16xi32>, vector<16xi32>], vector<16xf32>,
          tpu.vector_store_idx %arg11[%add3A_406, %broadcast_in_dim3A_414], %gather3A_415 : memref<64x128xf32, #tpu.memory_space<vmem>>[vector<16xi32>, vector<16xi32>], vector<16xf32>,
          %broadcast_in_dim3A_416 = arith.constant 2 : i32
          %broadcast_in_dim3A_417 = vector.broadcast %broadcast_in_dim3A_416 : i32 to vector<16xi32>
          %gather3A_418 = tpu.vector_load_idx %arg10[%add3A_410, %broadcast_in_dim3A_417, %min3A_399] : memref<2x32x1536xf32, #tpu.memory_space<vmem>>[vector<16xi32>, vector<16xi32>, vector<16xi32>], vector<16xf32>,
          tpu.vector_store_idx %arg11[%add3A_406, %broadcast_in_dim3A_417], %gather3A_418 : memref<64x128xf32, #tpu.memory_space<vmem>>[vector<16xi32>, vector<16xi32>], vector<16xf32>,
          %broadcast_in_dim3A_419 = arith.constant 3 : i32
          %broadcast_in_dim3A_420 = vector.broadcast %broadcast_in_dim3A_419 : i32 to vector<16xi32>
          %gather3A_421 = tpu.vector_load_idx %arg10[%add3A_410, %broadcast_in_dim3A_420, %min3A_399] : memref<2x32x1536xf32, #tpu.memory_space<vmem>>[vector<16xi32>, vector<16xi32>, vector<16xi32>], vector<16xf32>,
          tpu.vector_store_idx %arg11[%add3A_406, %broadcast_in_dim3A_420], %gather3A_421 : memref<64x128xf32, #tpu.memory_space<vmem>>[vector<16xi32>, vector<16xi32>], vector<16xf32>,
          %broadcast_in_dim3A_422 = arith.constant 4 : i32
          %broadcast_in_dim3A_423 = vector.broadcast %broadcast_in_dim3A_422 : i32 to vector<16xi32>
          %gather3A_424 = tpu.vector_load_idx %arg10[%add3A_410, %broadcast_in_dim3A_423, %min3A_399] : memref<2x32x1536xf32, #tpu.memory_space<vmem>>[vector<16xi32>, vector<16xi32>, vector<16xi32>], vector<16xf32>,
          tpu.vector_store_idx %arg11[%add3A_406, %broadcast_in_dim3A_423], %gather3A_424 : memref<64x128xf32, #tpu.memory_space<vmem>>[vector<16xi32>, vector<16xi32>], vector<16xf32>,
          %broadcast_in_dim3A_425 = arith.constant 5 : i32
          %broadcast_in_dim3A_426 = vector.broadcast %broadcast_in_dim3A_425 : i32 to vector<16xi32>
          %gather3A_427 = tpu.vector_load_idx %arg10[%add3A_410, %broadcast_in_dim3A_426, %min3A_399] : memref<2x32x1536xf32, #tpu.memory_space<vmem>>[vector<16xi32>, vector<16xi32>, vector<16xi32>], vector<16xf32>,
          tpu.vector_store_idx %arg11[%add3A_406, %broadcast_in_dim3A_426], %gather3A_427 : memref<64x128xf32, #tpu.memory_space<vmem>>[vector<16xi32>, vector<16xi32>], vector<16xf32>,
          %broadcast_in_dim3A_428 = arith.constant 6 : i32
          %broadcast_in_dim3A_429 = vector.broadcast %broadcast_in_dim3A_428 : i32 to vector<16xi32>
          %gather3A_430 = tpu.vector_load_idx %arg10[%add3A_410, %broadcast_in_dim3A_429, %min3A_399] : memref<2x32x1536xf32, #tpu.memory_space<vmem>>[vector<16xi32>, vector<16xi32>, vector<16xi32>], vector<16xf32>,
          tpu.vector_store_idx %arg11[%add3A_406, %broadcast_in_dim3A_429], %gather3A_430 : memref<64x128xf32, #tpu.memory_space<vmem>>[vector<16xi32>, vector<16xi32>], vector<16xf32>,
          %broadcast_in_dim3A_431 = arith.constant 7 : i32
          %broadcast_in_dim3A_432 = vector.broadcast %broadcast_in_dim3A_431 : i32 to vector<16xi32>
          %gather3A_433 = tpu.vector_load_idx %arg10[%add3A_410, %broadcast_in_dim3A_432, %min3A_399] : memref<2x32x1536xf32, #tpu.memory_space<vmem>>[vector<16xi32>, vector<16xi32>, vector<16xi32>], vector<16xf32>,
          tpu.vector_store_idx %arg11[%add3A_406, %broadcast_in_dim3A_432], %gather3A_433 : memref<64x128xf32, #tpu.memory_space<vmem>>[vector<16xi32>, vector<16xi32>], vector<16xf32>,
          %broadcast_in_dim3A_434 = arith.constant 8 : i32
          %broadcast_in_dim3A_435 = vector.broadcast %broadcast_in_dim3A_434 : i32 to vector<16xi32>
          %gather3A_436 = tpu.vector_load_idx %arg10[%add3A_410, %broadcast_in_dim3A_435, %min3A_399] : memref<2x32x1536xf32, #tpu.memory_space<vmem>>[vector<16xi32>, vector<16xi32>, vector<16xi32>], vector<16xf32>,
          tpu.vector_store_idx %arg11[%add3A_406, %broadcast_in_dim3A_435], %gather3A_436 : memref<64x128xf32, #tpu.memory_space<vmem>>[vector<16xi32>, vector<16xi32>], vector<16xf32>,
          %broadcast_in_dim3A_437 = arith.constant 9 : i32
          %broadcast_in_dim3A_438 = vector.broadcast %broadcast_in_dim3A_437 : i32 to vector<16xi32>
          %gather3A_439 = tpu.vector_load_idx %arg10[%add3A_410, %broadcast_in_dim3A_438, %min3A_399] : memref<2x32x1536xf32, #tpu.memory_space<vmem>>[vector<16xi32>, vector<16xi32>, vector<16xi32>], vector<16xf32>,
          tpu.vector_store_idx %arg11[%add3A_406, %broadcast_in_dim3A_438], %gather3A_439 : memref<64x128xf32, #tpu.memory_space<vmem>>[vector<16xi32>, vector<16xi32>], vector<16xf32>,
          %broadcast_in_dim3A_440 = arith.constant 10 : i32
          %broadcast_in_dim3A_441 = vector.broadcast %broadcast_in_dim3A_440 : i32 to vector<16xi32>
          %gather3A_442 = tpu.vector_load_idx %arg10[%add3A_410, %broadcast_in_dim3A_441, %min3A_399] : memref<2x32x1536xf32, #tpu.memory_space<vmem>>[vector<16xi32>, vector<16xi32>, vector<16xi32>], vector<16xf32>,
          tpu.vector_store_idx %arg11[%add3A_406, %broadcast_in_dim3A_441], %gather3A_442 : memref<64x128xf32, #tpu.memory_space<vmem>>[vector<16xi32>, vector<16xi32>], vector<16xf32>,
          %broadcast_in_dim3A_443 = arith.constant 11 : i32
          %broadcast_in_dim3A_444 = vector.broadcast %broadcast_in_dim3A_443 : i32 to vector<16xi32>
          %gather3A_445 = tpu.vector_load_idx %arg10[%add3A_410, %broadcast_in_dim3A_444, %min3A_399] : memref<2x32x1536xf32, #tpu.memory_space<vmem>>[vector<16xi32>, vector<16xi32>, vector<16xi32>], vector<16xf32>,
          tpu.vector_store_idx %arg11[%add3A_406, %broadcast_in_dim3A_444], %gather3A_445 : memref<64x128xf32, #tpu.memory_space<vmem>>[vector<16xi32>, vector<16xi32>], vector<16xf32>,
          %broadcast_in_dim3A_446 = arith.constant 12 : i32
          %broadcast_in_dim3A_447 = vector.broadcast %broadcast_in_dim3A_446 : i32 to vector<16xi32>
          %gather3A_448 = tpu.vector_load_idx %arg10[%add3A_410, %broadcast_in_dim3A_447, %min3A_399] : memref<2x32x1536xf32, #tpu.memory_space<vmem>>[vector<16xi32>, vector<16xi32>, vector<16xi32>], vector<16xf32>,
          tpu.vector_store_idx %arg11[%add3A_406, %broadcast_in_dim3A_447], %gather3A_448 : memref<64x128xf32, #tpu.memory_space<vmem>>[vector<16xi32>, vector<16xi32>], vector<16xf32>,
          %broadcast_in_dim3A_449 = arith.constant 13 : i32
          %broadcast_in_dim3A_450 = vector.broadcast %broadcast_in_dim3A_449 : i32 to vector<16xi32>
          %gather3A_451 = tpu.vector_load_idx %arg10[%add3A_410, %broadcast_in_dim3A_450, %min3A_399] : memref<2x32x1536xf32, #tpu.memory_space<vmem>>[vector<16xi32>, vector<16xi32>, vector<16xi32>], vector<16xf32>,
          tpu.vector_store_idx %arg11[%add3A_406, %broadcast_in_dim3A_450], %gather3A_451 : memref<64x128xf32, #tpu.memory_space<vmem>>[vector<16xi32>, vector<16xi32>], vector<16xf32>,
          %broadcast_in_dim3A_452 = arith.constant 14 : i32
          %broadcast_in_dim3A_453 = vector.broadcast %broadcast_in_dim3A_452 : i32 to vector<16xi32>
          %gather3A_454 = tpu.vector_load_idx %arg10[%add3A_410, %broadcast_in_dim3A_453, %min3A_399] : memref<2x32x1536xf32, #tpu.memory_space<vmem>>[vector<16xi32>, vector<16xi32>, vector<16xi32>], vector<16xf32>,
          tpu.vector_store_idx %arg11[%add3A_406, %broadcast_in_dim3A_453], %gather3A_454 : memref<64x128xf32, #tpu.memory_space<vmem>>[vector<16xi32>, vector<16xi32>], vector<16xf32>,
          %broadcast_in_dim3A_455 = arith.constant 15 : i32
          %broadcast_in_dim3A_456 = vector.broadcast %broadcast_in_dim3A_455 : i32 to vector<16xi32>
          %gather3A_457 = tpu.vector_load_idx %arg10[%add3A_410, %broadcast_in_dim3A_456, %min3A_399] : memref<2x32x1536xf32, #tpu.memory_space<vmem>>[vector<16xi32>, vector<16xi32>, vector<16xi32>], vector<16xf32>,
          tpu.vector_store_idx %arg11[%add3A_406, %broadcast_in_dim3A_456], %gather3A_457 : memref<64x128xf32, #tpu.memory_space<vmem>>[vector<16xi32>, vector<16xi32>], vector<16xf32>,
          %broadcast_in_dim3A_458 = arith.constant 16 : i32
          %broadcast_in_dim3A_459 = vector.broadcast %broadcast_in_dim3A_458 : i32 to vector<16xi32>
          %gather3A_460 = tpu.vector_load_idx %arg10[%add3A_410, %broadcast_in_dim3A_459, %min3A_399] : memref<2x32x1536xf32, #tpu.memory_space<vmem>>[vector<16xi32>, vector<16xi32>, vector<16xi32>], vector<16xf32>,
          tpu.vector_store_idx %arg11[%add3A_406, %broadcast_in_dim3A_459], %gather3A_460 : memref<64x128xf32, #tpu.memory_space<vmem>>[vector<16xi32>, vector<16xi32>], vector<16xf32>,
          %broadcast_in_dim3A_461 = arith.constant 17 : i32
          %broadcast_in_dim3A_462 = vector.broadcast %broadcast_in_dim3A_461 : i32 to vector<16xi32>
          %gather3A_463 = tpu.vector_load_idx %arg10[%add3A_410, %broadcast_in_dim3A_462, %min3A_399] : memref<2x32x1536xf32, #tpu.memory_space<vmem>>[vector<16xi32>, vector<16xi32>, vector<16xi32>], vector<16xf32>,
          tpu.vector_store_idx %arg11[%add3A_406, %broadcast_in_dim3A_462], %gather3A_463 : memref<64x128xf32, #tpu.memory_space<vmem>>[vector<16xi32>, vector<16xi32>], vector<16xf32>,
          %broadcast_in_dim3A_464 = arith.constant 18 : i32
          %broadcast_in_dim3A_465 = vector.broadcast %broadcast_in_dim3A_464 : i32 to vector<16xi32>
          %gather3A_466 = tpu.vector_load_idx %arg10[%add3A_410, %broadcast_in_dim3A_465, %min3A_399] : memref<2x32x1536xf32, #tpu.memory_space<vmem>>[vector<16xi32>, vector<16xi32>, vector<16xi32>], vector<16xf32>,
          tpu.vector_store_idx %arg11[%add3A_406, %broadcast_in_dim3A_465], %gather3A_466 : memref<64x128xf32, #tpu.memory_space<vmem>>[vector<16xi32>, vector<16xi32>], vector<16xf32>,
          %broadcast_in_dim3A_467 = arith.constant 19 : i32
          %broadcast_in_dim3A_468 = vector.broadcast %broadcast_in_dim3A_467 : i32 to vector<16xi32>
          %gather3A_469 = tpu.vector_load_idx %arg10[%add3A_410, %broadcast_in_dim3A_468, %min3A_399] : memref<2x32x1536xf32, #tpu.memory_space<vmem>>[vector<16xi32>, vector<16xi32>, vector<16xi32>], vector<16xf32>,
          tpu.vector_store_idx %arg11[%add3A_406, %broadcast_in_dim3A_468], %gather3A_469 : memref<64x128xf32, #tpu.memory_space<vmem>>[vector<16xi32>, vector<16xi32>], vector<16xf32>,
          %broadcast_in_dim3A_470 = arith.constant 20 : i32
          %broadcast_in_dim3A_471 = vector.broadcast %broadcast_in_dim3A_470 : i32 to vector<16xi32>
          %gather3A_472 = tpu.vector_load_idx %arg10[%add3A_410, %broadcast_in_dim3A_471, %min3A_399] : memref<2x32x1536xf32, #tpu.memory_space<vmem>>[vector<16xi32>, vector<16xi32>, vector<16xi32>], vector<16xf32>,
          tpu.vector_store_idx %arg11[%add3A_406, %broadcast_in_dim3A_471], %gather3A_472 : memref<64x128xf32, #tpu.memory_space<vmem>>[vector<16xi32>, vector<16xi32>], vector<16xf32>,
          %broadcast_in_dim3A_473 = arith.constant 21 : i32
          %broadcast_in_dim3A_474 = vector.broadcast %broadcast_in_dim3A_473 : i32 to vector<16xi32>
          %gather3A_475 = tpu.vector_load_idx %arg10[%add3A_410, %broadcast_in_dim3A_474, %min3A_399] : memref<2x32x1536xf32, #tpu.memory_space<vmem>>[vector<16xi32>, vector<16xi32>, vector<16xi32>], vector<16xf32>,
          tpu.vector_store_idx %arg11[%add3A_406, %broadcast_in_dim3A_474], %gather3A_475 : memref<64x128xf32, #tpu.memory_space<vmem>>[vector<16xi32>, vector<16xi32>], vector<16xf32>,
          %broadcast_in_dim3A_476 = arith.constant 22 : i32
          %broadcast_in_dim3A_477 = vector.broadcast %broadcast_in_dim3A_476 : i32 to vector<16xi32>
          %gather3A_478 = tpu.vector_load_idx %arg10[%add3A_410, %broadcast_in_dim3A_477, %min3A_399] : memref<2x32x1536xf32, #tpu.memory_space<vmem>>[vector<16xi32>, vector<16xi32>, vector<16xi32>], vector<16xf32>,
          tpu.vector_store_idx %arg11[%add3A_406, %broadcast_in_dim3A_477], %gather3A_478 : memref<64x128xf32, #tpu.memory_space<vmem>>[vector<16xi32>, vector<16xi32>], vector<16xf32>,
          %broadcast_in_dim3A_479 = arith.constant 23 : i32
          %broadcast_in_dim3A_480 = vector.broadcast %broadcast_in_dim3A_479 : i32 to vector<16xi32>
          %gather3A_481 = tpu.vector_load_idx %arg10[%add3A_410, %broadcast_in_dim3A_480, %min3A_399] : memref<2x32x1536xf32, #tpu.memory_space<vmem>>[vector<16xi32>, vector<16xi32>, vector<16xi32>], vector<16xf32>,
          tpu.vector_store_idx %arg11[%add3A_406, %broadcast_in_dim3A_480], %gather3A_481 : memref<64x128xf32, #tpu.memory_space<vmem>>[vector<16xi32>, vector<16xi32>], vector<16xf32>,
          %broadcast_in_dim3A_482 = arith.constant 24 : i32
          %broadcast_in_dim3A_483 = vector.broadcast %broadcast_in_dim3A_482 : i32 to vector<16xi32>
          %gather3A_484 = tpu.vector_load_idx %arg10[%add3A_410, %broadcast_in_dim3A_483, %min3A_399] : memref<2x32x1536xf32, #tpu.memory_space<vmem>>[vector<16xi32>, vector<16xi32>, vector<16xi32>], vector<16xf32>,
          tpu.vector_store_idx %arg11[%add3A_406, %broadcast_in_dim3A_483], %gather3A_484 : memref<64x128xf32, #tpu.memory_space<vmem>>[vector<16xi32>, vector<16xi32>], vector<16xf32>,
          %broadcast_in_dim3A_485 = arith.constant 25 : i32
          %broadcast_in_dim3A_486 = vector.broadcast %broadcast_in_dim3A_485 : i32 to vector<16xi32>
          %gather3A_487 = tpu.vector_load_idx %arg10[%add3A_410, %broadcast_in_dim3A_486, %min3A_399] : memref<2x32x1536xf32, #tpu.memory_space<vmem>>[vector<16xi32>, vector<16xi32>, vector<16xi32>], vector<16xf32>,
          tpu.vector_store_idx %arg11[%add3A_406, %broadcast_in_dim3A_486], %gather3A_487 : memref<64x128xf32, #tpu.memory_space<vmem>>[vector<16xi32>, vector<16xi32>], vector<16xf32>,
          %broadcast_in_dim3A_488 = arith.constant 26 : i32
          %broadcast_in_dim3A_489 = vector.broadcast %broadcast_in_dim3A_488 : i32 to vector<16xi32>
          %gather3A_490 = tpu.vector_load_idx %arg10[%add3A_410, %broadcast_in_dim3A_489, %min3A_399] : memref<2x32x1536xf32, #tpu.memory_space<vmem>>[vector<16xi32>, vector<16xi32>, vector<16xi32>], vector<16xf32>,
          tpu.vector_store_idx %arg11[%add3A_406, %broadcast_in_dim3A_489], %gather3A_490 : memref<64x128xf32, #tpu.memory_space<vmem>>[vector<16xi32>, vector<16xi32>], vector<16xf32>,
          %broadcast_in_dim3A_491 = arith.constant 27 : i32
          %broadcast_in_dim3A_492 = vector.broadcast %broadcast_in_dim3A_491 : i32 to vector<16xi32>
          %gather3A_493 = tpu.vector_load_idx %arg10[%add3A_410, %broadcast_in_dim3A_492, %min3A_399] : memref<2x32x1536xf32, #tpu.memory_space<vmem>>[vector<16xi32>, vector<16xi32>, vector<16xi32>], vector<16xf32>,
          tpu.vector_store_idx %arg11[%add3A_406, %broadcast_in_dim3A_492], %gather3A_493 : memref<64x128xf32, #tpu.memory_space<vmem>>[vector<16xi32>, vector<16xi32>], vector<16xf32>,
          %broadcast_in_dim3A_494 = arith.constant 28 : i32
          %broadcast_in_dim3A_495 = vector.broadcast %broadcast_in_dim3A_494 : i32 to vector<16xi32>
          %gather3A_496 = tpu.vector_load_idx %arg10[%add3A_410, %broadcast_in_dim3A_495, %min3A_399] : memref<2x32x1536xf32, #tpu.memory_space<vmem>>[vector<16xi32>, vector<16xi32>, vector<16xi32>], vector<16xf32>,
          tpu.vector_store_idx %arg11[%add3A_406, %broadcast_in_dim3A_495], %gather3A_496 : memref<64x128xf32, #tpu.memory_space<vmem>>[vector<16xi32>, vector<16xi32>], vector<16xf32>,
          %broadcast_in_dim3A_497 = arith.constant 29 : i32
          %broadcast_in_dim3A_498 = vector.broadcast %broadcast_in_dim3A_497 : i32 to vector<16xi32>
          %gather3A_499 = tpu.vector_load_idx %arg10[%add3A_410, %broadcast_in_dim3A_498, %min3A_399] : memref<2x32x1536xf32, #tpu.memory_space<vmem>>[vector<16xi32>, vector<16xi32>, vector<16xi32>], vector<16xf32>,
          tpu.vector_store_idx %arg11[%add3A_406, %broadcast_in_dim3A_498], %gather3A_499 : memref<64x128xf32, #tpu.memory_space<vmem>>[vector<16xi32>, vector<16xi32>], vector<16xf32>,
          %broadcast_in_dim3A_500 = arith.constant 30 : i32
          %broadcast_in_dim3A_501 = vector.broadcast %broadcast_in_dim3A_500 : i32 to vector<16xi32>
          %gather3A_502 = tpu.vector_load_idx %arg10[%add3A_410, %broadcast_in_dim3A_501, %min3A_399] : memref<2x32x1536xf32, #tpu.memory_space<vmem>>[vector<16xi32>, vector<16xi32>, vector<16xi32>], vector<16xf32>,
          tpu.vector_store_idx %arg11[%add3A_406, %broadcast_in_dim3A_501], %gather3A_502 : memref<64x128xf32, #tpu.memory_space<vmem>>[vector<16xi32>, vector<16xi32>], vector<16xf32>,
          %broadcast_in_dim3A_503 = arith.constant 31 : i32
          %broadcast_in_dim3A_504 = vector.broadcast %broadcast_in_dim3A_503 : i32 to vector<16xi32>
          %gather3A_505 = tpu.vector_load_idx %arg10[%add3A_410, %broadcast_in_dim3A_504, %min3A_399] : memref<2x32x1536xf32, #tpu.memory_space<vmem>>[vector<16xi32>, vector<16xi32>, vector<16xi32>], vector<16xf32>,
          tpu.vector_store_idx %arg11[%add3A_406, %broadcast_in_dim3A_504], %gather3A_505 : memref<64x128xf32, #tpu.memory_space<vmem>>[vector<16xi32>, vector<16xi32>], vector<16xf32>,
          %jit3A_506 = arith.constant -1 : i32
          %broadcast_in_dim3A_507 = vector.broadcast %jit3A_506 : i32 to vector<16xi32>
          %select_n3A_508 = arith.select %and3A_370, %and3A_402, %broadcast_in_dim3A_507 : vector<16xi1>, vector<16xi32>
          %swap3A_509 = arith.index_cast %and3A_386 : i32 to index
          %swap3A_510 = arith.constant 0 : index
          %swap3A_511 = tpu.vector_load %arg12[%swap3A_509, %swap3A_510] {strides = array<i32>} : memref<4x16xi32, #tpu.memory_space<vmem>>, vector<16xi32>,
          tpu.vector_store %arg12[%swap3A_509, %swap3A_510], %select_n3A_508 {strides = array<i32>} : memref<4x16xi32, #tpu.memory_space<vmem>>, vector<16xi32>,
          %mul3A_512 = arith.constant 16 : i32
          %mul3A_513 = arith.muli %and3A_386, %mul3A_512 : i32
          %dma_start3A_514 = arith.constant 0 : i32
          %dma_start3A_515 = tpu.memref_slice %arg11[%mul3A_513, %dma_start3A_514] : memref<64x128xf32, #tpu.memory_space<vmem>> -> memref<16x128xf32, #tpu.memory_space<vmem>>
          %dma_start3A_516 = arith.constant 0 : i32
          %dma_start3A_517 = tpu.memref_slice %arg12[%and3A_386, %dma_start3A_516] : memref<4x16xi32, #tpu.memory_space<vmem>> -> memref<1x16xi32, #tpu.memory_space<vmem>>
          %dma_start3A_518 = tpu.memref_squeeze %dma_start3A_517 : memref<1x16xi32, #tpu.memory_space<vmem>> -> memref<16xi32, #tpu.memory_space<vmem>>
          %dma_start3A_519 = arith.constant 0 : i32
          %dma_start3A_520 = arith.constant 0 : i32
          %dma_start3A_521 = tpu.memref_slice %arg6[%dma_start3A_519, %dma_start3A_520] : memref<16384x128xf32, #tpu.memory_space<hbm>> -> memref<16384x128xf32, #tpu.memory_space<hbm>>
          %dma_start3A_522 = arith.constant -1 : i32
          tpu.enqueue_indirect_dma source(%dma_start3A_515 : memref<16x128xf32, #tpu.memory_space<vmem>>) target(%dma_start3A_521 : memref<16384x128xf32, #tpu.memory_space<hbm>>) offsets(%dma_start3A_518 : memref<16xi32, #tpu.memory_space<vmem>>) offset_filter(%dma_start3A_522) semaphore(%arg13 : memref<!tpu.dma_semaphore, #tpu.memory_space<semaphore_mem>>)
          %add3A_523 = arith.constant 1 : i32
          %add3A_524 = arith.addi %while3A_365, %add3A_523 : i32
          scf.yield %add3A_524 : i32
        } else {
          scf.yield %while3A_365 : i32
        }
        scf.yield %cond3A_384 : i32
      }
      %add3A_359 = arith.constant 2 : i32
      %add3A_360 = arith.addi %scan3A_308, %add3A_359 : i32
      %lt3A_361 = arith.constant 3 : i32
      %lt3A_362 = arith.cmpi slt, %add3A_360, %lt3A_361 : i32
      %convert_element_type3A = arith.extui %lt3A_362 : i1 to i32
      %cond3A = arith.constant 0 : i32
      %cond3A_363 = arith.cmpi ne, %convert_element_type3A, %cond3A : i32
      scf.if %cond3A_363 {
        %add3A_364 = arith.constant 2 : i32
        %add3A_365 = arith.addi %scan3A_308, %add3A_364 : i32
        %mul3A_366 = arith.constant 1536 : i32
        %mul3A_367 = arith.muli %add3A_365, %mul3A_366 : i32
        %add3A_368 = arith.addi %mul3A_10, %mul3A_367 : i32
        %sub3A_369 = arith.constant 1536 : i32
        %sub3A_370 = arith.subi %add3A_13, %sub3A_369 : i32
        %min3A_371 = arith.minsi %add3A_368, %sub3A_370 : i32
        %dma_start3A_372 = arith.constant 0 : i32
        %dma_start3A_373 = arith.constant 0 : i32
        %dma_start3A_374 = tpu.memref_slice %arg10[%and3A_311, %dma_start3A_372, %dma_start3A_373] : memref<2x32x1536xf32, #tpu.memory_space<vmem>> -> memref<1x16x1536xf32, #tpu.memory_space<vmem>>
        %dma_start3A_375 = tpu.memref_squeeze %dma_start3A_374 : memref<1x16x1536xf32, #tpu.memory_space<vmem>> -> memref<16x1536xf32, #tpu.memory_space<vmem>>
        %dma_start3A_376 = arith.constant 0 : i32
        %dma_start3A_377 = tpu.memref_slice %arg2[%dma_start3A_376, %min3A_371] : memref<32x100000xf32, #tpu.memory_space<hbm>> -> memref<16x1536xf32, #tpu.memory_space<hbm>>
        %dma_start3A_378 = arith.constant 0 : i32
        %dma_start3A_379 = arith.constant 0 : i32
        %dma_start3A_380 = tpu.memref_slice %arg10[%and3A_311, %dma_start3A_378, %dma_start3A_379] : memref<2x32x1536xf32, #tpu.memory_space<vmem>> -> memref<1x16x1536xf32, #tpu.memory_space<vmem>>
        %dma_start3A_381 = tpu.memref_squeeze %dma_start3A_380 : memref<1x16x1536xf32, #tpu.memory_space<vmem>> -> memref<16x1536xf32, #tpu.memory_space<vmem>>
        %dma_start3A_382 = arith.constant 0 : i32
        %dma_start3A_383 = tpu.memref_slice %arg2[%dma_start3A_382, %min3A_371] : memref<32x100000xf32, #tpu.memory_space<hbm>> -> memref<16x1536xf32, #tpu.memory_space<hbm>>
        tpu.enqueue_dma source(%dma_start3A_383 : memref<16x1536xf32, #tpu.memory_space<hbm>>) target(%dma_start3A_381 : memref<16x1536xf32, #tpu.memory_space<vmem>>) target_semaphore(%arg14 : memref<!tpu.dma_semaphore, #tpu.memory_space<semaphore_mem>>)
        %dma_start3A_384 = arith.constant 16 : i32
        %dma_start3A_385 = arith.constant 0 : i32
        %dma_start3A_386 = tpu.memref_slice %arg10[%and3A_311, %dma_start3A_384, %dma_start3A_385] : memref<2x32x1536xf32, #tpu.memory_space<vmem>> -> memref<1x16x1536xf32, #tpu.memory_space<vmem>>
        %dma_start3A_387 = tpu.memref_squeeze %dma_start3A_386 : memref<1x16x1536xf32, #tpu.memory_space<vmem>> -> memref<16x1536xf32, #tpu.memory_space<vmem>>
        %dma_start3A_388 = arith.constant 16 : i32
        %dma_start3A_389 = tpu.memref_slice %arg2[%dma_start3A_388, %min3A_371] : memref<32x100000xf32, #tpu.memory_space<hbm>> -> memref<16x1536xf32, #tpu.memory_space<hbm>>
        %dma_start3A_390 = arith.constant 16 : i32
        %dma_start3A_391 = arith.constant 0 : i32
        %dma_start3A_392 = tpu.memref_slice %arg10[%and3A_311, %dma_start3A_390, %dma_start3A_391] : memref<2x32x1536xf32, #tpu.memory_space<vmem>> -> memref<1x16x1536xf32, #tpu.memory_space<vmem>>
        %dma_start3A_393 = tpu.memref_squeeze %dma_start3A_392 : memref<1x16x1536xf32, #tpu.memory_space<vmem>> -> memref<16x1536xf32, #tpu.memory_space<vmem>>
        %dma_start3A_394 = arith.constant 16 : i32
        %dma_start3A_395 = tpu.memref_slice %arg2[%dma_start3A_394, %min3A_371] : memref<32x100000xf32, #tpu.memory_space<hbm>> -> memref<16x1536xf32, #tpu.memory_space<hbm>>
        tpu.enqueue_dma source(%dma_start3A_395 : memref<16x1536xf32, #tpu.memory_space<hbm>>) target(%dma_start3A_393 : memref<16x1536xf32, #tpu.memory_space<vmem>>) target_semaphore(%arg14 : memref<!tpu.dma_semaphore, #tpu.memory_space<semaphore_mem>>)
      } else {
      }
      scf.yield %while3A_358 : i32
    }
    %scan3A_139 = arith.constant 3 : i32
    "tpu.trace_stop"() : () -> ()
    %scan3A_140 = arith.constant 0 : i32
    %scan3A_141 = arith.constant 0 : i32
    %scan3A_142 = arith.constant 4 : i32
    %scan3A_143 = arith.addi %scan3A_141, %scan3A_142 : i32
    %scan3A_144 = arith.constant 1 : i32
    %scan3A_145 = scf.for %scan3A_308 = %scan3A_141 to %scan3A_143 step %scan3A_144 iter_args(%scan3A_309 = %scan3A_140) -> (i32)  : i32 {
      %min3A_310 = arith.constant 4 : i32
      %min3A_311 = arith.minsi %scan3A_138, %min3A_310 : i32
      %lt3A_312 = arith.cmpi slt, %scan3A_308, %min3A_311 : i32
      %convert_element_type3A = arith.extui %lt3A_312 : i1 to i32
      %cond3A = arith.constant 0 : i32
      %cond3A_313 = arith.cmpi ne, %convert_element_type3A, %cond3A : i32
      scf.if %cond3A_313 {
        %dma_wait3A = arith.constant 0 : i32
        %dma_wait3A_315 = arith.constant 0 : i32
        %dma_wait3A_316 = tpu.memref_slice %arg11[%dma_wait3A, %dma_wait3A_315] : memref<64x128xf32, #tpu.memory_space<vmem>> -> memref<16x128xf32, #tpu.memory_space<vmem>>
        %dma_wait3A_317 = arith.constant 0 : i32
        %dma_wait3A_318 = arith.constant 0 : i32
        %dma_wait3A_319 = tpu.memref_slice %arg6[%dma_wait3A_317, %dma_wait3A_318] : memref<16384x128xf32, #tpu.memory_space<hbm>> -> memref<16x128xf32, #tpu.memory_space<hbm>>
        %dma_wait3A_320 = arith.constant 0 : i32
        %dma_wait3A_321 = arith.constant 0 : i32
        %dma_wait3A_322 = tpu.memref_slice %arg11[%dma_wait3A_320, %dma_wait3A_321] : memref<64x128xf32, #tpu.memory_space<vmem>> -> memref<16x128xf32, #tpu.memory_space<vmem>>
        %dma_wait3A_323 = arith.constant 0 : i32
        %dma_wait3A_324 = arith.constant 0 : i32
        %dma_wait3A_325 = tpu.memref_slice %arg6[%dma_wait3A_323, %dma_wait3A_324] : memref<16384x128xf32, #tpu.memory_space<hbm>> -> memref<16x128xf32, #tpu.memory_space<hbm>>
        tpu.wait_dma2 semaphore(%arg13 : memref<!tpu.dma_semaphore, #tpu.memory_space<semaphore_mem>>) src(%dma_wait3A_325 : memref<16x128xf32, #tpu.memory_space<hbm>>) dst(%dma_wait3A_322 : memref<16x128xf32, #tpu.memory_space<vmem>>)
      } else {
      }
      %scan3A_314 = arith.constant 0 : i32
      scf.yield %scan3A_314 : i32
    }
    %scan3A_146 = arith.constant 4 : i32
    %lt3A_147 = arith.constant 4 : i32
    %lt3A_148 = arith.cmpi slt, %add3A, %lt3A_147 : i32
    %jit3A_149 = arith.constant 1 : i32
    %jit3A_150 = arith.constant 0 : i32
    %select_n3A_151 = arith.select %lt3A_148, %jit3A_149, %jit3A_150 : i32
    %add3A_152 = arith.constant 244 : i32
    %add3A_153 = arith.addi %add3A_152, %select_n3A_151 : i32
    %mul3A_154 = arith.constant 244 : i32
    %mul3A_155 = arith.muli %add3A, %mul3A_154 : i32
    %min3A_156 = arith.constant 4 : i32
    %min3A_157 = arith.minsi %add3A, %min3A_156 : i32
    %add3A_158 = arith.addi %mul3A_155, %min3A_157 : i32
    %mul3A_159 = arith.constant 128 : i32
    %mul3A_160 = arith.muli %add3A_158, %mul3A_159 : i32
    %mul3A_161 = arith.constant 128 : i32
    %mul3A_162 = arith.muli %add3A_153, %mul3A_161 : i32
    %add3A_163 = arith.addi %mul3A_160, %mul3A_162 : i32
    %iota3A_164 = tpu.iota {dimensions = array<i32: 0>} : vector<16xi32>
    %broadcast_in_dim3A_165 = arith.constant 0 : i32
    %broadcast_in_dim3A_166 = vector.broadcast %broadcast_in_dim3A_165 : i32 to vector<16xi32>
    %add3A_167 = vector.broadcast %mul3A_160 : i32 to vector<16xi32>
    %add3A_168 = arith.addi %broadcast_in_dim3A_166, %add3A_167 : vector<16xi32>
    %broadcast_in_dim3A_169 = arith.constant 0 : i32
    %broadcast_in_dim3A_170 = vector.broadcast %broadcast_in_dim3A_169 : i32 to vector<16xi32>
    %add3A_171 = vector.broadcast %add3A_163 : i32 to vector<16xi32>
    %add3A_172 = arith.addi %broadcast_in_dim3A_170, %add3A_171 : vector<16xi32>
    %add3A_173 = arith.constant 0 : i32
    %add3A_174 = arith.addi %mul3A_160, %add3A_173 : i32
    %sub3A_175 = arith.constant 1536 : i32
    %sub3A_176 = arith.subi %add3A_163, %sub3A_175 : i32
    %min3A_177 = arith.minsi %add3A_174, %sub3A_176 : i32
    %dma_start3A_178 = arith.constant 0 : i32
    %dma_start3A_179 = arith.constant 0 : i32
    %dma_start3A_180 = arith.constant 0 : i32
    %dma_start3A_181 = tpu.memref_slice %arg10[%dma_start3A_178, %dma_start3A_179, %dma_start3A_180] : memref<2x32x1536xf32, #tpu.memory_space<vmem>> -> memref<1x16x1536xf32, #tpu.memory_space<vmem>>
    %dma_start3A_182 = tpu.memref_squeeze %dma_start3A_181 : memref<1x16x1536xf32, #tpu.memory_space<vmem>> -> memref<16x1536xf32, #tpu.memory_space<vmem>>
    %dma_start3A_183 = arith.constant 0 : i32
    %dma_start3A_184 = tpu.memref_slice %arg3[%dma_start3A_183, %min3A_177] : memref<32x1000000xf32, #tpu.memory_space<hbm>> -> memref<16x1536xf32, #tpu.memory_space<hbm>>
    %dma_start3A_185 = arith.constant 0 : i32
    %dma_start3A_186 = arith.constant 0 : i32
    %dma_start3A_187 = tpu.memref_slice %arg10[%dma_start3A_178, %dma_start3A_185, %dma_start3A_186] : memref<2x32x1536xf32, #tpu.memory_space<vmem>> -> memref<1x16x1536xf32, #tpu.memory_space<vmem>>
    %dma_start3A_188 = tpu.memref_squeeze %dma_start3A_187 : memref<1x16x1536xf32, #tpu.memory_space<vmem>> -> memref<16x1536xf32, #tpu.memory_space<vmem>>
    %dma_start3A_189 = arith.constant 0 : i32
    %dma_start3A_190 = tpu.memref_slice %arg3[%dma_start3A_189, %min3A_177] : memref<32x1000000xf32, #tpu.memory_space<hbm>> -> memref<16x1536xf32, #tpu.memory_space<hbm>>
    tpu.enqueue_dma source(%dma_start3A_190 : memref<16x1536xf32, #tpu.memory_space<hbm>>) target(%dma_start3A_188 : memref<16x1536xf32, #tpu.memory_space<vmem>>) target_semaphore(%arg14 : memref<!tpu.dma_semaphore, #tpu.memory_space<semaphore_mem>>)
    %dma_start3A_191 = arith.constant 0 : i32
    %dma_start3A_192 = arith.constant 16 : i32
    %dma_start3A_193 = arith.constant 0 : i32
    %dma_start3A_194 = tpu.memref_slice %arg10[%dma_start3A_191, %dma_start3A_192, %dma_start3A_193] : memref<2x32x1536xf32, #tpu.memory_space<vmem>> -> memref<1x16x1536xf32, #tpu.memory_space<vmem>>
    %dma_start3A_195 = tpu.memref_squeeze %dma_start3A_194 : memref<1x16x1536xf32, #tpu.memory_space<vmem>> -> memref<16x1536xf32, #tpu.memory_space<vmem>>
    %dma_start3A_196 = arith.constant 16 : i32
    %dma_start3A_197 = tpu.memref_slice %arg3[%dma_start3A_196, %min3A_177] : memref<32x1000000xf32, #tpu.memory_space<hbm>> -> memref<16x1536xf32, #tpu.memory_space<hbm>>
    %dma_start3A_198 = arith.constant 16 : i32
    %dma_start3A_199 = arith.constant 0 : i32
    %dma_start3A_200 = tpu.memref_slice %arg10[%dma_start3A_191, %dma_start3A_198, %dma_start3A_199] : memref<2x32x1536xf32, #tpu.memory_space<vmem>> -> memref<1x16x1536xf32, #tpu.memory_space<vmem>>
    %dma_start3A_201 = tpu.memref_squeeze %dma_start3A_200 : memref<1x16x1536xf32, #tpu.memory_space<vmem>> -> memref<16x1536xf32, #tpu.memory_space<vmem>>
    %dma_start3A_202 = arith.constant 16 : i32
    %dma_start3A_203 = tpu.memref_slice %arg3[%dma_start3A_202, %min3A_177] : memref<32x1000000xf32, #tpu.memory_space<hbm>> -> memref<16x1536xf32, #tpu.memory_space<hbm>>
    tpu.enqueue_dma source(%dma_start3A_203 : memref<16x1536xf32, #tpu.memory_space<hbm>>) target(%dma_start3A_201 : memref<16x1536xf32, #tpu.memory_space<vmem>>) target_semaphore(%arg14 : memref<!tpu.dma_semaphore, #tpu.memory_space<semaphore_mem>>)
    %add3A_204 = arith.constant 1536 : i32
    %add3A_205 = arith.addi %mul3A_160, %add3A_204 : i32
    %sub3A_206 = arith.constant 1536 : i32
    %sub3A_207 = arith.subi %add3A_163, %sub3A_206 : i32
    %min3A_208 = arith.minsi %add3A_205, %sub3A_207 : i32
    %dma_start3A_209 = arith.constant 1 : i32
    %dma_start3A_210 = arith.constant 0 : i32
    %dma_start3A_211 = arith.constant 0 : i32
    %dma_start3A_212 = tpu.memref_slice %arg10[%dma_start3A_209, %dma_start3A_210, %dma_start3A_211] : memref<2x32x1536xf32, #tpu.memory_space<vmem>> -> memref<1x16x1536xf32, #tpu.memory_space<vmem>>
    %dma_start3A_213 = tpu.memref_squeeze %dma_start3A_212 : memref<1x16x1536xf32, #tpu.memory_space<vmem>> -> memref<16x1536xf32, #tpu.memory_space<vmem>>
    %dma_start3A_214 = arith.constant 0 : i32
    %dma_start3A_215 = tpu.memref_slice %arg3[%dma_start3A_214, %min3A_208] : memref<32x1000000xf32, #tpu.memory_space<hbm>> -> memref<16x1536xf32, #tpu.memory_space<hbm>>
    %dma_start3A_216 = arith.constant 0 : i32
    %dma_start3A_217 = arith.constant 0 : i32
    %dma_start3A_218 = tpu.memref_slice %arg10[%dma_start3A_209, %dma_start3A_216, %dma_start3A_217] : memref<2x32x1536xf32, #tpu.memory_space<vmem>> -> memref<1x16x1536xf32, #tpu.memory_space<vmem>>
    %dma_start3A_219 = tpu.memref_squeeze %dma_start3A_218 : memref<1x16x1536xf32, #tpu.memory_space<vmem>> -> memref<16x1536xf32, #tpu.memory_space<vmem>>
    %dma_start3A_220 = arith.constant 0 : i32
    %dma_start3A_221 = tpu.memref_slice %arg3[%dma_start3A_220, %min3A_208] : memref<32x1000000xf32, #tpu.memory_space<hbm>> -> memref<16x1536xf32, #tpu.memory_space<hbm>>
    tpu.enqueue_dma source(%dma_start3A_221 : memref<16x1536xf32, #tpu.memory_space<hbm>>) target(%dma_start3A_219 : memref<16x1536xf32, #tpu.memory_space<vmem>>) target_semaphore(%arg14 : memref<!tpu.dma_semaphore, #tpu.memory_space<semaphore_mem>>)
    %dma_start3A_222 = arith.constant 1 : i32
    %dma_start3A_223 = arith.constant 16 : i32
    %dma_start3A_224 = arith.constant 0 : i32
    %dma_start3A_225 = tpu.memref_slice %arg10[%dma_start3A_222, %dma_start3A_223, %dma_start3A_224] : memref<2x32x1536xf32, #tpu.memory_space<vmem>> -> memref<1x16x1536xf32, #tpu.memory_space<vmem>>
    %dma_start3A_226 = tpu.memref_squeeze %dma_start3A_225 : memref<1x16x1536xf32, #tpu.memory_space<vmem>> -> memref<16x1536xf32, #tpu.memory_space<vmem>>
    %dma_start3A_227 = arith.constant 16 : i32
    %dma_start3A_228 = tpu.memref_slice %arg3[%dma_start3A_227, %min3A_208] : memref<32x1000000xf32, #tpu.memory_space<hbm>> -> memref<16x1536xf32, #tpu.memory_space<hbm>>
    %dma_start3A_229 = arith.constant 16 : i32
    %dma_start3A_230 = arith.constant 0 : i32
    %dma_start3A_231 = tpu.memref_slice %arg10[%dma_start3A_222, %dma_start3A_229, %dma_start3A_230] : memref<2x32x1536xf32, #tpu.memory_space<vmem>> -> memref<1x16x1536xf32, #tpu.memory_space<vmem>>
    %dma_start3A_232 = tpu.memref_squeeze %dma_start3A_231 : memref<1x16x1536xf32, #tpu.memory_space<vmem>> -> memref<16x1536xf32, #tpu.memory_space<vmem>>
    %dma_start3A_233 = arith.constant 16 : i32
    %dma_start3A_234 = tpu.memref_slice %arg3[%dma_start3A_233, %min3A_208] : memref<32x1000000xf32, #tpu.memory_space<hbm>> -> memref<16x1536xf32, #tpu.memory_space<hbm>>
    tpu.enqueue_dma source(%dma_start3A_234 : memref<16x1536xf32, #tpu.memory_space<hbm>>) target(%dma_start3A_232 : memref<16x1536xf32, #tpu.memory_space<vmem>>) target_semaphore(%arg14 : memref<!tpu.dma_semaphore, #tpu.memory_space<semaphore_mem>>)
    "tpu.trace_start"() <{level = 10 : i32, message = "prefilter"}> : () -> ()
    "tpu.region"() ({
      %run_scoped3A = tpu.sem_alloc : memref<!tpu.dma_semaphore, #tpu.memory_space<semaphore_mem>>
      %dma_start3A_308 = arith.constant 0 : i32
      %dma_start3A_309 = tpu.memref_slice %arg5[%dma_start3A_308] : memref<16384xi32, #tpu.memory_space<hbm>> -> memref<4096xi32, #tpu.memory_space<hbm>>
      %dma_start3A_310 = arith.constant 0 : i32
      %dma_start3A_311 = tpu.memref_slice %arg5[%dma_start3A_310] : memref<16384xi32, #tpu.memory_space<hbm>> -> memref<4096xi32, #tpu.memory_space<hbm>>
      tpu.enqueue_dma source(%dma_start3A_311 : memref<4096xi32, #tpu.memory_space<hbm>>) target(%arg8 : memref<4096xi32, #tpu.memory_space<vmem>>) target_semaphore(%run_scoped3A : memref<!tpu.dma_semaphore, #tpu.memory_space<semaphore_mem>>)
      %dma_wait3A = arith.constant 0 : i32
      %dma_wait3A_312 = tpu.memref_slice %arg5[%dma_wait3A] : memref<16384xi32, #tpu.memory_space<hbm>> -> memref<4096xi32, #tpu.memory_space<hbm>>
      %dma_wait3A_313 = arith.constant 0 : i32
      %dma_wait3A_314 = tpu.memref_slice %arg5[%dma_wait3A_313] : memref<16384xi32, #tpu.memory_space<hbm>> -> memref<4096xi32, #tpu.memory_space<hbm>>
      tpu.wait_dma2 semaphore(%run_scoped3A : memref<!tpu.dma_semaphore, #tpu.memory_space<semaphore_mem>>) src(%dma_wait3A_314 : memref<4096xi32, #tpu.memory_space<hbm>>) dst(%arg8 : memref<4096xi32, #tpu.memory_space<vmem>>)
      tpu.yield
    }) : () -> ()
    %scan3A_235 = arith.constant 0 : i32
    %scan3A_236 = arith.constant 0 : i32
    %scan3A_237 = arith.constant 0 : i32
    %scan3A_238 = arith.constant 128 : i32
    %scan3A_239 = arith.addi %scan3A_237, %scan3A_238 : i32
    %scan3A_240 = arith.constant 1 : i32
    %scan3A_241 = scf.for %scan3A_308 = %scan3A_237 to %scan3A_239 step %scan3A_240 iter_args(%scan3A_309 = %scan3A_236) -> (i32)  : i32 {
      %mul3A_310 = arith.constant 2 : i32
      %mul3A_311 = arith.muli %scan3A_308, %mul3A_310 : i32
      %add3A_312 = arith.constant 0 : i32
      %add3A_313 = arith.addi %mul3A_311, %add3A_312 : i32
      %mul3A_314 = arith.constant 16 : i32
      %mul3A_315 = arith.muli %add3A_313, %mul3A_314 : i32
      %get3A = arith.index_cast %mul3A_315 : i32 to index
      %get3A_316 = tpu.vector_load %arg8[%get3A] {strides = array<i32>} : memref<4096xi32, #tpu.memory_space<vmem>>, vector<16xi32>,
      %ge3A = arith.cmpi sge, %get3A_316, %add3A_168 : vector<16xi32>
      %lt3A_317 = arith.cmpi slt, %get3A_316, %add3A_172 : vector<16xi32>
      %and3A_318 = arith.andi %ge3A, %lt3A_317 : vector<16xi1>
      %sub3A_319 = arith.subi %get3A_316, %add3A_168 : vector<16xi32>
      %shift_left3A = arith.constant 14 : i32
      %shift_left3A_320 = vector.broadcast %shift_left3A : i32 to vector<16xi32>
      %shift_left3A_321 = arith.shli %sub3A_319, %shift_left3A_320 : vector<16xi32>
      %mul3A_322 = arith.constant 16 : i32
      %mul3A_323 = arith.muli %add3A_313, %mul3A_322 : i32
      %add3A_324 = arith.addi %scan3A_235, %mul3A_323 : i32
      %add3A_325 = vector.broadcast %add3A_324 : i32 to vector<16xi32>
      %add3A_326 = arith.addi %add3A_325, %iota3A_164 : vector<16xi32>
      %or3A = arith.ori %shift_left3A_321, %add3A_326 : vector<16xi32>
      %swap3A_327 = arith.index_cast %scan3A_309 : i32 to index
      %swap3A_328 = tpu.vector_load %arg9[%swap3A_327] masked %and3A_318 {strides = array<i32>} : memref<16400xi32, #tpu.memory_space<vmem>>, vector<16xi32>, vector<16xi1>
      tpu.vector_store %arg9[%swap3A_327], %or3A masked %and3A_318 {strides = array<i32>} : memref<16400xi32, #tpu.memory_space<vmem>>, vector<16xi32>, vector<16xi1>
      %all_reduce_population_count3A = tpu.all_reduce %and3A_318 {dim = 0 : i64, kind = #tpu.reduction_kind<sum>} : vector<16xi1> -> vector<16xi32>
      %reduce_max3A = arith.constant true
      %reduce_max3A_329 = vector.broadcast %reduce_max3A : i1 to vector<16xi1>
      %reduce_max3A_330 = arith.constant -2147483648 : i32
      %reduce_max3A_331 = vector.broadcast %reduce_max3A_330 : i32 to vector<16xi32>
      %reduce_max3A_332 = arith.xori %all_reduce_population_count3A, %reduce_max3A_331 : vector<16xi32>
      %reduce_max3A_333 = tpu.scan <max>, %reduce_max3A_332 masked %reduce_max3A_329 : vector<16xi32>, vector<16xi1> -> vector<16xi32>
      %reduce_max3A_334 = arith.xori %reduce_max3A_333, %reduce_max3A_331 : vector<16xi32>
      %reduce_max3A_335 = vector.extract %reduce_max3A_334[15] : i32 from vector<16xi32>
      %add3A_336 = arith.addi %scan3A_309, %reduce_max3A_335 : i32
      %mul3A_337 = arith.constant 2 : i32
      %mul3A_338 = arith.muli %scan3A_308, %mul3A_337 : i32
      %add3A_339 = arith.constant 1 : i32
      %add3A_340 = arith.addi %mul3A_338, %add3A_339 : i32
      %mul3A_341 = arith.constant 16 : i32
      %mul3A_342 = arith.muli %add3A_340, %mul3A_341 : i32
      %get3A_343 = arith.index_cast %mul3A_342 : i32 to index
      %get3A_344 = tpu.vector_load %arg8[%get3A_343] {strides = array<i32>} : memref<4096xi32, #tpu.memory_space<vmem>>, vector<16xi32>,
      %ge3A_345 = arith.cmpi sge, %get3A_344, %add3A_168 : vector<16xi32>
      %lt3A_346 = arith.cmpi slt, %get3A_344, %add3A_172 : vector<16xi32>
      %and3A_347 = arith.andi %ge3A_345, %lt3A_346 : vector<16xi1>
      %sub3A_348 = arith.subi %get3A_344, %add3A_168 : vector<16xi32>
      %shift_left3A_349 = arith.constant 14 : i32
      %shift_left3A_350 = vector.broadcast %shift_left3A_349 : i32 to vector<16xi32>
      %shift_left3A_351 = arith.shli %sub3A_348, %shift_left3A_350 : vector<16xi32>
      %mul3A_352 = arith.constant 16 : i32
      %mul3A_353 = arith.muli %add3A_340, %mul3A_352 : i32
      %add3A_354 = arith.addi %scan3A_235, %mul3A_353 : i32
      %add3A_355 = vector.broadcast %add3A_354 : i32 to vector<16xi32>
      %add3A_356 = arith.addi %add3A_355, %iota3A_164 : vector<16xi32>
      %or3A_357 = arith.ori %shift_left3A_351, %add3A_356 : vector<16xi32>
      %swap3A_358 = arith.index_cast %add3A_336 : i32 to index
      %swap3A_359 = tpu.vector_load %arg9[%swap3A_358] masked %and3A_347 {strides = array<i32>} : memref<16400xi32, #tpu.memory_space<vmem>>, vector<16xi32>, vector<16xi1>
      tpu.vector_store %arg9[%swap3A_358], %or3A_357 masked %and3A_347 {strides = array<i32>} : memref<16400xi32, #tpu.memory_space<vmem>>, vector<16xi32>, vector<16xi1>
      %all_reduce_population_count3A_360 = tpu.all_reduce %and3A_347 {dim = 0 : i64, kind = #tpu.reduction_kind<sum>} : vector<16xi1> -> vector<16xi32>
      %reduce_max3A_361 = arith.constant true
      %reduce_max3A_362 = vector.broadcast %reduce_max3A_361 : i1 to vector<16xi1>
      %reduce_max3A_363 = arith.constant -2147483648 : i32
      %reduce_max3A_364 = vector.broadcast %reduce_max3A_363 : i32 to vector<16xi32>
      %reduce_max3A_365 = arith.xori %all_reduce_population_count3A_360, %reduce_max3A_364 : vector<16xi32>
      %reduce_max3A_366 = tpu.scan <max>, %reduce_max3A_365 masked %reduce_max3A_362 : vector<16xi32>, vector<16xi1> -> vector<16xi32>
      %reduce_max3A_367 = arith.xori %reduce_max3A_366, %reduce_max3A_364 : vector<16xi32>
      %reduce_max3A_368 = vector.extract %reduce_max3A_367[15] : i32 from vector<16xi32>
      %add3A_369 = arith.addi %add3A_336, %reduce_max3A_368 : i32
      scf.yield %add3A_369 : i32
    }
    %scan3A_242 = arith.constant 128 : i32
    "tpu.region"() ({
      %run_scoped3A = tpu.sem_alloc : memref<!tpu.dma_semaphore, #tpu.memory_space<semaphore_mem>>
      %dma_start3A_308 = arith.constant 4096 : i32
      %dma_start3A_309 = tpu.memref_slice %arg5[%dma_start3A_308] : memref<16384xi32, #tpu.memory_space<hbm>> -> memref<4096xi32, #tpu.memory_space<hbm>>
      %dma_start3A_310 = arith.constant 4096 : i32
      %dma_start3A_311 = tpu.memref_slice %arg5[%dma_start3A_310] : memref<16384xi32, #tpu.memory_space<hbm>> -> memref<4096xi32, #tpu.memory_space<hbm>>
      tpu.enqueue_dma source(%dma_start3A_311 : memref<4096xi32, #tpu.memory_space<hbm>>) target(%arg8 : memref<4096xi32, #tpu.memory_space<vmem>>) target_semaphore(%run_scoped3A : memref<!tpu.dma_semaphore, #tpu.memory_space<semaphore_mem>>)
      %dma_wait3A = arith.constant 4096 : i32
      %dma_wait3A_312 = tpu.memref_slice %arg5[%dma_wait3A] : memref<16384xi32, #tpu.memory_space<hbm>> -> memref<4096xi32, #tpu.memory_space<hbm>>
      %dma_wait3A_313 = arith.constant 4096 : i32
      %dma_wait3A_314 = tpu.memref_slice %arg5[%dma_wait3A_313] : memref<16384xi32, #tpu.memory_space<hbm>> -> memref<4096xi32, #tpu.memory_space<hbm>>
      tpu.wait_dma2 semaphore(%run_scoped3A : memref<!tpu.dma_semaphore, #tpu.memory_space<semaphore_mem>>) src(%dma_wait3A_314 : memref<4096xi32, #tpu.memory_space<hbm>>) dst(%arg8 : memref<4096xi32, #tpu.memory_space<vmem>>)
      tpu.yield
    }) : () -> ()
    %scan3A_243 = arith.constant 4096 : i32
    %scan3A_244 = arith.constant 0 : i32
    %scan3A_245 = arith.constant 128 : i32
    %scan3A_246 = arith.addi %scan3A_244, %scan3A_245 : i32
    %scan3A_247 = arith.constant 1 : i32
    %scan3A_248 = scf.for %scan3A_308 = %scan3A_244 to %scan3A_246 step %scan3A_247 iter_args(%scan3A_309 = %scan3A_241) -> (i32)  : i32 {
      %mul3A_310 = arith.constant 2 : i32
      %mul3A_311 = arith.muli %scan3A_308, %mul3A_310 : i32
      %add3A_312 = arith.constant 0 : i32
      %add3A_313 = arith.addi %mul3A_311, %add3A_312 : i32
      %mul3A_314 = arith.constant 16 : i32
      %mul3A_315 = arith.muli %add3A_313, %mul3A_314 : i32
      %get3A = arith.index_cast %mul3A_315 : i32 to index
      %get3A_316 = tpu.vector_load %arg8[%get3A] {strides = array<i32>} : memref<4096xi32, #tpu.memory_space<vmem>>, vector<16xi32>,
      %ge3A = arith.cmpi sge, %get3A_316, %add3A_168 : vector<16xi32>
      %lt3A_317 = arith.cmpi slt, %get3A_316, %add3A_172 : vector<16xi32>
      %and3A_318 = arith.andi %ge3A, %lt3A_317 : vector<16xi1>
      %sub3A_319 = arith.subi %get3A_316, %add3A_168 : vector<16xi32>
      %shift_left3A = arith.constant 14 : i32
      %shift_left3A_320 = vector.broadcast %shift_left3A : i32 to vector<16xi32>
      %shift_left3A_321 = arith.shli %sub3A_319, %shift_left3A_320 : vector<16xi32>
      %mul3A_322 = arith.constant 16 : i32
      %mul3A_323 = arith.muli %add3A_313, %mul3A_322 : i32
      %add3A_324 = arith.addi %scan3A_243, %mul3A_323 : i32
      %add3A_325 = vector.broadcast %add3A_324 : i32 to vector<16xi32>
      %add3A_326 = arith.addi %add3A_325, %iota3A_164 : vector<16xi32>
      %or3A = arith.ori %shift_left3A_321, %add3A_326 : vector<16xi32>
      %swap3A_327 = arith.index_cast %scan3A_309 : i32 to index
      %swap3A_328 = tpu.vector_load %arg9[%swap3A_327] masked %and3A_318 {strides = array<i32>} : memref<16400xi32, #tpu.memory_space<vmem>>, vector<16xi32>, vector<16xi1>
      tpu.vector_store %arg9[%swap3A_327], %or3A masked %and3A_318 {strides = array<i32>} : memref<16400xi32, #tpu.memory_space<vmem>>, vector<16xi32>, vector<16xi1>
      %all_reduce_population_count3A = tpu.all_reduce %and3A_318 {dim = 0 : i64, kind = #tpu.reduction_kind<sum>} : vector<16xi1> -> vector<16xi32>
      %reduce_max3A = arith.constant true
      %reduce_max3A_329 = vector.broadcast %reduce_max3A : i1 to vector<16xi1>
      %reduce_max3A_330 = arith.constant -2147483648 : i32
      %reduce_max3A_331 = vector.broadcast %reduce_max3A_330 : i32 to vector<16xi32>
      %reduce_max3A_332 = arith.xori %all_reduce_population_count3A, %reduce_max3A_331 : vector<16xi32>
      %reduce_max3A_333 = tpu.scan <max>, %reduce_max3A_332 masked %reduce_max3A_329 : vector<16xi32>, vector<16xi1> -> vector<16xi32>
      %reduce_max3A_334 = arith.xori %reduce_max3A_333, %reduce_max3A_331 : vector<16xi32>
      %reduce_max3A_335 = vector.extract %reduce_max3A_334[15] : i32 from vector<16xi32>
      %add3A_336 = arith.addi %scan3A_309, %reduce_max3A_335 : i32
      %mul3A_337 = arith.constant 2 : i32
      %mul3A_338 = arith.muli %scan3A_308, %mul3A_337 : i32
      %add3A_339 = arith.constant 1 : i32
      %add3A_340 = arith.addi %mul3A_338, %add3A_339 : i32
      %mul3A_341 = arith.constant 16 : i32
      %mul3A_342 = arith.muli %add3A_340, %mul3A_341 : i32
      %get3A_343 = arith.index_cast %mul3A_342 : i32 to index
      %get3A_344 = tpu.vector_load %arg8[%get3A_343] {strides = array<i32>} : memref<4096xi32, #tpu.memory_space<vmem>>, vector<16xi32>,
      %ge3A_345 = arith.cmpi sge, %get3A_344, %add3A_168 : vector<16xi32>
      %lt3A_346 = arith.cmpi slt, %get3A_344, %add3A_172 : vector<16xi32>
      %and3A_347 = arith.andi %ge3A_345, %lt3A_346 : vector<16xi1>
      %sub3A_348 = arith.subi %get3A_344, %add3A_168 : vector<16xi32>
      %shift_left3A_349 = arith.constant 14 : i32
      %shift_left3A_350 = vector.broadcast %shift_left3A_349 : i32 to vector<16xi32>
      %shift_left3A_351 = arith.shli %sub3A_348, %shift_left3A_350 : vector<16xi32>
      %mul3A_352 = arith.constant 16 : i32
      %mul3A_353 = arith.muli %add3A_340, %mul3A_352 : i32
      %add3A_354 = arith.addi %scan3A_243, %mul3A_353 : i32
      %add3A_355 = vector.broadcast %add3A_354 : i32 to vector<16xi32>
      %add3A_356 = arith.addi %add3A_355, %iota3A_164 : vector<16xi32>
      %or3A_357 = arith.ori %shift_left3A_351, %add3A_356 : vector<16xi32>
      %swap3A_358 = arith.index_cast %add3A_336 : i32 to index
      %swap3A_359 = tpu.vector_load %arg9[%swap3A_358] masked %and3A_347 {strides = array<i32>} : memref<16400xi32, #tpu.memory_space<vmem>>, vector<16xi32>, vector<16xi1>
      tpu.vector_store %arg9[%swap3A_358], %or3A_357 masked %and3A_347 {strides = array<i32>} : memref<16400xi32, #tpu.memory_space<vmem>>, vector<16xi32>, vector<16xi1>
      %all_reduce_population_count3A_360 = tpu.all_reduce %and3A_347 {dim = 0 : i64, kind = #tpu.reduction_kind<sum>} : vector<16xi1> -> vector<16xi32>
      %reduce_max3A_361 = arith.constant true
      %reduce_max3A_362 = vector.broadcast %reduce_max3A_361 : i1 to vector<16xi1>
      %reduce_max3A_363 = arith.constant -2147483648 : i32
      %reduce_max3A_364 = vector.broadcast %reduce_max3A_363 : i32 to vector<16xi32>
      %reduce_max3A_365 = arith.xori %all_reduce_population_count3A_360, %reduce_max3A_364 : vector<16xi32>
      %reduce_max3A_366 = tpu.scan <max>, %reduce_max3A_365 masked %reduce_max3A_362 : vector<16xi32>, vector<16xi1> -> vector<16xi32>
      %reduce_max3A_367 = arith.xori %reduce_max3A_366, %reduce_max3A_364 : vector<16xi32>
      %reduce_max3A_368 = vector.extract %reduce_max3A_367[15] : i32 from vector<16xi32>
      %add3A_369 = arith.addi %add3A_336, %reduce_max3A_368 : i32
      scf.yield %add3A_369 : i32
    }
    %scan3A_249 = arith.constant 128 : i32
    "tpu.region"() ({
      %run_scoped3A = tpu.sem_alloc : memref<!tpu.dma_semaphore, #tpu.memory_space<semaphore_mem>>
      %dma_start3A_308 = arith.constant 8192 : i32
      %dma_start3A_309 = tpu.memref_slice %arg5[%dma_start3A_308] : memref<16384xi32, #tpu.memory_space<hbm>> -> memref<4096xi32, #tpu.memory_space<hbm>>
      %dma_start3A_310 = arith.constant 8192 : i32
      %dma_start3A_311 = tpu.memref_slice %arg5[%dma_start3A_310] : memref<16384xi32, #tpu.memory_space<hbm>> -> memref<4096xi32, #tpu.memory_space<hbm>>
      tpu.enqueue_dma source(%dma_start3A_311 : memref<4096xi32, #tpu.memory_space<hbm>>) target(%arg8 : memref<4096xi32, #tpu.memory_space<vmem>>) target_semaphore(%run_scoped3A : memref<!tpu.dma_semaphore, #tpu.memory_space<semaphore_mem>>)
      %dma_wait3A = arith.constant 8192 : i32
      %dma_wait3A_312 = tpu.memref_slice %arg5[%dma_wait3A] : memref<16384xi32, #tpu.memory_space<hbm>> -> memref<4096xi32, #tpu.memory_space<hbm>>
      %dma_wait3A_313 = arith.constant 8192 : i32
      %dma_wait3A_314 = tpu.memref_slice %arg5[%dma_wait3A_313] : memref<16384xi32, #tpu.memory_space<hbm>> -> memref<4096xi32, #tpu.memory_space<hbm>>
      tpu.wait_dma2 semaphore(%run_scoped3A : memref<!tpu.dma_semaphore, #tpu.memory_space<semaphore_mem>>) src(%dma_wait3A_314 : memref<4096xi32, #tpu.memory_space<hbm>>) dst(%arg8 : memref<4096xi32, #tpu.memory_space<vmem>>)
      tpu.yield
    }) : () -> ()
    %scan3A_250 = arith.constant 8192 : i32
    %scan3A_251 = arith.constant 0 : i32
    %scan3A_252 = arith.constant 128 : i32
    %scan3A_253 = arith.addi %scan3A_251, %scan3A_252 : i32
    %scan3A_254 = arith.constant 1 : i32
    %scan3A_255 = scf.for %scan3A_308 = %scan3A_251 to %scan3A_253 step %scan3A_254 iter_args(%scan3A_309 = %scan3A_248) -> (i32)  : i32 {
      %mul3A_310 = arith.constant 2 : i32
      %mul3A_311 = arith.muli %scan3A_308, %mul3A_310 : i32
      %add3A_312 = arith.constant 0 : i32
      %add3A_313 = arith.addi %mul3A_311, %add3A_312 : i32
      %mul3A_314 = arith.constant 16 : i32
      %mul3A_315 = arith.muli %add3A_313, %mul3A_314 : i32
      %get3A = arith.index_cast %mul3A_315 : i32 to index
      %get3A_316 = tpu.vector_load %arg8[%get3A] {strides = array<i32>} : memref<4096xi32, #tpu.memory_space<vmem>>, vector<16xi32>,
      %ge3A = arith.cmpi sge, %get3A_316, %add3A_168 : vector<16xi32>
      %lt3A_317 = arith.cmpi slt, %get3A_316, %add3A_172 : vector<16xi32>
      %and3A_318 = arith.andi %ge3A, %lt3A_317 : vector<16xi1>
      %sub3A_319 = arith.subi %get3A_316, %add3A_168 : vector<16xi32>
      %shift_left3A = arith.constant 14 : i32
      %shift_left3A_320 = vector.broadcast %shift_left3A : i32 to vector<16xi32>
      %shift_left3A_321 = arith.shli %sub3A_319, %shift_left3A_320 : vector<16xi32>
      %mul3A_322 = arith.constant 16 : i32
      %mul3A_323 = arith.muli %add3A_313, %mul3A_322 : i32
      %add3A_324 = arith.addi %scan3A_250, %mul3A_323 : i32
      %add3A_325 = vector.broadcast %add3A_324 : i32 to vector<16xi32>
      %add3A_326 = arith.addi %add3A_325, %iota3A_164 : vector<16xi32>
      %or3A = arith.ori %shift_left3A_321, %add3A_326 : vector<16xi32>
      %swap3A_327 = arith.index_cast %scan3A_309 : i32 to index
      %swap3A_328 = tpu.vector_load %arg9[%swap3A_327] masked %and3A_318 {strides = array<i32>} : memref<16400xi32, #tpu.memory_space<vmem>>, vector<16xi32>, vector<16xi1>
      tpu.vector_store %arg9[%swap3A_327], %or3A masked %and3A_318 {strides = array<i32>} : memref<16400xi32, #tpu.memory_space<vmem>>, vector<16xi32>, vector<16xi1>
      %all_reduce_population_count3A = tpu.all_reduce %and3A_318 {dim = 0 : i64, kind = #tpu.reduction_kind<sum>} : vector<16xi1> -> vector<16xi32>
      %reduce_max3A = arith.constant true
      %reduce_max3A_329 = vector.broadcast %reduce_max3A : i1 to vector<16xi1>
      %reduce_max3A_330 = arith.constant -2147483648 : i32
      %reduce_max3A_331 = vector.broadcast %reduce_max3A_330 : i32 to vector<16xi32>
      %reduce_max3A_332 = arith.xori %all_reduce_population_count3A, %reduce_max3A_331 : vector<16xi32>
      %reduce_max3A_333 = tpu.scan <max>, %reduce_max3A_332 masked %reduce_max3A_329 : vector<16xi32>, vector<16xi1> -> vector<16xi32>
      %reduce_max3A_334 = arith.xori %reduce_max3A_333, %reduce_max3A_331 : vector<16xi32>
      %reduce_max3A_335 = vector.extract %reduce_max3A_334[15] : i32 from vector<16xi32>
      %add3A_336 = arith.addi %scan3A_309, %reduce_max3A_335 : i32
      %mul3A_337 = arith.constant 2 : i32
      %mul3A_338 = arith.muli %scan3A_308, %mul3A_337 : i32
      %add3A_339 = arith.constant 1 : i32
      %add3A_340 = arith.addi %mul3A_338, %add3A_339 : i32
      %mul3A_341 = arith.constant 16 : i32
      %mul3A_342 = arith.muli %add3A_340, %mul3A_341 : i32
      %get3A_343 = arith.index_cast %mul3A_342 : i32 to index
      %get3A_344 = tpu.vector_load %arg8[%get3A_343] {strides = array<i32>} : memref<4096xi32, #tpu.memory_space<vmem>>, vector<16xi32>,
      %ge3A_345 = arith.cmpi sge, %get3A_344, %add3A_168 : vector<16xi32>
      %lt3A_346 = arith.cmpi slt, %get3A_344, %add3A_172 : vector<16xi32>
      %and3A_347 = arith.andi %ge3A_345, %lt3A_346 : vector<16xi1>
      %sub3A_348 = arith.subi %get3A_344, %add3A_168 : vector<16xi32>
      %shift_left3A_349 = arith.constant 14 : i32
      %shift_left3A_350 = vector.broadcast %shift_left3A_349 : i32 to vector<16xi32>
      %shift_left3A_351 = arith.shli %sub3A_348, %shift_left3A_350 : vector<16xi32>
      %mul3A_352 = arith.constant 16 : i32
      %mul3A_353 = arith.muli %add3A_340, %mul3A_352 : i32
      %add3A_354 = arith.addi %scan3A_250, %mul3A_353 : i32
      %add3A_355 = vector.broadcast %add3A_354 : i32 to vector<16xi32>
      %add3A_356 = arith.addi %add3A_355, %iota3A_164 : vector<16xi32>
      %or3A_357 = arith.ori %shift_left3A_351, %add3A_356 : vector<16xi32>
      %swap3A_358 = arith.index_cast %add3A_336 : i32 to index
      %swap3A_359 = tpu.vector_load %arg9[%swap3A_358] masked %and3A_347 {strides = array<i32>} : memref<16400xi32, #tpu.memory_space<vmem>>, vector<16xi32>, vector<16xi1>
      tpu.vector_store %arg9[%swap3A_358], %or3A_357 masked %and3A_347 {strides = array<i32>} : memref<16400xi32, #tpu.memory_space<vmem>>, vector<16xi32>, vector<16xi1>
      %all_reduce_population_count3A_360 = tpu.all_reduce %and3A_347 {dim = 0 : i64, kind = #tpu.reduction_kind<sum>} : vector<16xi1> -> vector<16xi32>
      %reduce_max3A_361 = arith.constant true
      %reduce_max3A_362 = vector.broadcast %reduce_max3A_361 : i1 to vector<16xi1>
      %reduce_max3A_363 = arith.constant -2147483648 : i32
      %reduce_max3A_364 = vector.broadcast %reduce_max3A_363 : i32 to vector<16xi32>
      %reduce_max3A_365 = arith.xori %all_reduce_population_count3A_360, %reduce_max3A_364 : vector<16xi32>
      %reduce_max3A_366 = tpu.scan <max>, %reduce_max3A_365 masked %reduce_max3A_362 : vector<16xi32>, vector<16xi1> -> vector<16xi32>
      %reduce_max3A_367 = arith.xori %reduce_max3A_366, %reduce_max3A_364 : vector<16xi32>
      %reduce_max3A_368 = vector.extract %reduce_max3A_367[15] : i32 from vector<16xi32>
      %add3A_369 = arith.addi %add3A_336, %reduce_max3A_368 : i32
      scf.yield %add3A_369 : i32
    }
    %scan3A_256 = arith.constant 128 : i32
    "tpu.region"() ({
      %run_scoped3A = tpu.sem_alloc : memref<!tpu.dma_semaphore, #tpu.memory_space<semaphore_mem>>
      %dma_start3A_308 = arith.constant 12288 : i32
      %dma_start3A_309 = tpu.memref_slice %arg5[%dma_start3A_308] : memref<16384xi32, #tpu.memory_space<hbm>> -> memref<4096xi32, #tpu.memory_space<hbm>>
      %dma_start3A_310 = arith.constant 12288 : i32
      %dma_start3A_311 = tpu.memref_slice %arg5[%dma_start3A_310] : memref<16384xi32, #tpu.memory_space<hbm>> -> memref<4096xi32, #tpu.memory_space<hbm>>
      tpu.enqueue_dma source(%dma_start3A_311 : memref<4096xi32, #tpu.memory_space<hbm>>) target(%arg8 : memref<4096xi32, #tpu.memory_space<vmem>>) target_semaphore(%run_scoped3A : memref<!tpu.dma_semaphore, #tpu.memory_space<semaphore_mem>>)
      %dma_wait3A = arith.constant 12288 : i32
      %dma_wait3A_312 = tpu.memref_slice %arg5[%dma_wait3A] : memref<16384xi32, #tpu.memory_space<hbm>> -> memref<4096xi32, #tpu.memory_space<hbm>>
      %dma_wait3A_313 = arith.constant 12288 : i32
      %dma_wait3A_314 = tpu.memref_slice %arg5[%dma_wait3A_313] : memref<16384xi32, #tpu.memory_space<hbm>> -> memref<4096xi32, #tpu.memory_space<hbm>>
      tpu.wait_dma2 semaphore(%run_scoped3A : memref<!tpu.dma_semaphore, #tpu.memory_space<semaphore_mem>>) src(%dma_wait3A_314 : memref<4096xi32, #tpu.memory_space<hbm>>) dst(%arg8 : memref<4096xi32, #tpu.memory_space<vmem>>)
      tpu.yield
    }) : () -> ()
    %scan3A_257 = arith.constant 12288 : i32
    %scan3A_258 = arith.constant 0 : i32
    %scan3A_259 = arith.constant 128 : i32
    %scan3A_260 = arith.addi %scan3A_258, %scan3A_259 : i32
    %scan3A_261 = arith.constant 1 : i32
    %scan3A_262 = scf.for %scan3A_308 = %scan3A_258 to %scan3A_260 step %scan3A_261 iter_args(%scan3A_309 = %scan3A_255) -> (i32)  : i32 {
      %mul3A_310 = arith.constant 2 : i32
      %mul3A_311 = arith.muli %scan3A_308, %mul3A_310 : i32
      %add3A_312 = arith.constant 0 : i32
      %add3A_313 = arith.addi %mul3A_311, %add3A_312 : i32
      %mul3A_314 = arith.constant 16 : i32
      %mul3A_315 = arith.muli %add3A_313, %mul3A_314 : i32
      %get3A = arith.index_cast %mul3A_315 : i32 to index
      %get3A_316 = tpu.vector_load %arg8[%get3A] {strides = array<i32>} : memref<4096xi32, #tpu.memory_space<vmem>>, vector<16xi32>,
      %ge3A = arith.cmpi sge, %get3A_316, %add3A_168 : vector<16xi32>
      %lt3A_317 = arith.cmpi slt, %get3A_316, %add3A_172 : vector<16xi32>
      %and3A_318 = arith.andi %ge3A, %lt3A_317 : vector<16xi1>
      %sub3A_319 = arith.subi %get3A_316, %add3A_168 : vector<16xi32>
      %shift_left3A = arith.constant 14 : i32
      %shift_left3A_320 = vector.broadcast %shift_left3A : i32 to vector<16xi32>
      %shift_left3A_321 = arith.shli %sub3A_319, %shift_left3A_320 : vector<16xi32>
      %mul3A_322 = arith.constant 16 : i32
      %mul3A_323 = arith.muli %add3A_313, %mul3A_322 : i32
      %add3A_324 = arith.addi %scan3A_257, %mul3A_323 : i32
      %add3A_325 = vector.broadcast %add3A_324 : i32 to vector<16xi32>
      %add3A_326 = arith.addi %add3A_325, %iota3A_164 : vector<16xi32>
      %or3A = arith.ori %shift_left3A_321, %add3A_326 : vector<16xi32>
      %swap3A_327 = arith.index_cast %scan3A_309 : i32 to index
      %swap3A_328 = tpu.vector_load %arg9[%swap3A_327] masked %and3A_318 {strides = array<i32>} : memref<16400xi32, #tpu.memory_space<vmem>>, vector<16xi32>, vector<16xi1>
      tpu.vector_store %arg9[%swap3A_327], %or3A masked %and3A_318 {strides = array<i32>} : memref<16400xi32, #tpu.memory_space<vmem>>, vector<16xi32>, vector<16xi1>
      %all_reduce_population_count3A = tpu.all_reduce %and3A_318 {dim = 0 : i64, kind = #tpu.reduction_kind<sum>} : vector<16xi1> -> vector<16xi32>
      %reduce_max3A = arith.constant true
      %reduce_max3A_329 = vector.broadcast %reduce_max3A : i1 to vector<16xi1>
      %reduce_max3A_330 = arith.constant -2147483648 : i32
      %reduce_max3A_331 = vector.broadcast %reduce_max3A_330 : i32 to vector<16xi32>
      %reduce_max3A_332 = arith.xori %all_reduce_population_count3A, %reduce_max3A_331 : vector<16xi32>
      %reduce_max3A_333 = tpu.scan <max>, %reduce_max3A_332 masked %reduce_max3A_329 : vector<16xi32>, vector<16xi1> -> vector<16xi32>
      %reduce_max3A_334 = arith.xori %reduce_max3A_333, %reduce_max3A_331 : vector<16xi32>
      %reduce_max3A_335 = vector.extract %reduce_max3A_334[15] : i32 from vector<16xi32>
      %add3A_336 = arith.addi %scan3A_309, %reduce_max3A_335 : i32
      %mul3A_337 = arith.constant 2 : i32
      %mul3A_338 = arith.muli %scan3A_308, %mul3A_337 : i32
      %add3A_339 = arith.constant 1 : i32
      %add3A_340 = arith.addi %mul3A_338, %add3A_339 : i32
      %mul3A_341 = arith.constant 16 : i32
      %mul3A_342 = arith.muli %add3A_340, %mul3A_341 : i32
      %get3A_343 = arith.index_cast %mul3A_342 : i32 to index
      %get3A_344 = tpu.vector_load %arg8[%get3A_343] {strides = array<i32>} : memref<4096xi32, #tpu.memory_space<vmem>>, vector<16xi32>,
      %ge3A_345 = arith.cmpi sge, %get3A_344, %add3A_168 : vector<16xi32>
      %lt3A_346 = arith.cmpi slt, %get3A_344, %add3A_172 : vector<16xi32>
      %and3A_347 = arith.andi %ge3A_345, %lt3A_346 : vector<16xi1>
      %sub3A_348 = arith.subi %get3A_344, %add3A_168 : vector<16xi32>
      %shift_left3A_349 = arith.constant 14 : i32
      %shift_left3A_350 = vector.broadcast %shift_left3A_349 : i32 to vector<16xi32>
      %shift_left3A_351 = arith.shli %sub3A_348, %shift_left3A_350 : vector<16xi32>
      %mul3A_352 = arith.constant 16 : i32
      %mul3A_353 = arith.muli %add3A_340, %mul3A_352 : i32
      %add3A_354 = arith.addi %scan3A_257, %mul3A_353 : i32
      %add3A_355 = vector.broadcast %add3A_354 : i32 to vector<16xi32>
      %add3A_356 = arith.addi %add3A_355, %iota3A_164 : vector<16xi32>
      %or3A_357 = arith.ori %shift_left3A_351, %add3A_356 : vector<16xi32>
      %swap3A_358 = arith.index_cast %add3A_336 : i32 to index
      %swap3A_359 = tpu.vector_load %arg9[%swap3A_358] masked %and3A_347 {strides = array<i32>} : memref<16400xi32, #tpu.memory_space<vmem>>, vector<16xi32>, vector<16xi1>
      tpu.vector_store %arg9[%swap3A_358], %or3A_357 masked %and3A_347 {strides = array<i32>} : memref<16400xi32, #tpu.memory_space<vmem>>, vector<16xi32>, vector<16xi1>
      %all_reduce_population_count3A_360 = tpu.all_reduce %and3A_347 {dim = 0 : i64, kind = #tpu.reduction_kind<sum>} : vector<16xi1> -> vector<16xi32>
      %reduce_max3A_361 = arith.constant true
      %reduce_max3A_362 = vector.broadcast %reduce_max3A_361 : i1 to vector<16xi1>
      %reduce_max3A_363 = arith.constant -2147483648 : i32
      %reduce_max3A_364 = vector.broadcast %reduce_max3A_363 : i32 to vector<16xi32>
      %reduce_max3A_365 = arith.xori %all_reduce_population_count3A_360, %reduce_max3A_364 : vector<16xi32>
      %reduce_max3A_366 = tpu.scan <max>, %reduce_max3A_365 masked %reduce_max3A_362 : vector<16xi32>, vector<16xi1> -> vector<16xi32>
      %reduce_max3A_367 = arith.xori %reduce_max3A_366, %reduce_max3A_364 : vector<16xi32>
      %reduce_max3A_368 = vector.extract %reduce_max3A_367[15] : i32 from vector<16xi32>
      %add3A_369 = arith.addi %add3A_336, %reduce_max3A_368 : i32
      scf.yield %add3A_369 : i32
    }
    %scan3A_263 = arith.constant 128 : i32
    %broadcast_in_dim3A_264 = arith.constant -1 : i32
    "tpu.trace_stop"() : () -> ()
    %broadcast_in_dim3A_265 = vector.broadcast %broadcast_in_dim3A_264 : i32 to vector<16xi32>
    %swap3A_266 = arith.index_cast %scan3A_262 : i32 to index
    %swap3A_267 = tpu.vector_load %arg9[%swap3A_266] {strides = array<i32>} : memref<16400xi32, #tpu.memory_space<vmem>>, vector<16xi32>,
    tpu.vector_store %arg9[%swap3A_266], %broadcast_in_dim3A_265 {strides = array<i32>} : memref<16400xi32, #tpu.memory_space<vmem>>, vector<16xi32>,
    %add3A_268 = arith.constant 15 : i32
    %add3A_269 = arith.addi %scan3A_262, %add3A_268 : i32
    %jit3A_270 = arith.constant 16 : i32
    %div3A_271 = arith.divsi %add3A_269, %jit3A_270 : i32
    %sign3A_272 = arith.constant 0 : i32
    %sign3A_273 = arith.cmpi sgt, %add3A_269, %sign3A_272 : i32
    %sign3A_274 = arith.extui %sign3A_273 : i1 to i32
    %sign3A_275 = arith.constant 0 : i32
    %sign3A_276 = arith.cmpi slt, %add3A_269, %sign3A_275 : i32
    %sign3A_277 = arith.extui %sign3A_276 : i1 to i32
    %sign3A_278 = arith.subi %sign3A_274, %sign3A_277 : i32
    %sign3A_279 = arith.constant 0 : i32
    %sign3A_280 = arith.cmpi sgt, %jit3A_270, %sign3A_279 : i32
    %sign3A_281 = arith.extui %sign3A_280 : i1 to i32
    %sign3A_282 = arith.constant 0 : i32
    %sign3A_283 = arith.cmpi slt, %jit3A_270, %sign3A_282 : i32
    %sign3A_284 = arith.extui %sign3A_283 : i1 to i32
    %sign3A_285 = arith.subi %sign3A_281, %sign3A_284 : i32
    %ne3A_286 = arith.cmpi ne, %sign3A_278, %sign3A_285 : i32
    %rem3A_287 = arith.remsi %add3A_269, %jit3A_270 : i32
    %ne3A_288 = arith.constant 0 : i32
    %ne3A_289 = arith.cmpi ne, %rem3A_287, %ne3A_288 : i32
    %and3A_290 = arith.andi %ne3A_286, %ne3A_289 : i1
    %sub3A_291 = arith.constant 1 : i32
    %sub3A_292 = arith.subi %div3A_271, %sub3A_291 : i32
    %select_n3A_293 = arith.select %and3A_290, %sub3A_292, %div3A_271 : i32
    "tpu.trace_start"() <{level = 10 : i32, message = "stream"}> : () -> ()
    %scan3A_294 = arith.constant 0 : i32
    %scan3A_295 = arith.constant 0 : i32
    %scan3A_296 = arith.constant 21 : i32
    %scan3A_297 = arith.addi %scan3A_295, %scan3A_296 : i32
    %scan3A_298 = arith.constant 1 : i32
    %scan3A_299 = scf.for %scan3A_308 = %scan3A_295 to %scan3A_297 step %scan3A_298 iter_args(%scan3A_309 = %scan3A_294) -> (i32)  : i32 {
      %and3A_310 = arith.constant 1 : i32
      %and3A_311 = arith.andi %scan3A_308, %and3A_310 : i32
      %dma_wait3A = arith.constant 0 : i32
      %dma_wait3A_312 = arith.constant 0 : i32
      %dma_wait3A_313 = tpu.memref_slice %arg10[%and3A_311, %dma_wait3A, %dma_wait3A_312] : memref<2x32x1536xf32, #tpu.memory_space<vmem>> -> memref<1x32x1536xf32, #tpu.memory_space<vmem>>
      %dma_wait3A_314 = tpu.memref_squeeze %dma_wait3A_313 : memref<1x32x1536xf32, #tpu.memory_space<vmem>> -> memref<32x1536xf32, #tpu.memory_space<vmem>>
      %dma_wait3A_315 = arith.constant 0 : i32
      %dma_wait3A_316 = arith.constant 0 : i32
      %dma_wait3A_317 = tpu.memref_slice %arg3[%dma_wait3A_315, %dma_wait3A_316] : memref<32x1000000xf32, #tpu.memory_space<hbm>> -> memref<32x1536xf32, #tpu.memory_space<hbm>>
      %dma_wait3A_318 = arith.constant 0 : i32
      %dma_wait3A_319 = arith.constant 0 : i32
      %dma_wait3A_320 = tpu.memref_slice %arg10[%and3A_311, %dma_wait3A_318, %dma_wait3A_319] : memref<2x32x1536xf32, #tpu.memory_space<vmem>> -> memref<1x32x1536xf32, #tpu.memory_space<vmem>>
      %dma_wait3A_321 = tpu.memref_squeeze %dma_wait3A_320 : memref<1x32x1536xf32, #tpu.memory_space<vmem>> -> memref<32x1536xf32, #tpu.memory_space<vmem>>
      %dma_wait3A_322 = arith.constant 0 : i32
      %dma_wait3A_323 = arith.constant 0 : i32
      %dma_wait3A_324 = tpu.memref_slice %arg3[%dma_wait3A_322, %dma_wait3A_323] : memref<32x1000000xf32, #tpu.memory_space<hbm>> -> memref<32x1536xf32, #tpu.memory_space<hbm>>
      tpu.wait_dma2 semaphore(%arg14 : memref<!tpu.dma_semaphore, #tpu.memory_space<semaphore_mem>>) src(%dma_wait3A_324 : memref<32x1536xf32, #tpu.memory_space<hbm>>) dst(%dma_wait3A_321 : memref<32x1536xf32, #tpu.memory_space<vmem>>)
      %mul3A_325 = arith.constant 1536 : i32
      %mul3A_326 = arith.muli %scan3A_308, %mul3A_325 : i32
      %add3A_327 = arith.addi %mul3A_160, %mul3A_326 : i32
      %sub3A_328 = arith.constant 1536 : i32
      %sub3A_329 = arith.subi %add3A_163, %sub3A_328 : i32
      %min3A_330 = arith.minsi %add3A_327, %sub3A_329 : i32
      %sub3A_331 = arith.subi %min3A_330, %mul3A_160 : i32
      %broadcast_in_dim3A_332 = arith.constant 0 : i32
      %broadcast_in_dim3A_333 = vector.broadcast %broadcast_in_dim3A_332 : i32 to vector<16xi32>
      %shift_left3A = arith.constant 14 : i32
      %shift_left3A_334 = arith.shli %sub3A_331, %shift_left3A : i32
      %add3A_335 = vector.broadcast %shift_left3A_334 : i32 to vector<16xi32>
      %add3A_336 = arith.addi %broadcast_in_dim3A_333, %add3A_335 : vector<16xi32>
      %broadcast_in_dim3A_337 = arith.constant 0 : i32
      %broadcast_in_dim3A_338 = vector.broadcast %broadcast_in_dim3A_337 : i32 to vector<16xi32>
      %add3A_339 = arith.constant 1536 : i32
      %add3A_340 = arith.addi %sub3A_331, %add3A_339 : i32
      %shift_left3A_341 = arith.constant 14 : i32
      %shift_left3A_342 = arith.shli %add3A_340, %shift_left3A_341 : i32
      %add3A_343 = vector.broadcast %shift_left3A_342 : i32 to vector<16xi32>
      %add3A_344 = arith.addi %broadcast_in_dim3A_338, %add3A_343 : vector<16xi32>
      %broadcast_in_dim3A_345 = arith.constant 0 : i32
      %broadcast_in_dim3A_346 = vector.broadcast %broadcast_in_dim3A_345 : i32 to vector<16xi32>
      %add3A_347 = vector.broadcast %sub3A_331 : i32 to vector<16xi32>
      %add3A_348 = arith.addi %broadcast_in_dim3A_346, %add3A_347 : vector<16xi32>
      %while3A = arith.constant 0 : i32
      %while3A_349 = arith.subi %select_n3A_293, %while3A : i32
      %while3A_350 = arith.addi %while3A, %while3A_349 : i32
      %while3A_351 = arith.constant 1 : i32
      %while3A_352 = arith.divsi %while3A_349, %while3A_351 : i32
      %while3A_353 = arith.muli %while3A_352, %while3A_351 : i32
      %while3A_354 = arith.addi %while3A, %while3A_353 : i32
      %while3A_355 = arith.constant 1 : i32
      %while3A_356 = scf.for %while3A_364 = %while3A to %while3A_354 step %while3A_355 iter_args(%while3A_365 = %scan3A_309) -> (i32)  : i32 {
        %mul3A_366 = arith.constant 16 : i32
        %mul3A_367 = arith.muli %while3A_364, %mul3A_366 : i32
        %get3A = arith.index_cast %mul3A_367 : i32 to index
        %get3A_368 = tpu.vector_load %arg9[%get3A] {strides = array<i32>} : memref<16400xi32, #tpu.memory_space<vmem>>, vector<16xi32>,
        %ge3A = arith.cmpi sge, %get3A_368, %add3A_336 : vector<16xi32>
        %lt3A_369 = arith.cmpi slt, %get3A_368, %add3A_344 : vector<16xi32>
        %and3A_370 = arith.andi %ge3A, %lt3A_369 : vector<16xi1>
        %reduce_or3A = arith.constant 1.000000e+00 : f32
        %reduce_or3A_371 = arith.constant 0.000000e+00 : f32
        %reduce_or3A_372 = vector.broadcast %reduce_or3A : f32 to vector<16xf32>
        %reduce_or3A_373 = vector.broadcast %reduce_or3A_371 : f32 to vector<16xf32>
        %reduce_or3A_374 = arith.select %and3A_370, %reduce_or3A_372, %reduce_or3A_373 : vector<16xi1>, vector<16xf32>
        %reduce_or3A_375 = arith.constant true
        %reduce_or3A_376 = vector.broadcast %reduce_or3A_375 : i1 to vector<16xi1>
        %reduce_or3A_377 = tpu.scan <max>, %reduce_or3A_374 masked %reduce_or3A_376 : vector<16xf32>, vector<16xi1> -> vector<16xf32>
        %reduce_or3A_378 = vector.extract %reduce_or3A_377[15] : f32 from vector<16xf32>
        %reduce_or3A_379 = arith.constant 0.000000e+00 : f32
        %reduce_or3A_380 = arith.cmpf ogt, %reduce_or3A_378, %reduce_or3A_379 : f32
        %convert_element_type3A_381 = arith.extui %reduce_or3A_380 : i1 to i32
        %cond3A_382 = arith.constant 0 : i32
        %cond3A_383 = arith.cmpi ne, %convert_element_type3A_381, %cond3A_382 : i32
        %cond3A_384 = scf.if %cond3A_383 -> (i32) {
          %and3A_385 = arith.constant 3 : i32
          %and3A_386 = arith.andi %while3A_365, %and3A_385 : i32
          %ge3A_387 = arith.constant 4 : i32
          %ge3A_388 = arith.cmpi sge, %while3A_365, %ge3A_387 : i32
          %convert_element_type3A_389 = arith.extui %ge3A_388 : i1 to i32
          %cond3A_390 = arith.constant 0 : i32
          %cond3A_391 = arith.cmpi ne, %convert_element_type3A_389, %cond3A_390 : i32
          scf.if %cond3A_391 {
            %mul3A_525 = arith.constant 16 : i32
            %mul3A_526 = arith.muli %and3A_386, %mul3A_525 : i32
            %dma_wait3A_527 = arith.constant 0 : i32
            %dma_wait3A_528 = tpu.memref_slice %arg11[%mul3A_526, %dma_wait3A_527] : memref<64x128xf32, #tpu.memory_space<vmem>> -> memref<16x128xf32, #tpu.memory_space<vmem>>
            %dma_wait3A_529 = arith.constant 0 : i32
            %dma_wait3A_530 = arith.constant 0 : i32
            %dma_wait3A_531 = tpu.memref_slice %arg7[%dma_wait3A_529, %dma_wait3A_530] : memref<16384x128xf32, #tpu.memory_space<hbm>> -> memref<16x128xf32, #tpu.memory_space<hbm>>
            %dma_wait3A_532 = arith.constant 0 : i32
            %dma_wait3A_533 = tpu.memref_slice %arg11[%mul3A_526, %dma_wait3A_532] : memref<64x128xf32, #tpu.memory_space<vmem>> -> memref<16x128xf32, #tpu.memory_space<vmem>>
            %dma_wait3A_534 = arith.constant 0 : i32
            %dma_wait3A_535 = arith.constant 0 : i32
            %dma_wait3A_536 = tpu.memref_slice %arg7[%dma_wait3A_534, %dma_wait3A_535] : memref<16384x128xf32, #tpu.memory_space<hbm>> -> memref<16x128xf32, #tpu.memory_space<hbm>>
            tpu.wait_dma2 semaphore(%arg13 : memref<!tpu.dma_semaphore, #tpu.memory_space<semaphore_mem>>) src(%dma_wait3A_536 : memref<16x128xf32, #tpu.memory_space<hbm>>) dst(%dma_wait3A_533 : memref<16x128xf32, #tpu.memory_space<vmem>>)
          } else {
          }
          %shift_right_logical3A = arith.constant 14 : i32
          %shift_right_logical3A_392 = vector.broadcast %shift_right_logical3A : i32 to vector<16xi32>
          %shift_right_logical3A_393 = arith.shrui %get3A_368, %shift_right_logical3A_392 : vector<16xi32>
          %sub3A_394 = arith.subi %shift_right_logical3A_393, %add3A_348 : vector<16xi32>
          %jit3A_395 = arith.constant 0 : i32
          %jit3A_396 = arith.constant 1535 : i32
          %max3A = vector.broadcast %jit3A_395 : i32 to vector<16xi32>
          %max3A_397 = arith.maxsi %max3A, %sub3A_394 : vector<16xi32>
          %min3A_398 = vector.broadcast %jit3A_396 : i32 to vector<16xi32>
          %min3A_399 = arith.minsi %min3A_398, %max3A_397 : vector<16xi32>
          %and3A_400 = arith.constant 16383 : i32
          %and3A_401 = vector.broadcast %and3A_400 : i32 to vector<16xi32>
          %and3A_402 = arith.andi %get3A_368, %and3A_401 : vector<16xi32>
          %mul3A_403 = arith.constant 16 : i32
          %mul3A_404 = arith.muli %and3A_386, %mul3A_403 : i32
          %add3A_405 = vector.broadcast %mul3A_404 : i32 to vector<16xi32>
          %add3A_406 = arith.addi %add3A_405, %iota3A_164 : vector<16xi32>
          %broadcast_in_dim3A_407 = arith.constant 0 : i32
          %broadcast_in_dim3A_408 = vector.broadcast %broadcast_in_dim3A_407 : i32 to vector<16xi32>
          %add3A_409 = vector.broadcast %and3A_311 : i32 to vector<16xi32>
          %add3A_410 = arith.addi %broadcast_in_dim3A_408, %add3A_409 : vector<16xi32>
          %broadcast_in_dim3A_411 = arith.constant 0 : i32
          %broadcast_in_dim3A_412 = vector.broadcast %broadcast_in_dim3A_411 : i32 to vector<16xi32>
          %gather3A = tpu.vector_load_idx %arg10[%add3A_410, %broadcast_in_dim3A_412, %min3A_399] : memref<2x32x1536xf32, #tpu.memory_space<vmem>>[vector<16xi32>, vector<16xi32>, vector<16xi32>], vector<16xf32>,
          tpu.vector_store_idx %arg11[%add3A_406, %broadcast_in_dim3A_412], %gather3A : memref<64x128xf32, #tpu.memory_space<vmem>>[vector<16xi32>, vector<16xi32>], vector<16xf32>,
          %broadcast_in_dim3A_413 = arith.constant 1 : i32
          %broadcast_in_dim3A_414 = vector.broadcast %broadcast_in_dim3A_413 : i32 to vector<16xi32>
          %gather3A_415 = tpu.vector_load_idx %arg10[%add3A_410, %broadcast_in_dim3A_414, %min3A_399] : memref<2x32x1536xf32, #tpu.memory_space<vmem>>[vector<16xi32>, vector<16xi32>, vector<16xi32>], vector<16xf32>,
          tpu.vector_store_idx %arg11[%add3A_406, %broadcast_in_dim3A_414], %gather3A_415 : memref<64x128xf32, #tpu.memory_space<vmem>>[vector<16xi32>, vector<16xi32>], vector<16xf32>,
          %broadcast_in_dim3A_416 = arith.constant 2 : i32
          %broadcast_in_dim3A_417 = vector.broadcast %broadcast_in_dim3A_416 : i32 to vector<16xi32>
          %gather3A_418 = tpu.vector_load_idx %arg10[%add3A_410, %broadcast_in_dim3A_417, %min3A_399] : memref<2x32x1536xf32, #tpu.memory_space<vmem>>[vector<16xi32>, vector<16xi32>, vector<16xi32>], vector<16xf32>,
          tpu.vector_store_idx %arg11[%add3A_406, %broadcast_in_dim3A_417], %gather3A_418 : memref<64x128xf32, #tpu.memory_space<vmem>>[vector<16xi32>, vector<16xi32>], vector<16xf32>,
          %broadcast_in_dim3A_419 = arith.constant 3 : i32
          %broadcast_in_dim3A_420 = vector.broadcast %broadcast_in_dim3A_419 : i32 to vector<16xi32>
          %gather3A_421 = tpu.vector_load_idx %arg10[%add3A_410, %broadcast_in_dim3A_420, %min3A_399] : memref<2x32x1536xf32, #tpu.memory_space<vmem>>[vector<16xi32>, vector<16xi32>, vector<16xi32>], vector<16xf32>,
          tpu.vector_store_idx %arg11[%add3A_406, %broadcast_in_dim3A_420], %gather3A_421 : memref<64x128xf32, #tpu.memory_space<vmem>>[vector<16xi32>, vector<16xi32>], vector<16xf32>,
          %broadcast_in_dim3A_422 = arith.constant 4 : i32
          %broadcast_in_dim3A_423 = vector.broadcast %broadcast_in_dim3A_422 : i32 to vector<16xi32>
          %gather3A_424 = tpu.vector_load_idx %arg10[%add3A_410, %broadcast_in_dim3A_423, %min3A_399] : memref<2x32x1536xf32, #tpu.memory_space<vmem>>[vector<16xi32>, vector<16xi32>, vector<16xi32>], vector<16xf32>,
          tpu.vector_store_idx %arg11[%add3A_406, %broadcast_in_dim3A_423], %gather3A_424 : memref<64x128xf32, #tpu.memory_space<vmem>>[vector<16xi32>, vector<16xi32>], vector<16xf32>,
          %broadcast_in_dim3A_425 = arith.constant 5 : i32
          %broadcast_in_dim3A_426 = vector.broadcast %broadcast_in_dim3A_425 : i32 to vector<16xi32>
          %gather3A_427 = tpu.vector_load_idx %arg10[%add3A_410, %broadcast_in_dim3A_426, %min3A_399] : memref<2x32x1536xf32, #tpu.memory_space<vmem>>[vector<16xi32>, vector<16xi32>, vector<16xi32>], vector<16xf32>,
          tpu.vector_store_idx %arg11[%add3A_406, %broadcast_in_dim3A_426], %gather3A_427 : memref<64x128xf32, #tpu.memory_space<vmem>>[vector<16xi32>, vector<16xi32>], vector<16xf32>,
          %broadcast_in_dim3A_428 = arith.constant 6 : i32
          %broadcast_in_dim3A_429 = vector.broadcast %broadcast_in_dim3A_428 : i32 to vector<16xi32>
          %gather3A_430 = tpu.vector_load_idx %arg10[%add3A_410, %broadcast_in_dim3A_429, %min3A_399] : memref<2x32x1536xf32, #tpu.memory_space<vmem>>[vector<16xi32>, vector<16xi32>, vector<16xi32>], vector<16xf32>,
          tpu.vector_store_idx %arg11[%add3A_406, %broadcast_in_dim3A_429], %gather3A_430 : memref<64x128xf32, #tpu.memory_space<vmem>>[vector<16xi32>, vector<16xi32>], vector<16xf32>,
          %broadcast_in_dim3A_431 = arith.constant 7 : i32
          %broadcast_in_dim3A_432 = vector.broadcast %broadcast_in_dim3A_431 : i32 to vector<16xi32>
          %gather3A_433 = tpu.vector_load_idx %arg10[%add3A_410, %broadcast_in_dim3A_432, %min3A_399] : memref<2x32x1536xf32, #tpu.memory_space<vmem>>[vector<16xi32>, vector<16xi32>, vector<16xi32>], vector<16xf32>,
          tpu.vector_store_idx %arg11[%add3A_406, %broadcast_in_dim3A_432], %gather3A_433 : memref<64x128xf32, #tpu.memory_space<vmem>>[vector<16xi32>, vector<16xi32>], vector<16xf32>,
          %broadcast_in_dim3A_434 = arith.constant 8 : i32
          %broadcast_in_dim3A_435 = vector.broadcast %broadcast_in_dim3A_434 : i32 to vector<16xi32>
          %gather3A_436 = tpu.vector_load_idx %arg10[%add3A_410, %broadcast_in_dim3A_435, %min3A_399] : memref<2x32x1536xf32, #tpu.memory_space<vmem>>[vector<16xi32>, vector<16xi32>, vector<16xi32>], vector<16xf32>,
          tpu.vector_store_idx %arg11[%add3A_406, %broadcast_in_dim3A_435], %gather3A_436 : memref<64x128xf32, #tpu.memory_space<vmem>>[vector<16xi32>, vector<16xi32>], vector<16xf32>,
          %broadcast_in_dim3A_437 = arith.constant 9 : i32
          %broadcast_in_dim3A_438 = vector.broadcast %broadcast_in_dim3A_437 : i32 to vector<16xi32>
          %gather3A_439 = tpu.vector_load_idx %arg10[%add3A_410, %broadcast_in_dim3A_438, %min3A_399] : memref<2x32x1536xf32, #tpu.memory_space<vmem>>[vector<16xi32>, vector<16xi32>, vector<16xi32>], vector<16xf32>,
          tpu.vector_store_idx %arg11[%add3A_406, %broadcast_in_dim3A_438], %gather3A_439 : memref<64x128xf32, #tpu.memory_space<vmem>>[vector<16xi32>, vector<16xi32>], vector<16xf32>,
          %broadcast_in_dim3A_440 = arith.constant 10 : i32
          %broadcast_in_dim3A_441 = vector.broadcast %broadcast_in_dim3A_440 : i32 to vector<16xi32>
          %gather3A_442 = tpu.vector_load_idx %arg10[%add3A_410, %broadcast_in_dim3A_441, %min3A_399] : memref<2x32x1536xf32, #tpu.memory_space<vmem>>[vector<16xi32>, vector<16xi32>, vector<16xi32>], vector<16xf32>,
          tpu.vector_store_idx %arg11[%add3A_406, %broadcast_in_dim3A_441], %gather3A_442 : memref<64x128xf32, #tpu.memory_space<vmem>>[vector<16xi32>, vector<16xi32>], vector<16xf32>,
          %broadcast_in_dim3A_443 = arith.constant 11 : i32
          %broadcast_in_dim3A_444 = vector.broadcast %broadcast_in_dim3A_443 : i32 to vector<16xi32>
          %gather3A_445 = tpu.vector_load_idx %arg10[%add3A_410, %broadcast_in_dim3A_444, %min3A_399] : memref<2x32x1536xf32, #tpu.memory_space<vmem>>[vector<16xi32>, vector<16xi32>, vector<16xi32>], vector<16xf32>,
          tpu.vector_store_idx %arg11[%add3A_406, %broadcast_in_dim3A_444], %gather3A_445 : memref<64x128xf32, #tpu.memory_space<vmem>>[vector<16xi32>, vector<16xi32>], vector<16xf32>,
          %broadcast_in_dim3A_446 = arith.constant 12 : i32
          %broadcast_in_dim3A_447 = vector.broadcast %broadcast_in_dim3A_446 : i32 to vector<16xi32>
          %gather3A_448 = tpu.vector_load_idx %arg10[%add3A_410, %broadcast_in_dim3A_447, %min3A_399] : memref<2x32x1536xf32, #tpu.memory_space<vmem>>[vector<16xi32>, vector<16xi32>, vector<16xi32>], vector<16xf32>,
          tpu.vector_store_idx %arg11[%add3A_406, %broadcast_in_dim3A_447], %gather3A_448 : memref<64x128xf32, #tpu.memory_space<vmem>>[vector<16xi32>, vector<16xi32>], vector<16xf32>,
          %broadcast_in_dim3A_449 = arith.constant 13 : i32
          %broadcast_in_dim3A_450 = vector.broadcast %broadcast_in_dim3A_449 : i32 to vector<16xi32>
          %gather3A_451 = tpu.vector_load_idx %arg10[%add3A_410, %broadcast_in_dim3A_450, %min3A_399] : memref<2x32x1536xf32, #tpu.memory_space<vmem>>[vector<16xi32>, vector<16xi32>, vector<16xi32>], vector<16xf32>,
          tpu.vector_store_idx %arg11[%add3A_406, %broadcast_in_dim3A_450], %gather3A_451 : memref<64x128xf32, #tpu.memory_space<vmem>>[vector<16xi32>, vector<16xi32>], vector<16xf32>,
          %broadcast_in_dim3A_452 = arith.constant 14 : i32
          %broadcast_in_dim3A_453 = vector.broadcast %broadcast_in_dim3A_452 : i32 to vector<16xi32>
          %gather3A_454 = tpu.vector_load_idx %arg10[%add3A_410, %broadcast_in_dim3A_453, %min3A_399] : memref<2x32x1536xf32, #tpu.memory_space<vmem>>[vector<16xi32>, vector<16xi32>, vector<16xi32>], vector<16xf32>,
          tpu.vector_store_idx %arg11[%add3A_406, %broadcast_in_dim3A_453], %gather3A_454 : memref<64x128xf32, #tpu.memory_space<vmem>>[vector<16xi32>, vector<16xi32>], vector<16xf32>,
          %broadcast_in_dim3A_455 = arith.constant 15 : i32
          %broadcast_in_dim3A_456 = vector.broadcast %broadcast_in_dim3A_455 : i32 to vector<16xi32>
          %gather3A_457 = tpu.vector_load_idx %arg10[%add3A_410, %broadcast_in_dim3A_456, %min3A_399] : memref<2x32x1536xf32, #tpu.memory_space<vmem>>[vector<16xi32>, vector<16xi32>, vector<16xi32>], vector<16xf32>,
          tpu.vector_store_idx %arg11[%add3A_406, %broadcast_in_dim3A_456], %gather3A_457 : memref<64x128xf32, #tpu.memory_space<vmem>>[vector<16xi32>, vector<16xi32>], vector<16xf32>,
          %broadcast_in_dim3A_458 = arith.constant 16 : i32
          %broadcast_in_dim3A_459 = vector.broadcast %broadcast_in_dim3A_458 : i32 to vector<16xi32>
          %gather3A_460 = tpu.vector_load_idx %arg10[%add3A_410, %broadcast_in_dim3A_459, %min3A_399] : memref<2x32x1536xf32, #tpu.memory_space<vmem>>[vector<16xi32>, vector<16xi32>, vector<16xi32>], vector<16xf32>,
          tpu.vector_store_idx %arg11[%add3A_406, %broadcast_in_dim3A_459], %gather3A_460 : memref<64x128xf32, #tpu.memory_space<vmem>>[vector<16xi32>, vector<16xi32>], vector<16xf32>,
          %broadcast_in_dim3A_461 = arith.constant 17 : i32
          %broadcast_in_dim3A_462 = vector.broadcast %broadcast_in_dim3A_461 : i32 to vector<16xi32>
          %gather3A_463 = tpu.vector_load_idx %arg10[%add3A_410, %broadcast_in_dim3A_462, %min3A_399] : memref<2x32x1536xf32, #tpu.memory_space<vmem>>[vector<16xi32>, vector<16xi32>, vector<16xi32>], vector<16xf32>,
          tpu.vector_store_idx %arg11[%add3A_406, %broadcast_in_dim3A_462], %gather3A_463 : memref<64x128xf32, #tpu.memory_space<vmem>>[vector<16xi32>, vector<16xi32>], vector<16xf32>,
          %broadcast_in_dim3A_464 = arith.constant 18 : i32
          %broadcast_in_dim3A_465 = vector.broadcast %broadcast_in_dim3A_464 : i32 to vector<16xi32>
          %gather3A_466 = tpu.vector_load_idx %arg10[%add3A_410, %broadcast_in_dim3A_465, %min3A_399] : memref<2x32x1536xf32, #tpu.memory_space<vmem>>[vector<16xi32>, vector<16xi32>, vector<16xi32>], vector<16xf32>,
          tpu.vector_store_idx %arg11[%add3A_406, %broadcast_in_dim3A_465], %gather3A_466 : memref<64x128xf32, #tpu.memory_space<vmem>>[vector<16xi32>, vector<16xi32>], vector<16xf32>,
          %broadcast_in_dim3A_467 = arith.constant 19 : i32
          %broadcast_in_dim3A_468 = vector.broadcast %broadcast_in_dim3A_467 : i32 to vector<16xi32>
          %gather3A_469 = tpu.vector_load_idx %arg10[%add3A_410, %broadcast_in_dim3A_468, %min3A_399] : memref<2x32x1536xf32, #tpu.memory_space<vmem>>[vector<16xi32>, vector<16xi32>, vector<16xi32>], vector<16xf32>,
          tpu.vector_store_idx %arg11[%add3A_406, %broadcast_in_dim3A_468], %gather3A_469 : memref<64x128xf32, #tpu.memory_space<vmem>>[vector<16xi32>, vector<16xi32>], vector<16xf32>,
          %broadcast_in_dim3A_470 = arith.constant 20 : i32
          %broadcast_in_dim3A_471 = vector.broadcast %broadcast_in_dim3A_470 : i32 to vector<16xi32>
          %gather3A_472 = tpu.vector_load_idx %arg10[%add3A_410, %broadcast_in_dim3A_471, %min3A_399] : memref<2x32x1536xf32, #tpu.memory_space<vmem>>[vector<16xi32>, vector<16xi32>, vector<16xi32>], vector<16xf32>,
          tpu.vector_store_idx %arg11[%add3A_406, %broadcast_in_dim3A_471], %gather3A_472 : memref<64x128xf32, #tpu.memory_space<vmem>>[vector<16xi32>, vector<16xi32>], vector<16xf32>,
          %broadcast_in_dim3A_473 = arith.constant 21 : i32
          %broadcast_in_dim3A_474 = vector.broadcast %broadcast_in_dim3A_473 : i32 to vector<16xi32>
          %gather3A_475 = tpu.vector_load_idx %arg10[%add3A_410, %broadcast_in_dim3A_474, %min3A_399] : memref<2x32x1536xf32, #tpu.memory_space<vmem>>[vector<16xi32>, vector<16xi32>, vector<16xi32>], vector<16xf32>,
          tpu.vector_store_idx %arg11[%add3A_406, %broadcast_in_dim3A_474], %gather3A_475 : memref<64x128xf32, #tpu.memory_space<vmem>>[vector<16xi32>, vector<16xi32>], vector<16xf32>,
          %broadcast_in_dim3A_476 = arith.constant 22 : i32
          %broadcast_in_dim3A_477 = vector.broadcast %broadcast_in_dim3A_476 : i32 to vector<16xi32>
          %gather3A_478 = tpu.vector_load_idx %arg10[%add3A_410, %broadcast_in_dim3A_477, %min3A_399] : memref<2x32x1536xf32, #tpu.memory_space<vmem>>[vector<16xi32>, vector<16xi32>, vector<16xi32>], vector<16xf32>,
          tpu.vector_store_idx %arg11[%add3A_406, %broadcast_in_dim3A_477], %gather3A_478 : memref<64x128xf32, #tpu.memory_space<vmem>>[vector<16xi32>, vector<16xi32>], vector<16xf32>,
          %broadcast_in_dim3A_479 = arith.constant 23 : i32
          %broadcast_in_dim3A_480 = vector.broadcast %broadcast_in_dim3A_479 : i32 to vector<16xi32>
          %gather3A_481 = tpu.vector_load_idx %arg10[%add3A_410, %broadcast_in_dim3A_480, %min3A_399] : memref<2x32x1536xf32, #tpu.memory_space<vmem>>[vector<16xi32>, vector<16xi32>, vector<16xi32>], vector<16xf32>,
          tpu.vector_store_idx %arg11[%add3A_406, %broadcast_in_dim3A_480], %gather3A_481 : memref<64x128xf32, #tpu.memory_space<vmem>>[vector<16xi32>, vector<16xi32>], vector<16xf32>,
          %broadcast_in_dim3A_482 = arith.constant 24 : i32
          %broadcast_in_dim3A_483 = vector.broadcast %broadcast_in_dim3A_482 : i32 to vector<16xi32>
          %gather3A_484 = tpu.vector_load_idx %arg10[%add3A_410, %broadcast_in_dim3A_483, %min3A_399] : memref<2x32x1536xf32, #tpu.memory_space<vmem>>[vector<16xi32>, vector<16xi32>, vector<16xi32>], vector<16xf32>,
          tpu.vector_store_idx %arg11[%add3A_406, %broadcast_in_dim3A_483], %gather3A_484 : memref<64x128xf32, #tpu.memory_space<vmem>>[vector<16xi32>, vector<16xi32>], vector<16xf32>,
          %broadcast_in_dim3A_485 = arith.constant 25 : i32
          %broadcast_in_dim3A_486 = vector.broadcast %broadcast_in_dim3A_485 : i32 to vector<16xi32>
          %gather3A_487 = tpu.vector_load_idx %arg10[%add3A_410, %broadcast_in_dim3A_486, %min3A_399] : memref<2x32x1536xf32, #tpu.memory_space<vmem>>[vector<16xi32>, vector<16xi32>, vector<16xi32>], vector<16xf32>,
          tpu.vector_store_idx %arg11[%add3A_406, %broadcast_in_dim3A_486], %gather3A_487 : memref<64x128xf32, #tpu.memory_space<vmem>>[vector<16xi32>, vector<16xi32>], vector<16xf32>,
          %broadcast_in_dim3A_488 = arith.constant 26 : i32
          %broadcast_in_dim3A_489 = vector.broadcast %broadcast_in_dim3A_488 : i32 to vector<16xi32>
          %gather3A_490 = tpu.vector_load_idx %arg10[%add3A_410, %broadcast_in_dim3A_489, %min3A_399] : memref<2x32x1536xf32, #tpu.memory_space<vmem>>[vector<16xi32>, vector<16xi32>, vector<16xi32>], vector<16xf32>,
          tpu.vector_store_idx %arg11[%add3A_406, %broadcast_in_dim3A_489], %gather3A_490 : memref<64x128xf32, #tpu.memory_space<vmem>>[vector<16xi32>, vector<16xi32>], vector<16xf32>,
          %broadcast_in_dim3A_491 = arith.constant 27 : i32
          %broadcast_in_dim3A_492 = vector.broadcast %broadcast_in_dim3A_491 : i32 to vector<16xi32>
          %gather3A_493 = tpu.vector_load_idx %arg10[%add3A_410, %broadcast_in_dim3A_492, %min3A_399] : memref<2x32x1536xf32, #tpu.memory_space<vmem>>[vector<16xi32>, vector<16xi32>, vector<16xi32>], vector<16xf32>,
          tpu.vector_store_idx %arg11[%add3A_406, %broadcast_in_dim3A_492], %gather3A_493 : memref<64x128xf32, #tpu.memory_space<vmem>>[vector<16xi32>, vector<16xi32>], vector<16xf32>,
          %broadcast_in_dim3A_494 = arith.constant 28 : i32
          %broadcast_in_dim3A_495 = vector.broadcast %broadcast_in_dim3A_494 : i32 to vector<16xi32>
          %gather3A_496 = tpu.vector_load_idx %arg10[%add3A_410, %broadcast_in_dim3A_495, %min3A_399] : memref<2x32x1536xf32, #tpu.memory_space<vmem>>[vector<16xi32>, vector<16xi32>, vector<16xi32>], vector<16xf32>,
          tpu.vector_store_idx %arg11[%add3A_406, %broadcast_in_dim3A_495], %gather3A_496 : memref<64x128xf32, #tpu.memory_space<vmem>>[vector<16xi32>, vector<16xi32>], vector<16xf32>,
          %broadcast_in_dim3A_497 = arith.constant 29 : i32
          %broadcast_in_dim3A_498 = vector.broadcast %broadcast_in_dim3A_497 : i32 to vector<16xi32>
          %gather3A_499 = tpu.vector_load_idx %arg10[%add3A_410, %broadcast_in_dim3A_498, %min3A_399] : memref<2x32x1536xf32, #tpu.memory_space<vmem>>[vector<16xi32>, vector<16xi32>, vector<16xi32>], vector<16xf32>,
          tpu.vector_store_idx %arg11[%add3A_406, %broadcast_in_dim3A_498], %gather3A_499 : memref<64x128xf32, #tpu.memory_space<vmem>>[vector<16xi32>, vector<16xi32>], vector<16xf32>,
          %broadcast_in_dim3A_500 = arith.constant 30 : i32
          %broadcast_in_dim3A_501 = vector.broadcast %broadcast_in_dim3A_500 : i32 to vector<16xi32>
          %gather3A_502 = tpu.vector_load_idx %arg10[%add3A_410, %broadcast_in_dim3A_501, %min3A_399] : memref<2x32x1536xf32, #tpu.memory_space<vmem>>[vector<16xi32>, vector<16xi32>, vector<16xi32>], vector<16xf32>,
          tpu.vector_store_idx %arg11[%add3A_406, %broadcast_in_dim3A_501], %gather3A_502 : memref<64x128xf32, #tpu.memory_space<vmem>>[vector<16xi32>, vector<16xi32>], vector<16xf32>,
          %broadcast_in_dim3A_503 = arith.constant 31 : i32
          %broadcast_in_dim3A_504 = vector.broadcast %broadcast_in_dim3A_503 : i32 to vector<16xi32>
          %gather3A_505 = tpu.vector_load_idx %arg10[%add3A_410, %broadcast_in_dim3A_504, %min3A_399] : memref<2x32x1536xf32, #tpu.memory_space<vmem>>[vector<16xi32>, vector<16xi32>, vector<16xi32>], vector<16xf32>,
          tpu.vector_store_idx %arg11[%add3A_406, %broadcast_in_dim3A_504], %gather3A_505 : memref<64x128xf32, #tpu.memory_space<vmem>>[vector<16xi32>, vector<16xi32>], vector<16xf32>,
          %jit3A_506 = arith.constant -1 : i32
          %broadcast_in_dim3A_507 = vector.broadcast %jit3A_506 : i32 to vector<16xi32>
          %select_n3A_508 = arith.select %and3A_370, %and3A_402, %broadcast_in_dim3A_507 : vector<16xi1>, vector<16xi32>
          %swap3A_509 = arith.index_cast %and3A_386 : i32 to index
          %swap3A_510 = arith.constant 0 : index
          %swap3A_511 = tpu.vector_load %arg12[%swap3A_509, %swap3A_510] {strides = array<i32>} : memref<4x16xi32, #tpu.memory_space<vmem>>, vector<16xi32>,
          tpu.vector_store %arg12[%swap3A_509, %swap3A_510], %select_n3A_508 {strides = array<i32>} : memref<4x16xi32, #tpu.memory_space<vmem>>, vector<16xi32>,
          %mul3A_512 = arith.constant 16 : i32
          %mul3A_513 = arith.muli %and3A_386, %mul3A_512 : i32
          %dma_start3A_514 = arith.constant 0 : i32
          %dma_start3A_515 = tpu.memref_slice %arg11[%mul3A_513, %dma_start3A_514] : memref<64x128xf32, #tpu.memory_space<vmem>> -> memref<16x128xf32, #tpu.memory_space<vmem>>
          %dma_start3A_516 = arith.constant 0 : i32
          %dma_start3A_517 = tpu.memref_slice %arg12[%and3A_386, %dma_start3A_516] : memref<4x16xi32, #tpu.memory_space<vmem>> -> memref<1x16xi32, #tpu.memory_space<vmem>>
          %dma_start3A_518 = tpu.memref_squeeze %dma_start3A_517 : memref<1x16xi32, #tpu.memory_space<vmem>> -> memref<16xi32, #tpu.memory_space<vmem>>
          %dma_start3A_519 = arith.constant 0 : i32
          %dma_start3A_520 = arith.constant 0 : i32
          %dma_start3A_521 = tpu.memref_slice %arg7[%dma_start3A_519, %dma_start3A_520] : memref<16384x128xf32, #tpu.memory_space<hbm>> -> memref<16384x128xf32, #tpu.memory_space<hbm>>
          %dma_start3A_522 = arith.constant -1 : i32
          tpu.enqueue_indirect_dma source(%dma_start3A_515 : memref<16x128xf32, #tpu.memory_space<vmem>>) target(%dma_start3A_521 : memref<16384x128xf32, #tpu.memory_space<hbm>>) offsets(%dma_start3A_518 : memref<16xi32, #tpu.memory_space<vmem>>) offset_filter(%dma_start3A_522) semaphore(%arg13 : memref<!tpu.dma_semaphore, #tpu.memory_space<semaphore_mem>>)
          %add3A_523 = arith.constant 1 : i32
          %add3A_524 = arith.addi %while3A_365, %add3A_523 : i32
          scf.yield %add3A_524 : i32
        } else {
          scf.yield %while3A_365 : i32
        }
        scf.yield %cond3A_384 : i32
      }
      %while3A_357 = arith.constant 1 : i32
      %while3A_358 = scf.for %while3A_364 = %while3A_354 to %while3A_350 step %while3A_357 iter_args(%while3A_365 = %while3A_356) -> (i32)  : i32 {
        %mul3A_366 = arith.constant 16 : i32
        %mul3A_367 = arith.muli %while3A_364, %mul3A_366 : i32
        %get3A = arith.index_cast %mul3A_367 : i32 to index
        %get3A_368 = tpu.vector_load %arg9[%get3A] {strides = array<i32>} : memref<16400xi32, #tpu.memory_space<vmem>>, vector<16xi32>,
        %ge3A = arith.cmpi sge, %get3A_368, %add3A_336 : vector<16xi32>
        %lt3A_369 = arith.cmpi slt, %get3A_368, %add3A_344 : vector<16xi32>
        %and3A_370 = arith.andi %ge3A, %lt3A_369 : vector<16xi1>
        %reduce_or3A = arith.constant 1.000000e+00 : f32
        %reduce_or3A_371 = arith.constant 0.000000e+00 : f32
        %reduce_or3A_372 = vector.broadcast %reduce_or3A : f32 to vector<16xf32>
        %reduce_or3A_373 = vector.broadcast %reduce_or3A_371 : f32 to vector<16xf32>
        %reduce_or3A_374 = arith.select %and3A_370, %reduce_or3A_372, %reduce_or3A_373 : vector<16xi1>, vector<16xf32>
        %reduce_or3A_375 = arith.constant true
        %reduce_or3A_376 = vector.broadcast %reduce_or3A_375 : i1 to vector<16xi1>
        %reduce_or3A_377 = tpu.scan <max>, %reduce_or3A_374 masked %reduce_or3A_376 : vector<16xf32>, vector<16xi1> -> vector<16xf32>
        %reduce_or3A_378 = vector.extract %reduce_or3A_377[15] : f32 from vector<16xf32>
        %reduce_or3A_379 = arith.constant 0.000000e+00 : f32
        %reduce_or3A_380 = arith.cmpf ogt, %reduce_or3A_378, %reduce_or3A_379 : f32
        %convert_element_type3A_381 = arith.extui %reduce_or3A_380 : i1 to i32
        %cond3A_382 = arith.constant 0 : i32
        %cond3A_383 = arith.cmpi ne, %convert_element_type3A_381, %cond3A_382 : i32
        %cond3A_384 = scf.if %cond3A_383 -> (i32) {
          %and3A_385 = arith.constant 3 : i32
          %and3A_386 = arith.andi %while3A_365, %and3A_385 : i32
          %ge3A_387 = arith.constant 4 : i32
          %ge3A_388 = arith.cmpi sge, %while3A_365, %ge3A_387 : i32
          %convert_element_type3A_389 = arith.extui %ge3A_388 : i1 to i32
          %cond3A_390 = arith.constant 0 : i32
          %cond3A_391 = arith.cmpi ne, %convert_element_type3A_389, %cond3A_390 : i32
          scf.if %cond3A_391 {
            %mul3A_525 = arith.constant 16 : i32
            %mul3A_526 = arith.muli %and3A_386, %mul3A_525 : i32
            %dma_wait3A_527 = arith.constant 0 : i32
            %dma_wait3A_528 = tpu.memref_slice %arg11[%mul3A_526, %dma_wait3A_527] : memref<64x128xf32, #tpu.memory_space<vmem>> -> memref<16x128xf32, #tpu.memory_space<vmem>>
            %dma_wait3A_529 = arith.constant 0 : i32
            %dma_wait3A_530 = arith.constant 0 : i32
            %dma_wait3A_531 = tpu.memref_slice %arg7[%dma_wait3A_529, %dma_wait3A_530] : memref<16384x128xf32, #tpu.memory_space<hbm>> -> memref<16x128xf32, #tpu.memory_space<hbm>>
            %dma_wait3A_532 = arith.constant 0 : i32
            %dma_wait3A_533 = tpu.memref_slice %arg11[%mul3A_526, %dma_wait3A_532] : memref<64x128xf32, #tpu.memory_space<vmem>> -> memref<16x128xf32, #tpu.memory_space<vmem>>
            %dma_wait3A_534 = arith.constant 0 : i32
            %dma_wait3A_535 = arith.constant 0 : i32
            %dma_wait3A_536 = tpu.memref_slice %arg7[%dma_wait3A_534, %dma_wait3A_535] : memref<16384x128xf32, #tpu.memory_space<hbm>> -> memref<16x128xf32, #tpu.memory_space<hbm>>
            tpu.wait_dma2 semaphore(%arg13 : memref<!tpu.dma_semaphore, #tpu.memory_space<semaphore_mem>>) src(%dma_wait3A_536 : memref<16x128xf32, #tpu.memory_space<hbm>>) dst(%dma_wait3A_533 : memref<16x128xf32, #tpu.memory_space<vmem>>)
          } else {
          }
          %shift_right_logical3A = arith.constant 14 : i32
          %shift_right_logical3A_392 = vector.broadcast %shift_right_logical3A : i32 to vector<16xi32>
          %shift_right_logical3A_393 = arith.shrui %get3A_368, %shift_right_logical3A_392 : vector<16xi32>
          %sub3A_394 = arith.subi %shift_right_logical3A_393, %add3A_348 : vector<16xi32>
          %jit3A_395 = arith.constant 0 : i32
          %jit3A_396 = arith.constant 1535 : i32
          %max3A = vector.broadcast %jit3A_395 : i32 to vector<16xi32>
          %max3A_397 = arith.maxsi %max3A, %sub3A_394 : vector<16xi32>
          %min3A_398 = vector.broadcast %jit3A_396 : i32 to vector<16xi32>
          %min3A_399 = arith.minsi %min3A_398, %max3A_397 : vector<16xi32>
          %and3A_400 = arith.constant 16383 : i32
          %and3A_401 = vector.broadcast %and3A_400 : i32 to vector<16xi32>
          %and3A_402 = arith.andi %get3A_368, %and3A_401 : vector<16xi32>
          %mul3A_403 = arith.constant 16 : i32
          %mul3A_404 = arith.muli %and3A_386, %mul3A_403 : i32
          %add3A_405 = vector.broadcast %mul3A_404 : i32 to vector<16xi32>
          %add3A_406 = arith.addi %add3A_405, %iota3A_164 : vector<16xi32>
          %broadcast_in_dim3A_407 = arith.constant 0 : i32
          %broadcast_in_dim3A_408 = vector.broadcast %broadcast_in_dim3A_407 : i32 to vector<16xi32>
          %add3A_409 = vector.broadcast %and3A_311 : i32 to vector<16xi32>
          %add3A_410 = arith.addi %broadcast_in_dim3A_408, %add3A_409 : vector<16xi32>
          %broadcast_in_dim3A_411 = arith.constant 0 : i32
          %broadcast_in_dim3A_412 = vector.broadcast %broadcast_in_dim3A_411 : i32 to vector<16xi32>
          %gather3A = tpu.vector_load_idx %arg10[%add3A_410, %broadcast_in_dim3A_412, %min3A_399] : memref<2x32x1536xf32, #tpu.memory_space<vmem>>[vector<16xi32>, vector<16xi32>, vector<16xi32>], vector<16xf32>,
          tpu.vector_store_idx %arg11[%add3A_406, %broadcast_in_dim3A_412], %gather3A : memref<64x128xf32, #tpu.memory_space<vmem>>[vector<16xi32>, vector<16xi32>], vector<16xf32>,
          %broadcast_in_dim3A_413 = arith.constant 1 : i32
          %broadcast_in_dim3A_414 = vector.broadcast %broadcast_in_dim3A_413 : i32 to vector<16xi32>
          %gather3A_415 = tpu.vector_load_idx %arg10[%add3A_410, %broadcast_in_dim3A_414, %min3A_399] : memref<2x32x1536xf32, #tpu.memory_space<vmem>>[vector<16xi32>, vector<16xi32>, vector<16xi32>], vector<16xf32>,
          tpu.vector_store_idx %arg11[%add3A_406, %broadcast_in_dim3A_414], %gather3A_415 : memref<64x128xf32, #tpu.memory_space<vmem>>[vector<16xi32>, vector<16xi32>], vector<16xf32>,
          %broadcast_in_dim3A_416 = arith.constant 2 : i32
          %broadcast_in_dim3A_417 = vector.broadcast %broadcast_in_dim3A_416 : i32 to vector<16xi32>
          %gather3A_418 = tpu.vector_load_idx %arg10[%add3A_410, %broadcast_in_dim3A_417, %min3A_399] : memref<2x32x1536xf32, #tpu.memory_space<vmem>>[vector<16xi32>, vector<16xi32>, vector<16xi32>], vector<16xf32>,
          tpu.vector_store_idx %arg11[%add3A_406, %broadcast_in_dim3A_417], %gather3A_418 : memref<64x128xf32, #tpu.memory_space<vmem>>[vector<16xi32>, vector<16xi32>], vector<16xf32>,
          %broadcast_in_dim3A_419 = arith.constant 3 : i32
          %broadcast_in_dim3A_420 = vector.broadcast %broadcast_in_dim3A_419 : i32 to vector<16xi32>
          %gather3A_421 = tpu.vector_load_idx %arg10[%add3A_410, %broadcast_in_dim3A_420, %min3A_399] : memref<2x32x1536xf32, #tpu.memory_space<vmem>>[vector<16xi32>, vector<16xi32>, vector<16xi32>], vector<16xf32>,
          tpu.vector_store_idx %arg11[%add3A_406, %broadcast_in_dim3A_420], %gather3A_421 : memref<64x128xf32, #tpu.memory_space<vmem>>[vector<16xi32>, vector<16xi32>], vector<16xf32>,
          %broadcast_in_dim3A_422 = arith.constant 4 : i32
          %broadcast_in_dim3A_423 = vector.broadcast %broadcast_in_dim3A_422 : i32 to vector<16xi32>
          %gather3A_424 = tpu.vector_load_idx %arg10[%add3A_410, %broadcast_in_dim3A_423, %min3A_399] : memref<2x32x1536xf32, #tpu.memory_space<vmem>>[vector<16xi32>, vector<16xi32>, vector<16xi32>], vector<16xf32>,
          tpu.vector_store_idx %arg11[%add3A_406, %broadcast_in_dim3A_423], %gather3A_424 : memref<64x128xf32, #tpu.memory_space<vmem>>[vector<16xi32>, vector<16xi32>], vector<16xf32>,
          %broadcast_in_dim3A_425 = arith.constant 5 : i32
          %broadcast_in_dim3A_426 = vector.broadcast %broadcast_in_dim3A_425 : i32 to vector<16xi32>
          %gather3A_427 = tpu.vector_load_idx %arg10[%add3A_410, %broadcast_in_dim3A_426, %min3A_399] : memref<2x32x1536xf32, #tpu.memory_space<vmem>>[vector<16xi32>, vector<16xi32>, vector<16xi32>], vector<16xf32>,
          tpu.vector_store_idx %arg11[%add3A_406, %broadcast_in_dim3A_426], %gather3A_427 : memref<64x128xf32, #tpu.memory_space<vmem>>[vector<16xi32>, vector<16xi32>], vector<16xf32>,
          %broadcast_in_dim3A_428 = arith.constant 6 : i32
          %broadcast_in_dim3A_429 = vector.broadcast %broadcast_in_dim3A_428 : i32 to vector<16xi32>
          %gather3A_430 = tpu.vector_load_idx %arg10[%add3A_410, %broadcast_in_dim3A_429, %min3A_399] : memref<2x32x1536xf32, #tpu.memory_space<vmem>>[vector<16xi32>, vector<16xi32>, vector<16xi32>], vector<16xf32>,
          tpu.vector_store_idx %arg11[%add3A_406, %broadcast_in_dim3A_429], %gather3A_430 : memref<64x128xf32, #tpu.memory_space<vmem>>[vector<16xi32>, vector<16xi32>], vector<16xf32>,
          %broadcast_in_dim3A_431 = arith.constant 7 : i32
          %broadcast_in_dim3A_432 = vector.broadcast %broadcast_in_dim3A_431 : i32 to vector<16xi32>
          %gather3A_433 = tpu.vector_load_idx %arg10[%add3A_410, %broadcast_in_dim3A_432, %min3A_399] : memref<2x32x1536xf32, #tpu.memory_space<vmem>>[vector<16xi32>, vector<16xi32>, vector<16xi32>], vector<16xf32>,
          tpu.vector_store_idx %arg11[%add3A_406, %broadcast_in_dim3A_432], %gather3A_433 : memref<64x128xf32, #tpu.memory_space<vmem>>[vector<16xi32>, vector<16xi32>], vector<16xf32>,
          %broadcast_in_dim3A_434 = arith.constant 8 : i32
          %broadcast_in_dim3A_435 = vector.broadcast %broadcast_in_dim3A_434 : i32 to vector<16xi32>
          %gather3A_436 = tpu.vector_load_idx %arg10[%add3A_410, %broadcast_in_dim3A_435, %min3A_399] : memref<2x32x1536xf32, #tpu.memory_space<vmem>>[vector<16xi32>, vector<16xi32>, vector<16xi32>], vector<16xf32>,
          tpu.vector_store_idx %arg11[%add3A_406, %broadcast_in_dim3A_435], %gather3A_436 : memref<64x128xf32, #tpu.memory_space<vmem>>[vector<16xi32>, vector<16xi32>], vector<16xf32>,
          %broadcast_in_dim3A_437 = arith.constant 9 : i32
          %broadcast_in_dim3A_438 = vector.broadcast %broadcast_in_dim3A_437 : i32 to vector<16xi32>
          %gather3A_439 = tpu.vector_load_idx %arg10[%add3A_410, %broadcast_in_dim3A_438, %min3A_399] : memref<2x32x1536xf32, #tpu.memory_space<vmem>>[vector<16xi32>, vector<16xi32>, vector<16xi32>], vector<16xf32>,
          tpu.vector_store_idx %arg11[%add3A_406, %broadcast_in_dim3A_438], %gather3A_439 : memref<64x128xf32, #tpu.memory_space<vmem>>[vector<16xi32>, vector<16xi32>], vector<16xf32>,
          %broadcast_in_dim3A_440 = arith.constant 10 : i32
          %broadcast_in_dim3A_441 = vector.broadcast %broadcast_in_dim3A_440 : i32 to vector<16xi32>
          %gather3A_442 = tpu.vector_load_idx %arg10[%add3A_410, %broadcast_in_dim3A_441, %min3A_399] : memref<2x32x1536xf32, #tpu.memory_space<vmem>>[vector<16xi32>, vector<16xi32>, vector<16xi32>], vector<16xf32>,
          tpu.vector_store_idx %arg11[%add3A_406, %broadcast_in_dim3A_441], %gather3A_442 : memref<64x128xf32, #tpu.memory_space<vmem>>[vector<16xi32>, vector<16xi32>], vector<16xf32>,
          %broadcast_in_dim3A_443 = arith.constant 11 : i32
          %broadcast_in_dim3A_444 = vector.broadcast %broadcast_in_dim3A_443 : i32 to vector<16xi32>
          %gather3A_445 = tpu.vector_load_idx %arg10[%add3A_410, %broadcast_in_dim3A_444, %min3A_399] : memref<2x32x1536xf32, #tpu.memory_space<vmem>>[vector<16xi32>, vector<16xi32>, vector<16xi32>], vector<16xf32>,
          tpu.vector_store_idx %arg11[%add3A_406, %broadcast_in_dim3A_444], %gather3A_445 : memref<64x128xf32, #tpu.memory_space<vmem>>[vector<16xi32>, vector<16xi32>], vector<16xf32>,
          %broadcast_in_dim3A_446 = arith.constant 12 : i32
          %broadcast_in_dim3A_447 = vector.broadcast %broadcast_in_dim3A_446 : i32 to vector<16xi32>
          %gather3A_448 = tpu.vector_load_idx %arg10[%add3A_410, %broadcast_in_dim3A_447, %min3A_399] : memref<2x32x1536xf32, #tpu.memory_space<vmem>>[vector<16xi32>, vector<16xi32>, vector<16xi32>], vector<16xf32>,
          tpu.vector_store_idx %arg11[%add3A_406, %broadcast_in_dim3A_447], %gather3A_448 : memref<64x128xf32, #tpu.memory_space<vmem>>[vector<16xi32>, vector<16xi32>], vector<16xf32>,
          %broadcast_in_dim3A_449 = arith.constant 13 : i32
          %broadcast_in_dim3A_450 = vector.broadcast %broadcast_in_dim3A_449 : i32 to vector<16xi32>
          %gather3A_451 = tpu.vector_load_idx %arg10[%add3A_410, %broadcast_in_dim3A_450, %min3A_399] : memref<2x32x1536xf32, #tpu.memory_space<vmem>>[vector<16xi32>, vector<16xi32>, vector<16xi32>], vector<16xf32>,
          tpu.vector_store_idx %arg11[%add3A_406, %broadcast_in_dim3A_450], %gather3A_451 : memref<64x128xf32, #tpu.memory_space<vmem>>[vector<16xi32>, vector<16xi32>], vector<16xf32>,
          %broadcast_in_dim3A_452 = arith.constant 14 : i32
          %broadcast_in_dim3A_453 = vector.broadcast %broadcast_in_dim3A_452 : i32 to vector<16xi32>
          %gather3A_454 = tpu.vector_load_idx %arg10[%add3A_410, %broadcast_in_dim3A_453, %min3A_399] : memref<2x32x1536xf32, #tpu.memory_space<vmem>>[vector<16xi32>, vector<16xi32>, vector<16xi32>], vector<16xf32>,
          tpu.vector_store_idx %arg11[%add3A_406, %broadcast_in_dim3A_453], %gather3A_454 : memref<64x128xf32, #tpu.memory_space<vmem>>[vector<16xi32>, vector<16xi32>], vector<16xf32>,
          %broadcast_in_dim3A_455 = arith.constant 15 : i32
          %broadcast_in_dim3A_456 = vector.broadcast %broadcast_in_dim3A_455 : i32 to vector<16xi32>
          %gather3A_457 = tpu.vector_load_idx %arg10[%add3A_410, %broadcast_in_dim3A_456, %min3A_399] : memref<2x32x1536xf32, #tpu.memory_space<vmem>>[vector<16xi32>, vector<16xi32>, vector<16xi32>], vector<16xf32>,
          tpu.vector_store_idx %arg11[%add3A_406, %broadcast_in_dim3A_456], %gather3A_457 : memref<64x128xf32, #tpu.memory_space<vmem>>[vector<16xi32>, vector<16xi32>], vector<16xf32>,
          %broadcast_in_dim3A_458 = arith.constant 16 : i32
          %broadcast_in_dim3A_459 = vector.broadcast %broadcast_in_dim3A_458 : i32 to vector<16xi32>
          %gather3A_460 = tpu.vector_load_idx %arg10[%add3A_410, %broadcast_in_dim3A_459, %min3A_399] : memref<2x32x1536xf32, #tpu.memory_space<vmem>>[vector<16xi32>, vector<16xi32>, vector<16xi32>], vector<16xf32>,
          tpu.vector_store_idx %arg11[%add3A_406, %broadcast_in_dim3A_459], %gather3A_460 : memref<64x128xf32, #tpu.memory_space<vmem>>[vector<16xi32>, vector<16xi32>], vector<16xf32>,
          %broadcast_in_dim3A_461 = arith.constant 17 : i32
          %broadcast_in_dim3A_462 = vector.broadcast %broadcast_in_dim3A_461 : i32 to vector<16xi32>
          %gather3A_463 = tpu.vector_load_idx %arg10[%add3A_410, %broadcast_in_dim3A_462, %min3A_399] : memref<2x32x1536xf32, #tpu.memory_space<vmem>>[vector<16xi32>, vector<16xi32>, vector<16xi32>], vector<16xf32>,
          tpu.vector_store_idx %arg11[%add3A_406, %broadcast_in_dim3A_462], %gather3A_463 : memref<64x128xf32, #tpu.memory_space<vmem>>[vector<16xi32>, vector<16xi32>], vector<16xf32>,
          %broadcast_in_dim3A_464 = arith.constant 18 : i32
          %broadcast_in_dim3A_465 = vector.broadcast %broadcast_in_dim3A_464 : i32 to vector<16xi32>
          %gather3A_466 = tpu.vector_load_idx %arg10[%add3A_410, %broadcast_in_dim3A_465, %min3A_399] : memref<2x32x1536xf32, #tpu.memory_space<vmem>>[vector<16xi32>, vector<16xi32>, vector<16xi32>], vector<16xf32>,
          tpu.vector_store_idx %arg11[%add3A_406, %broadcast_in_dim3A_465], %gather3A_466 : memref<64x128xf32, #tpu.memory_space<vmem>>[vector<16xi32>, vector<16xi32>], vector<16xf32>,
          %broadcast_in_dim3A_467 = arith.constant 19 : i32
          %broadcast_in_dim3A_468 = vector.broadcast %broadcast_in_dim3A_467 : i32 to vector<16xi32>
          %gather3A_469 = tpu.vector_load_idx %arg10[%add3A_410, %broadcast_in_dim3A_468, %min3A_399] : memref<2x32x1536xf32, #tpu.memory_space<vmem>>[vector<16xi32>, vector<16xi32>, vector<16xi32>], vector<16xf32>,
          tpu.vector_store_idx %arg11[%add3A_406, %broadcast_in_dim3A_468], %gather3A_469 : memref<64x128xf32, #tpu.memory_space<vmem>>[vector<16xi32>, vector<16xi32>], vector<16xf32>,
          %broadcast_in_dim3A_470 = arith.constant 20 : i32
          %broadcast_in_dim3A_471 = vector.broadcast %broadcast_in_dim3A_470 : i32 to vector<16xi32>
          %gather3A_472 = tpu.vector_load_idx %arg10[%add3A_410, %broadcast_in_dim3A_471, %min3A_399] : memref<2x32x1536xf32, #tpu.memory_space<vmem>>[vector<16xi32>, vector<16xi32>, vector<16xi32>], vector<16xf32>,
          tpu.vector_store_idx %arg11[%add3A_406, %broadcast_in_dim3A_471], %gather3A_472 : memref<64x128xf32, #tpu.memory_space<vmem>>[vector<16xi32>, vector<16xi32>], vector<16xf32>,
          %broadcast_in_dim3A_473 = arith.constant 21 : i32
          %broadcast_in_dim3A_474 = vector.broadcast %broadcast_in_dim3A_473 : i32 to vector<16xi32>
          %gather3A_475 = tpu.vector_load_idx %arg10[%add3A_410, %broadcast_in_dim3A_474, %min3A_399] : memref<2x32x1536xf32, #tpu.memory_space<vmem>>[vector<16xi32>, vector<16xi32>, vector<16xi32>], vector<16xf32>,
          tpu.vector_store_idx %arg11[%add3A_406, %broadcast_in_dim3A_474], %gather3A_475 : memref<64x128xf32, #tpu.memory_space<vmem>>[vector<16xi32>, vector<16xi32>], vector<16xf32>,
          %broadcast_in_dim3A_476 = arith.constant 22 : i32
          %broadcast_in_dim3A_477 = vector.broadcast %broadcast_in_dim3A_476 : i32 to vector<16xi32>
          %gather3A_478 = tpu.vector_load_idx %arg10[%add3A_410, %broadcast_in_dim3A_477, %min3A_399] : memref<2x32x1536xf32, #tpu.memory_space<vmem>>[vector<16xi32>, vector<16xi32>, vector<16xi32>], vector<16xf32>,
          tpu.vector_store_idx %arg11[%add3A_406, %broadcast_in_dim3A_477], %gather3A_478 : memref<64x128xf32, #tpu.memory_space<vmem>>[vector<16xi32>, vector<16xi32>], vector<16xf32>,
          %broadcast_in_dim3A_479 = arith.constant 23 : i32
          %broadcast_in_dim3A_480 = vector.broadcast %broadcast_in_dim3A_479 : i32 to vector<16xi32>
          %gather3A_481 = tpu.vector_load_idx %arg10[%add3A_410, %broadcast_in_dim3A_480, %min3A_399] : memref<2x32x1536xf32, #tpu.memory_space<vmem>>[vector<16xi32>, vector<16xi32>, vector<16xi32>], vector<16xf32>,
          tpu.vector_store_idx %arg11[%add3A_406, %broadcast_in_dim3A_480], %gather3A_481 : memref<64x128xf32, #tpu.memory_space<vmem>>[vector<16xi32>, vector<16xi32>], vector<16xf32>,
          %broadcast_in_dim3A_482 = arith.constant 24 : i32
          %broadcast_in_dim3A_483 = vector.broadcast %broadcast_in_dim3A_482 : i32 to vector<16xi32>
          %gather3A_484 = tpu.vector_load_idx %arg10[%add3A_410, %broadcast_in_dim3A_483, %min3A_399] : memref<2x32x1536xf32, #tpu.memory_space<vmem>>[vector<16xi32>, vector<16xi32>, vector<16xi32>], vector<16xf32>,
          tpu.vector_store_idx %arg11[%add3A_406, %broadcast_in_dim3A_483], %gather3A_484 : memref<64x128xf32, #tpu.memory_space<vmem>>[vector<16xi32>, vector<16xi32>], vector<16xf32>,
          %broadcast_in_dim3A_485 = arith.constant 25 : i32
          %broadcast_in_dim3A_486 = vector.broadcast %broadcast_in_dim3A_485 : i32 to vector<16xi32>
          %gather3A_487 = tpu.vector_load_idx %arg10[%add3A_410, %broadcast_in_dim3A_486, %min3A_399] : memref<2x32x1536xf32, #tpu.memory_space<vmem>>[vector<16xi32>, vector<16xi32>, vector<16xi32>], vector<16xf32>,
          tpu.vector_store_idx %arg11[%add3A_406, %broadcast_in_dim3A_486], %gather3A_487 : memref<64x128xf32, #tpu.memory_space<vmem>>[vector<16xi32>, vector<16xi32>], vector<16xf32>,
          %broadcast_in_dim3A_488 = arith.constant 26 : i32
          %broadcast_in_dim3A_489 = vector.broadcast %broadcast_in_dim3A_488 : i32 to vector<16xi32>
          %gather3A_490 = tpu.vector_load_idx %arg10[%add3A_410, %broadcast_in_dim3A_489, %min3A_399] : memref<2x32x1536xf32, #tpu.memory_space<vmem>>[vector<16xi32>, vector<16xi32>, vector<16xi32>], vector<16xf32>,
          tpu.vector_store_idx %arg11[%add3A_406, %broadcast_in_dim3A_489], %gather3A_490 : memref<64x128xf32, #tpu.memory_space<vmem>>[vector<16xi32>, vector<16xi32>], vector<16xf32>,
          %broadcast_in_dim3A_491 = arith.constant 27 : i32
          %broadcast_in_dim3A_492 = vector.broadcast %broadcast_in_dim3A_491 : i32 to vector<16xi32>
          %gather3A_493 = tpu.vector_load_idx %arg10[%add3A_410, %broadcast_in_dim3A_492, %min3A_399] : memref<2x32x1536xf32, #tpu.memory_space<vmem>>[vector<16xi32>, vector<16xi32>, vector<16xi32>], vector<16xf32>,
          tpu.vector_store_idx %arg11[%add3A_406, %broadcast_in_dim3A_492], %gather3A_493 : memref<64x128xf32, #tpu.memory_space<vmem>>[vector<16xi32>, vector<16xi32>], vector<16xf32>,
          %broadcast_in_dim3A_494 = arith.constant 28 : i32
          %broadcast_in_dim3A_495 = vector.broadcast %broadcast_in_dim3A_494 : i32 to vector<16xi32>
          %gather3A_496 = tpu.vector_load_idx %arg10[%add3A_410, %broadcast_in_dim3A_495, %min3A_399] : memref<2x32x1536xf32, #tpu.memory_space<vmem>>[vector<16xi32>, vector<16xi32>, vector<16xi32>], vector<16xf32>,
          tpu.vector_store_idx %arg11[%add3A_406, %broadcast_in_dim3A_495], %gather3A_496 : memref<64x128xf32, #tpu.memory_space<vmem>>[vector<16xi32>, vector<16xi32>], vector<16xf32>,
          %broadcast_in_dim3A_497 = arith.constant 29 : i32
          %broadcast_in_dim3A_498 = vector.broadcast %broadcast_in_dim3A_497 : i32 to vector<16xi32>
          %gather3A_499 = tpu.vector_load_idx %arg10[%add3A_410, %broadcast_in_dim3A_498, %min3A_399] : memref<2x32x1536xf32, #tpu.memory_space<vmem>>[vector<16xi32>, vector<16xi32>, vector<16xi32>], vector<16xf32>,
          tpu.vector_store_idx %arg11[%add3A_406, %broadcast_in_dim3A_498], %gather3A_499 : memref<64x128xf32, #tpu.memory_space<vmem>>[vector<16xi32>, vector<16xi32>], vector<16xf32>,
          %broadcast_in_dim3A_500 = arith.constant 30 : i32
          %broadcast_in_dim3A_501 = vector.broadcast %broadcast_in_dim3A_500 : i32 to vector<16xi32>
          %gather3A_502 = tpu.vector_load_idx %arg10[%add3A_410, %broadcast_in_dim3A_501, %min3A_399] : memref<2x32x1536xf32, #tpu.memory_space<vmem>>[vector<16xi32>, vector<16xi32>, vector<16xi32>], vector<16xf32>,
          tpu.vector_store_idx %arg11[%add3A_406, %broadcast_in_dim3A_501], %gather3A_502 : memref<64x128xf32, #tpu.memory_space<vmem>>[vector<16xi32>, vector<16xi32>], vector<16xf32>,
          %broadcast_in_dim3A_503 = arith.constant 31 : i32
          %broadcast_in_dim3A_504 = vector.broadcast %broadcast_in_dim3A_503 : i32 to vector<16xi32>
          %gather3A_505 = tpu.vector_load_idx %arg10[%add3A_410, %broadcast_in_dim3A_504, %min3A_399] : memref<2x32x1536xf32, #tpu.memory_space<vmem>>[vector<16xi32>, vector<16xi32>, vector<16xi32>], vector<16xf32>,
          tpu.vector_store_idx %arg11[%add3A_406, %broadcast_in_dim3A_504], %gather3A_505 : memref<64x128xf32, #tpu.memory_space<vmem>>[vector<16xi32>, vector<16xi32>], vector<16xf32>,
          %jit3A_506 = arith.constant -1 : i32
          %broadcast_in_dim3A_507 = vector.broadcast %jit3A_506 : i32 to vector<16xi32>
          %select_n3A_508 = arith.select %and3A_370, %and3A_402, %broadcast_in_dim3A_507 : vector<16xi1>, vector<16xi32>
          %swap3A_509 = arith.index_cast %and3A_386 : i32 to index
          %swap3A_510 = arith.constant 0 : index
          %swap3A_511 = tpu.vector_load %arg12[%swap3A_509, %swap3A_510] {strides = array<i32>} : memref<4x16xi32, #tpu.memory_space<vmem>>, vector<16xi32>,
          tpu.vector_store %arg12[%swap3A_509, %swap3A_510], %select_n3A_508 {strides = array<i32>} : memref<4x16xi32, #tpu.memory_space<vmem>>, vector<16xi32>,
          %mul3A_512 = arith.constant 16 : i32
          %mul3A_513 = arith.muli %and3A_386, %mul3A_512 : i32
          %dma_start3A_514 = arith.constant 0 : i32
          %dma_start3A_515 = tpu.memref_slice %arg11[%mul3A_513, %dma_start3A_514] : memref<64x128xf32, #tpu.memory_space<vmem>> -> memref<16x128xf32, #tpu.memory_space<vmem>>
          %dma_start3A_516 = arith.constant 0 : i32
          %dma_start3A_517 = tpu.memref_slice %arg12[%and3A_386, %dma_start3A_516] : memref<4x16xi32, #tpu.memory_space<vmem>> -> memref<1x16xi32, #tpu.memory_space<vmem>>
          %dma_start3A_518 = tpu.memref_squeeze %dma_start3A_517 : memref<1x16xi32, #tpu.memory_space<vmem>> -> memref<16xi32, #tpu.memory_space<vmem>>
          %dma_start3A_519 = arith.constant 0 : i32
          %dma_start3A_520 = arith.constant 0 : i32
          %dma_start3A_521 = tpu.memref_slice %arg7[%dma_start3A_519, %dma_start3A_520] : memref<16384x128xf32, #tpu.memory_space<hbm>> -> memref<16384x128xf32, #tpu.memory_space<hbm>>
          %dma_start3A_522 = arith.constant -1 : i32
          tpu.enqueue_indirect_dma source(%dma_start3A_515 : memref<16x128xf32, #tpu.memory_space<vmem>>) target(%dma_start3A_521 : memref<16384x128xf32, #tpu.memory_space<hbm>>) offsets(%dma_start3A_518 : memref<16xi32, #tpu.memory_space<vmem>>) offset_filter(%dma_start3A_522) semaphore(%arg13 : memref<!tpu.dma_semaphore, #tpu.memory_space<semaphore_mem>>)
          %add3A_523 = arith.constant 1 : i32
          %add3A_524 = arith.addi %while3A_365, %add3A_523 : i32
          scf.yield %add3A_524 : i32
        } else {
          scf.yield %while3A_365 : i32
        }
        scf.yield %cond3A_384 : i32
      }
      %add3A_359 = arith.constant 2 : i32
      %add3A_360 = arith.addi %scan3A_308, %add3A_359 : i32
      %lt3A_361 = arith.constant 21 : i32
      %lt3A_362 = arith.cmpi slt, %add3A_360, %lt3A_361 : i32
      %convert_element_type3A = arith.extui %lt3A_362 : i1 to i32
      %cond3A = arith.constant 0 : i32
      %cond3A_363 = arith.cmpi ne, %convert_element_type3A, %cond3A : i32
      scf.if %cond3A_363 {
        %add3A_364 = arith.constant 2 : i32
        %add3A_365 = arith.addi %scan3A_308, %add3A_364 : i32
        %mul3A_366 = arith.constant 1536 : i32
        %mul3A_367 = arith.muli %add3A_365, %mul3A_366 : i32
        %add3A_368 = arith.addi %mul3A_160, %mul3A_367 : i32
        %sub3A_369 = arith.constant 1536 : i32
        %sub3A_370 = arith.subi %add3A_163, %sub3A_369 : i32
        %min3A_371 = arith.minsi %add3A_368, %sub3A_370 : i32
        %dma_start3A_372 = arith.constant 0 : i32
        %dma_start3A_373 = arith.constant 0 : i32
        %dma_start3A_374 = tpu.memref_slice %arg10[%and3A_311, %dma_start3A_372, %dma_start3A_373] : memref<2x32x1536xf32, #tpu.memory_space<vmem>> -> memref<1x16x1536xf32, #tpu.memory_space<vmem>>
        %dma_start3A_375 = tpu.memref_squeeze %dma_start3A_374 : memref<1x16x1536xf32, #tpu.memory_space<vmem>> -> memref<16x1536xf32, #tpu.memory_space<vmem>>
        %dma_start3A_376 = arith.constant 0 : i32
        %dma_start3A_377 = tpu.memref_slice %arg3[%dma_start3A_376, %min3A_371] : memref<32x1000000xf32, #tpu.memory_space<hbm>> -> memref<16x1536xf32, #tpu.memory_space<hbm>>
        %dma_start3A_378 = arith.constant 0 : i32
        %dma_start3A_379 = arith.constant 0 : i32
        %dma_start3A_380 = tpu.memref_slice %arg10[%and3A_311, %dma_start3A_378, %dma_start3A_379] : memref<2x32x1536xf32, #tpu.memory_space<vmem>> -> memref<1x16x1536xf32, #tpu.memory_space<vmem>>
        %dma_start3A_381 = tpu.memref_squeeze %dma_start3A_380 : memref<1x16x1536xf32, #tpu.memory_space<vmem>> -> memref<16x1536xf32, #tpu.memory_space<vmem>>
        %dma_start3A_382 = arith.constant 0 : i32
        %dma_start3A_383 = tpu.memref_slice %arg3[%dma_start3A_382, %min3A_371] : memref<32x1000000xf32, #tpu.memory_space<hbm>> -> memref<16x1536xf32, #tpu.memory_space<hbm>>
        tpu.enqueue_dma source(%dma_start3A_383 : memref<16x1536xf32, #tpu.memory_space<hbm>>) target(%dma_start3A_381 : memref<16x1536xf32, #tpu.memory_space<vmem>>) target_semaphore(%arg14 : memref<!tpu.dma_semaphore, #tpu.memory_space<semaphore_mem>>)
        %dma_start3A_384 = arith.constant 16 : i32
        %dma_start3A_385 = arith.constant 0 : i32
        %dma_start3A_386 = tpu.memref_slice %arg10[%and3A_311, %dma_start3A_384, %dma_start3A_385] : memref<2x32x1536xf32, #tpu.memory_space<vmem>> -> memref<1x16x1536xf32, #tpu.memory_space<vmem>>
        %dma_start3A_387 = tpu.memref_squeeze %dma_start3A_386 : memref<1x16x1536xf32, #tpu.memory_space<vmem>> -> memref<16x1536xf32, #tpu.memory_space<vmem>>
        %dma_start3A_388 = arith.constant 16 : i32
        %dma_start3A_389 = tpu.memref_slice %arg3[%dma_start3A_388, %min3A_371] : memref<32x1000000xf32, #tpu.memory_space<hbm>> -> memref<16x1536xf32, #tpu.memory_space<hbm>>
        %dma_start3A_390 = arith.constant 16 : i32
        %dma_start3A_391 = arith.constant 0 : i32
        %dma_start3A_392 = tpu.memref_slice %arg10[%and3A_311, %dma_start3A_390, %dma_start3A_391] : memref<2x32x1536xf32, #tpu.memory_space<vmem>> -> memref<1x16x1536xf32, #tpu.memory_space<vmem>>
        %dma_start3A_393 = tpu.memref_squeeze %dma_start3A_392 : memref<1x16x1536xf32, #tpu.memory_space<vmem>> -> memref<16x1536xf32, #tpu.memory_space<vmem>>
        %dma_start3A_394 = arith.constant 16 : i32
        %dma_start3A_395 = tpu.memref_slice %arg3[%dma_start3A_394, %min3A_371] : memref<32x1000000xf32, #tpu.memory_space<hbm>> -> memref<16x1536xf32, #tpu.memory_space<hbm>>
        tpu.enqueue_dma source(%dma_start3A_395 : memref<16x1536xf32, #tpu.memory_space<hbm>>) target(%dma_start3A_393 : memref<16x1536xf32, #tpu.memory_space<vmem>>) target_semaphore(%arg14 : memref<!tpu.dma_semaphore, #tpu.memory_space<semaphore_mem>>)
      } else {
      }
      scf.yield %while3A_358 : i32
    }
    %scan3A_300 = arith.constant 21 : i32
    "tpu.trace_stop"() : () -> ()
    %scan3A_301 = arith.constant 0 : i32
    %scan3A_302 = arith.constant 0 : i32
    %scan3A_303 = arith.constant 4 : i32
    %scan3A_304 = arith.addi %scan3A_302, %scan3A_303 : i32
    %scan3A_305 = arith.constant 1 : i32
    %scan3A_306 = scf.for %scan3A_308 = %scan3A_302 to %scan3A_304 step %scan3A_305 iter_args(%scan3A_309 = %scan3A_301) -> (i32)  : i32 {
      %min3A_310 = arith.constant 4 : i32
      %min3A_311 = arith.minsi %scan3A_299, %min3A_310 : i32
      %lt3A_312 = arith.cmpi slt, %scan3A_308, %min3A_311 : i32
      %convert_element_type3A = arith.extui %lt3A_312 : i1 to i32
      %cond3A = arith.constant 0 : i32
      %cond3A_313 = arith.cmpi ne, %convert_element_type3A, %cond3A : i32
      scf.if %cond3A_313 {
        %dma_wait3A = arith.constant 0 : i32
        %dma_wait3A_315 = arith.constant 0 : i32
        %dma_wait3A_316 = tpu.memref_slice %arg11[%dma_wait3A, %dma_wait3A_315] : memref<64x128xf32, #tpu.memory_space<vmem>> -> memref<16x128xf32, #tpu.memory_space<vmem>>
        %dma_wait3A_317 = arith.constant 0 : i32
        %dma_wait3A_318 = arith.constant 0 : i32
        %dma_wait3A_319 = tpu.memref_slice %arg7[%dma_wait3A_317, %dma_wait3A_318] : memref<16384x128xf32, #tpu.memory_space<hbm>> -> memref<16x128xf32, #tpu.memory_space<hbm>>
        %dma_wait3A_320 = arith.constant 0 : i32
        %dma_wait3A_321 = arith.constant 0 : i32
        %dma_wait3A_322 = tpu.memref_slice %arg11[%dma_wait3A_320, %dma_wait3A_321] : memref<64x128xf32, #tpu.memory_space<vmem>> -> memref<16x128xf32, #tpu.memory_space<vmem>>
        %dma_wait3A_323 = arith.constant 0 : i32
        %dma_wait3A_324 = arith.constant 0 : i32
        %dma_wait3A_325 = tpu.memref_slice %arg7[%dma_wait3A_323, %dma_wait3A_324] : memref<16384x128xf32, #tpu.memory_space<hbm>> -> memref<16x128xf32, #tpu.memory_space<hbm>>
        tpu.wait_dma2 semaphore(%arg13 : memref<!tpu.dma_semaphore, #tpu.memory_space<semaphore_mem>>) src(%dma_wait3A_325 : memref<16x128xf32, #tpu.memory_space<hbm>>) dst(%dma_wait3A_322 : memref<16x128xf32, #tpu.memory_space<vmem>>)
      } else {
      }
      %scan3A_314 = arith.constant 0 : i32
      scf.yield %scan3A_314 : i32
    }
    %scan3A_307 = arith.constant 4 : i32
    return
  }
}

module attributes {stable_mosaic.version = 14 : i64} {
  func.func @_mlp_body(%arg0: i32, %arg1: memref<2048x128xf32, #tpu.memory_space<vmem>>, %arg2: memref<2048x128xf32, #tpu.memory_space<vmem>>, %arg3: memref<2048x1xf32, #tpu.memory_space<vmem>>, %arg4: memref<2048x1xf32, #tpu.memory_space<vmem>>, %arg5: memref<32x32xf32, #tpu.memory_space<vmem>>, %arg6: memref<64x32xf32, #tpu.memory_space<vmem>>, %arg7: memref<2048x2xf32, #tpu.memory_space<vmem>>, %arg8: memref<32x64xf32, #tpu.memory_space<vmem>>, %arg9: memref<32x64xf32, #tpu.memory_space<vmem>>, %arg10: memref<2x64xf32, #tpu.memory_space<vmem>>, %arg11: memref<1x64xf32, #tpu.memory_space<vmem>>, %arg12: memref<64x32xf32, #tpu.memory_space<vmem>>, %arg13: memref<1x32xf32, #tpu.memory_space<vmem>>, %arg14: memref<32x1xf32, #tpu.memory_space<vmem>>, %arg15: memref<1x1xf32, #tpu.memory_space<vmem>>, %arg16: memref<2048x1xf32, #tpu.memory_space<vmem>>) attributes {dimension_semantics = [#tpu.dimension_semantics<arbitrary>], iteration_bounds = array<i64: 8>, scalar_prefetch = 0 : i64, scratch_operands = 0 : i64, tpu.core_type = #tpu.core_type<tc>, window_params = [{transform_indices = @transform_0, window_bounds = array<i64: 2048, 128>}, {transform_indices = @transform_1, window_bounds = array<i64: 2048, 128>}, {transform_indices = @transform_2, window_bounds = array<i64: 2048, 1>}, {transform_indices = @transform_3, window_bounds = array<i64: 2048, 1>}, {pipeline_mode = #tpu.pipeline_mode<synchronous>, transform_indices = @transform_4, window_bounds = array<i64: 32, 32>}, {pipeline_mode = #tpu.pipeline_mode<synchronous>, transform_indices = @transform_5, window_bounds = array<i64: 64, 32>}, {transform_indices = @transform_6, window_bounds = array<i64: 2048, 2>}, {pipeline_mode = #tpu.pipeline_mode<synchronous>, transform_indices = @transform_7, window_bounds = array<i64: 32, 64>}, {pipeline_mode = #tpu.pipeline_mode<synchronous>, transform_indices = @transform_8, window_bounds = array<i64: 32, 64>}, {pipeline_mode = #tpu.pipeline_mode<synchronous>, transform_indices = @transform_9, window_bounds = array<i64: 2, 64>}, {pipeline_mode = #tpu.pipeline_mode<synchronous>, transform_indices = @transform_10, window_bounds = array<i64: 1, 64>}, {pipeline_mode = #tpu.pipeline_mode<synchronous>, transform_indices = @transform_11, window_bounds = array<i64: 64, 32>}, {pipeline_mode = #tpu.pipeline_mode<synchronous>, transform_indices = @transform_12, window_bounds = array<i64: 1, 32>}, {pipeline_mode = #tpu.pipeline_mode<synchronous>, transform_indices = @transform_13, window_bounds = array<i64: 32, 1>}, {pipeline_mode = #tpu.pipeline_mode<synchronous>, transform_indices = @transform_14, window_bounds = array<i64: 1, 1>}, {transform_indices = @transform_15, window_bounds = array<i64: 2048, 1>}]} {
    %get3A = arith.constant 0 : index
    %get3A_0 = arith.constant 0 : index
    %get3A_1 = vector.load %arg3[%get3A, %get3A_0] : memref<2048x1xf32, #tpu.memory_space<vmem>>, vector<2048x1xf32>
    %get3A_2 = arith.constant 0 : index
    %get3A_3 = arith.constant 0 : index
    %get3A_4 = vector.load %arg4[%get3A_2, %get3A_3] : memref<2048x1xf32, #tpu.memory_space<vmem>>, vector<2048x1xf32>
    %iota3A = tpu.iota {dimensions = array<i32: 1>} : vector<1x32xi32>
    %convert_element_type3A = arith.sitofp %iota3A : vector<1x32xi32> to vector<1x32xf32>
    %iota3A_5 = tpu.iota {dimensions = array<i32: 1>} : vector<1x64xi32>
    %convert_element_type3A_6 = arith.sitofp %iota3A_5 : vector<1x64xi32> to vector<1x64xf32>
    %eq3A = vector.broadcast %get3A_1 : vector<2048x1xf32> to vector<2048x32xf32>
    %eq3A_7 = vector.broadcast %convert_element_type3A : vector<1x32xf32> to vector<2048x32xf32>
    %eq3A_8 = arith.cmpf oeq, %eq3A, %eq3A_7 : vector<2048x32xf32>
    %convert_element_type3A_9 = arith.extui %eq3A_8 : vector<2048x32xi1> to vector<2048x32xi32>
    %convert_element_type3A_10 = arith.sitofp %convert_element_type3A_9 : vector<2048x32xi32> to vector<2048x32xf32>
    %eq3A_11 = vector.broadcast %get3A_4 : vector<2048x1xf32> to vector<2048x64xf32>
    %eq3A_12 = vector.broadcast %convert_element_type3A_6 : vector<1x64xf32> to vector<2048x64xf32>
    %eq3A_13 = arith.cmpf oeq, %eq3A_11, %eq3A_12 : vector<2048x64xf32>
    %convert_element_type3A_14 = arith.extui %eq3A_13 : vector<2048x64xi1> to vector<2048x64xi32>
    %convert_element_type3A_15 = arith.sitofp %convert_element_type3A_14 : vector<2048x64xi32> to vector<2048x64xf32>
    %get3A_16 = arith.constant 0 : index
    %get3A_17 = arith.constant 0 : index
    %get3A_18 = vector.load %arg5[%get3A_16, %get3A_17] : memref<32x32xf32, #tpu.memory_space<vmem>>, vector<32x32xf32>
    %dot_general3A = arith.constant dense<0.000000e+00> : vector<2048x32xf32>
    %dot_general3A_19 = tpu.matmul %convert_element_type3A_10, %get3A_18, %dot_general3A {dimension_numbers = #tpu.dot_dimension_numbers<[1], [0], [0], [1], [0, 0, 1, 1], [], []>, transpose_lhs_hint = false} : vector<2048x32xf32>, vector<32x32xf32>, vector<2048x32xf32> -> vector<2048x32xf32>
    %get3A_20 = arith.constant 0 : index
    %get3A_21 = arith.constant 0 : index
    %get3A_22 = vector.load %arg6[%get3A_20, %get3A_21] : memref<64x32xf32, #tpu.memory_space<vmem>>, vector<64x32xf32>
    %dot_general3A_23 = arith.constant dense<0.000000e+00> : vector<2048x32xf32>
    %dot_general3A_24 = tpu.matmul %convert_element_type3A_15, %get3A_22, %dot_general3A_23 {dimension_numbers = #tpu.dot_dimension_numbers<[1], [0], [0], [1], [0, 0, 1, 1], [], []>, transpose_lhs_hint = false} : vector<2048x64xf32>, vector<64x32xf32>, vector<2048x32xf32> -> vector<2048x32xf32>
    %ge3A = arith.constant 0.000000e+00 : f32
    %ge3A_25 = vector.broadcast %ge3A : f32 to vector<2048x1xf32>
    %ge3A_26 = arith.cmpf oge, %get3A_1, %ge3A_25 : vector<2048x1xf32>
    %get3A_27 = arith.constant 0 : index
    %get3A_28 = arith.constant 0 : index
    %get3A_29 = vector.load %arg1[%get3A_27, %get3A_28] : memref<2048x128xf32, #tpu.memory_space<vmem>>, vector<2048x32xf32>
    %broadcast_in_dim3A = vector.shape_cast %ge3A_26 : vector<2048x1xi1> to vector<2048x1xi1>
    %broadcast_in_dim3A_30 = vector.broadcast %broadcast_in_dim3A : vector<2048x1xi1> to vector<2048x32xi1>
    %select_n3A = arith.select %broadcast_in_dim3A_30, %dot_general3A_19, %get3A_29 : vector<2048x32xi1>, vector<2048x32xf32>
    %ge3A_31 = arith.constant 0.000000e+00 : f32
    %ge3A_32 = vector.broadcast %ge3A_31 : f32 to vector<2048x1xf32>
    %ge3A_33 = arith.cmpf oge, %get3A_4, %ge3A_32 : vector<2048x1xf32>
    %get3A_34 = arith.constant 0 : index
    %get3A_35 = arith.constant 0 : index
    %get3A_36 = vector.load %arg2[%get3A_34, %get3A_35] : memref<2048x128xf32, #tpu.memory_space<vmem>>, vector<2048x32xf32>
    %broadcast_in_dim3A_37 = vector.shape_cast %ge3A_33 : vector<2048x1xi1> to vector<2048x1xi1>
    %broadcast_in_dim3A_38 = vector.broadcast %broadcast_in_dim3A_37 : vector<2048x1xi1> to vector<2048x32xi1>
    %select_n3A_39 = arith.select %broadcast_in_dim3A_38, %dot_general3A_24, %get3A_36 : vector<2048x32xi1>, vector<2048x32xf32>
    %get3A_40 = arith.constant 0 : index
    %get3A_41 = arith.constant 0 : index
    %get3A_42 = vector.load %arg8[%get3A_40, %get3A_41] : memref<32x64xf32, #tpu.memory_space<vmem>>, vector<32x64xf32>
    %dot_general3A_43 = arith.constant dense<0.000000e+00> : vector<2048x64xf32>
    %dot_general3A_44 = tpu.matmul %select_n3A, %get3A_42, %dot_general3A_43 {dimension_numbers = #tpu.dot_dimension_numbers<[1], [0], [0], [1], [0, 0, 1, 1], [], []>, transpose_lhs_hint = false} : vector<2048x32xf32>, vector<32x64xf32>, vector<2048x64xf32> -> vector<2048x64xf32>
    %get3A_45 = arith.constant 0 : index
    %get3A_46 = arith.constant 0 : index
    %get3A_47 = vector.load %arg9[%get3A_45, %get3A_46] : memref<32x64xf32, #tpu.memory_space<vmem>>, vector<32x64xf32>
    %dot_general3A_48 = arith.constant dense<0.000000e+00> : vector<2048x64xf32>
    %dot_general3A_49 = tpu.matmul %select_n3A_39, %get3A_47, %dot_general3A_48 {dimension_numbers = #tpu.dot_dimension_numbers<[1], [0], [0], [1], [0, 0, 1, 1], [], []>, transpose_lhs_hint = false} : vector<2048x32xf32>, vector<32x64xf32>, vector<2048x64xf32> -> vector<2048x64xf32>
    %add3A = arith.addf %dot_general3A_44, %dot_general3A_49 : vector<2048x64xf32>
    %get3A_50 = arith.constant 0 : index
    %get3A_51 = arith.constant 0 : index
    %get3A_52 = vector.load %arg7[%get3A_50, %get3A_51] : memref<2048x2xf32, #tpu.memory_space<vmem>>, vector<2048x2xf32>
    %get3A_53 = arith.constant 0 : index
    %get3A_54 = arith.constant 0 : index
    %get3A_55 = vector.load %arg10[%get3A_53, %get3A_54] : memref<2x64xf32, #tpu.memory_space<vmem>>, vector<2x64xf32>
    %dot_general3A_56 = arith.constant dense<0.000000e+00> : vector<2048x64xf32>
    %dot_general3A_57 = tpu.matmul %get3A_52, %get3A_55, %dot_general3A_56 {dimension_numbers = #tpu.dot_dimension_numbers<[1], [0], [0], [1], [0, 0, 1, 1], [], []>, transpose_lhs_hint = false} : vector<2048x2xf32>, vector<2x64xf32>, vector<2048x64xf32> -> vector<2048x64xf32>
    %add3A_58 = arith.addf %add3A, %dot_general3A_57 : vector<2048x64xf32>
    %get3A_59 = arith.constant 0 : index
    %get3A_60 = arith.constant 0 : index
    %get3A_61 = vector.load %arg11[%get3A_59, %get3A_60] : memref<1x64xf32, #tpu.memory_space<vmem>>, vector<1x64xf32>
    %add3A_62 = vector.broadcast %get3A_61 : vector<1x64xf32> to vector<2048x64xf32>
    %add3A_63 = arith.addf %add3A_58, %add3A_62 : vector<2048x64xf32>
    %max3A = arith.constant 0.000000e+00 : f32
    %max3A_64 = vector.broadcast %max3A : f32 to vector<2048x64xf32>
    %max3A_65 = arith.maximumf %add3A_63, %max3A_64 : vector<2048x64xf32>
    %get3A_66 = arith.constant 0 : index
    %get3A_67 = arith.constant 0 : index
    %get3A_68 = vector.load %arg12[%get3A_66, %get3A_67] : memref<64x32xf32, #tpu.memory_space<vmem>>, vector<64x32xf32>
    %dot_general3A_69 = arith.constant dense<0.000000e+00> : vector<2048x32xf32>
    %dot_general3A_70 = tpu.matmul %max3A_65, %get3A_68, %dot_general3A_69 {dimension_numbers = #tpu.dot_dimension_numbers<[1], [0], [0], [1], [0, 0, 1, 1], [], []>, transpose_lhs_hint = false} : vector<2048x64xf32>, vector<64x32xf32>, vector<2048x32xf32> -> vector<2048x32xf32>
    %get3A_71 = arith.constant 0 : index
    %get3A_72 = arith.constant 0 : index
    %get3A_73 = vector.load %arg13[%get3A_71, %get3A_72] : memref<1x32xf32, #tpu.memory_space<vmem>>, vector<1x32xf32>
    %add3A_74 = vector.broadcast %get3A_73 : vector<1x32xf32> to vector<2048x32xf32>
    %add3A_75 = arith.addf %dot_general3A_70, %add3A_74 : vector<2048x32xf32>
    %max3A_76 = arith.constant 0.000000e+00 : f32
    %max3A_77 = vector.broadcast %max3A_76 : f32 to vector<2048x32xf32>
    %max3A_78 = arith.maximumf %add3A_75, %max3A_77 : vector<2048x32xf32>
    %get3A_79 = arith.constant 0 : index
    %get3A_80 = arith.constant 0 : index
    %get3A_81 = vector.load %arg14[%get3A_79, %get3A_80] : memref<32x1xf32, #tpu.memory_space<vmem>>, vector<32x1xf32>
    %dot_general3A_82 = arith.constant dense<0.000000e+00> : vector<2048x1xf32>
    %dot_general3A_83 = tpu.matmul %max3A_78, %get3A_81, %dot_general3A_82 {dimension_numbers = #tpu.dot_dimension_numbers<[1], [0], [0], [1], [0, 0, 1, 1], [], []>, transpose_lhs_hint = false} : vector<2048x32xf32>, vector<32x1xf32>, vector<2048x1xf32> -> vector<2048x1xf32>
    %get3A_84 = arith.constant 0 : index
    %get3A_85 = arith.constant 0 : index
    %get3A_86 = vector.load %arg15[%get3A_84, %get3A_85] : memref<1x1xf32, #tpu.memory_space<vmem>>, vector<1x1xf32>
    %add3A_87 = vector.broadcast %get3A_86 : vector<1x1xf32> to vector<2048x1xf32>
    %add3A_88 = arith.addf %dot_general3A_83, %add3A_87 : vector<2048x1xf32>
    %logistic3A = arith.negf %add3A_88 : vector<2048x1xf32>
    %logistic3A_89 = math.exp %logistic3A : vector<2048x1xf32>
    %logistic3A_90 = arith.constant 1.000000e+00 : f32
    %logistic3A_91 = vector.broadcast %logistic3A_90 : f32 to vector<2048x1xf32>
    %logistic3A_92 = arith.addf %logistic3A_91, %logistic3A_89 : vector<2048x1xf32>
    %logistic3A_93 = arith.divf %logistic3A_91, %logistic3A_92 : vector<2048x1xf32>
    %swap3A = arith.constant 0 : index
    %swap3A_94 = arith.constant 0 : index
    %swap3A_95 = vector.load %arg16[%swap3A, %swap3A_94] : memref<2048x1xf32, #tpu.memory_space<vmem>>, vector<2048x1xf32>
    tpu.vector_store %arg16[%swap3A, %swap3A_94], %logistic3A_93 {strides = array<i32>} : memref<2048x1xf32, #tpu.memory_space<vmem>>, vector<2048x1xf32>,
    return
  }
  func.func @transform_0(%arg0: i32) -> (i32, i32) {
    %c0_i32 = arith.constant 0 : i32
    %c0_i32_0 = arith.constant 0 : i32
    return %arg0, %c0_i32 : i32, i32
  }
  func.func @transform_1(%arg0: i32) -> (i32, i32) {
    %c0_i32 = arith.constant 0 : i32
    %c0_i32_0 = arith.constant 0 : i32
    return %arg0, %c0_i32 : i32, i32
  }
  func.func @transform_2(%arg0: i32) -> (i32, i32) {
    %c0_i32 = arith.constant 0 : i32
    %c0_i32_0 = arith.constant 0 : i32
    return %arg0, %c0_i32 : i32, i32
  }
  func.func @transform_3(%arg0: i32) -> (i32, i32) {
    %c0_i32 = arith.constant 0 : i32
    %c0_i32_0 = arith.constant 0 : i32
    return %arg0, %c0_i32 : i32, i32
  }
  func.func @transform_4(%arg0: i32) -> (i32, i32) {
    %c0_i32 = arith.constant 0 : i32
    %c0_i32_0 = arith.constant 0 : i32
    %c0_i32_1 = arith.constant 0 : i32
    return %c0_i32, %c0_i32_0 : i32, i32
  }
  func.func @transform_5(%arg0: i32) -> (i32, i32) {
    %c0_i32 = arith.constant 0 : i32
    %c0_i32_0 = arith.constant 0 : i32
    %c0_i32_1 = arith.constant 0 : i32
    return %c0_i32, %c0_i32_0 : i32, i32
  }
  func.func @transform_6(%arg0: i32) -> (i32, i32) {
    %c0_i32 = arith.constant 0 : i32
    %c0_i32_0 = arith.constant 0 : i32
    return %arg0, %c0_i32 : i32, i32
  }
  func.func @transform_7(%arg0: i32) -> (i32, i32) {
    %c0_i32 = arith.constant 0 : i32
    %c0_i32_0 = arith.constant 0 : i32
    %c0_i32_1 = arith.constant 0 : i32
    return %c0_i32, %c0_i32_0 : i32, i32
  }
  func.func @transform_8(%arg0: i32) -> (i32, i32) {
    %c0_i32 = arith.constant 0 : i32
    %c0_i32_0 = arith.constant 0 : i32
    %c0_i32_1 = arith.constant 0 : i32
    return %c0_i32, %c0_i32_0 : i32, i32
  }
  func.func @transform_9(%arg0: i32) -> (i32, i32) {
    %c0_i32 = arith.constant 0 : i32
    %c0_i32_0 = arith.constant 0 : i32
    %c0_i32_1 = arith.constant 0 : i32
    return %c0_i32, %c0_i32_0 : i32, i32
  }
  func.func @transform_10(%arg0: i32) -> (i32, i32) {
    %c0_i32 = arith.constant 0 : i32
    %c0_i32_0 = arith.constant 0 : i32
    %c0_i32_1 = arith.constant 0 : i32
    return %c0_i32, %c0_i32_0 : i32, i32
  }
  func.func @transform_11(%arg0: i32) -> (i32, i32) {
    %c0_i32 = arith.constant 0 : i32
    %c0_i32_0 = arith.constant 0 : i32
    %c0_i32_1 = arith.constant 0 : i32
    return %c0_i32, %c0_i32_0 : i32, i32
  }
  func.func @transform_12(%arg0: i32) -> (i32, i32) {
    %c0_i32 = arith.constant 0 : i32
    %c0_i32_0 = arith.constant 0 : i32
    %c0_i32_1 = arith.constant 0 : i32
    return %c0_i32, %c0_i32_0 : i32, i32
  }
  func.func @transform_13(%arg0: i32) -> (i32, i32) {
    %c0_i32 = arith.constant 0 : i32
    %c0_i32_0 = arith.constant 0 : i32
    %c0_i32_1 = arith.constant 0 : i32
    return %c0_i32, %c0_i32_0 : i32, i32
  }
  func.func @transform_14(%arg0: i32) -> (i32, i32) {
    %c0_i32 = arith.constant 0 : i32
    %c0_i32_0 = arith.constant 0 : i32
    %c0_i32_1 = arith.constant 0 : i32
    return %c0_i32, %c0_i32_0 : i32, i32
  }
  func.func @transform_15(%arg0: i32) -> (i32, i32) {
    %c0_i32 = arith.constant 0 : i32
    %c0_i32_0 = arith.constant 0 : i32
    return %arg0, %c0_i32 : i32, i32
  }
}

</mosaic_0001>

<sc_bundles>
// kernel: kernel.4.cloned.1.call-start
scs
__scs_entry_jumppad:
0x0: {  	(pc) =	sbr.rel $0x88, $3  }
0x1: {  	(tag) =	ssettag $0x0;
	lr =	simm.s32 $0x1  }
0x2: {  	[smem:$0x3F95] =	sst lr;
	_ =	strace $0xD0000000  }
0x3: {  	_ = 	snop  }
0x4: {  	_ = 	snop  }
0x5: {  	_ = 	snop  }
0x6: {  	_ = 	snop  }
0x7: {  	_ = 	snop  }
__scs_overlays_trampoline_lowered:
0x8: {  	[smem:$0x3FA4] =	sst s0  }
0x9: {  	[smem:$0x3FA5] =	sst s1  }
0xa: {  	[smem:$0x3FA6] =	sst s2  }
0xb: {  	[smem:$0x3FA7] =	sst s3  }
0xc: {  	[smem:$0x3FA8] =	sst s4  }
0xd: {  	[smem:$0x3FA9] =	sst s5  }
0xe: {  	[smem:$0x3FAA] =	sst s6  }
0xf: {  	[smem:$0x3FAB] =	sst s7  }
0x10: {  	[smem:$0x3FAC] =	sst s8  }
0x11: {  	[smem:$0x3FAD] =	sst s9;
	s0 =	simm.s32 @!p0 $0x0  }
0x12: {  	s1 =	sld [smem:$0x3F93];
	s0 =	simm.s32 @p0 $0x1  }
0x13: {  	[smem:$0x3FAE] =	sst s0;
	s0 =	simm.s32 @!p1 $0x0  }
0x14: {  	s2 =	sld [smem:$0x3F92];
	s0 =	simm.s32 @p1 $0x1  }
0x15: {  	[smem:$0x3FAF] =	sst s0;
	s0 =	simm.s32 @!p2 $0x0  }
0x16: {  	s3 =	sld [smem:$0x3FDB];
	s0 =	simm.s32 @p2 $0x1  }
0x17: {  	s4 =	simm.s32 $0x1BF5;
	[smem:$0x3FB1] =	sst s0  }
0x18: {  	s0 =	sld [smem:$0x3F94];
	_ =	swait.ge [sflag:s4], $0x0  }
0x19: {  	s7 =	sld [smem:$0x3F95]  }
0x1a: {  	s8 =	sadd.s32 $0xFFFFE003, lr  }
0x1b: {  	s9 =	sadd.s32 $0xFFFFFEF7, lr;
	s5 =	simm.s32 $0xFFFFFFFF;
	p2 =	slt.u32 s8, $0xFFFFF086  }
0x1c: {  	p1 =	slt.u32 s9, $0xF7A;
	s5 =	simm.s32 @!p2 $0x0  }
0x1d: {  	s5 =	simm.s32 @p1 $0x1;
	p0 =	seq.s32 s7, s2  }
0x1e: {  	s7 =	smul.u32 @!p0 $0xF7A, s2;
	p2 =	seq.s32 @!p0 s5, $0x0  }
0x1f: {  	s9 =	smul.u32 $0xF7A, s1;
	s8 =	simm.s32 @!p0 $0x1BF5;
	p2 =	por !p2, p0  }
0x20: {  	[sflag:s8] =	ssyncset.s32 @!p0 $0xFFFFF086;
	s6 =	sadd.s32 @!p0 s3, s7;
	s7 =	simm.s32 @!p0 $0x108  }
0x21: {  	s3 =	sadd.s32 s3, s9;
	s6 =	sadd.s32 @!p0 $0x88, s6;
	s7 =	simm.s32 @p2 $0x1082  }
0x22: {  	[simem:s7], [sflag:s8] =	dma.local @!p0 [hbm:s6], $0xF7A  }
0x23: {  	s9 =	sor.u32 $0xD0000000, s2;
	s6 =	simm.s32 $0x108;
	_ =	swait.ge @!p0 [sflag:s8], $0x0  }
0x24: {  	s3 =	sadd.s32 $0x88, s3;
	s6 =	simm.s32 @!p1 $0x1082;
	[sflag:s4] =	ssyncset.s32 $0xFFFFF086  }
0x25: {  	[simem:s6], [sflag:s4] =	dma.local [hbm:s3], $0xF7A  }
0x26: {  	[smem:$0x3F95] =	sst s1;
	(tag) =	ssettag s2;
	_ =	strace s9  }
0x27: {  	s1 =	sld [smem:$0x3FA5]  }
0x28: {  	s2 =	sld [smem:$0x3FA6]  }
0x29: {  	s4 =	sld [smem:$0x3FA8]  }
0x2a: {  	p0 =	seq.s32 s5, $0x0;
	s5 =	sld [smem:$0x3FA9]  }
0x2b: {  	s6 =	sld [smem:$0x3FAA]  }
0x2c: {  	s7 =	sld [smem:$0x3FAB]  }
0x2d: {  	s3 =	simm.s32 $0x108;
	s8 =	sld [smem:$0x3FAC]  }
0x2e: {  	s3 =	simm.s32 @!p0 $0x1082;
	s9 =	sld [smem:$0x3FAD]  }
0x2f: {  	lr =	sadd.s32 s0, s3;
	s0 =	sld [smem:$0x3FA4]  }
0x30: {  	s3 =	sld [smem:$0x3FA7]  }
0x31: {  	[smem:$0x3FB0] =	sst s10  }
0x32: {  	s10 =	sld [smem:$0x3FAE];
	_ =	sdelay $0x3  }
0x33: {  	p0 =	seq.s32 s10, $0x1;
	s10 =	sld [smem:$0x3FB0];
	_ =	sdelay $0x3  }
0x34: {  	[smem:$0x3FB0] =	sst s10  }
0x35: {  	s10 =	sld [smem:$0x3FAF];
	_ =	sdelay $0x3  }
0x36: {  	p1 =	seq.s32 s10, $0x1;
	s10 =	sld [smem:$0x3FB0];
	_ =	sdelay $0x3  }
0x37: {  	[smem:$0x3FB0] =	sst s10  }
0x38: {  	s10 =	sld [smem:$0x3FB1]  }
0x39: {  	_ = 	snop;
	(pc) =	sbr.ind lr, $3  }
0x3a: {  	_ = 	snop  }
0x3b: {  	_ = 	snop  }
0x3c: {  	p2 =	seq.s32 s10, $0x1;
	s10 =	sld [smem:$0x3FB0]  }
0x3d: {  	_ =	shalt  }
0x3e: {  	_ =	shalt  }
0x3f: {  	_ =	shalt  }
0x40: {  	_ =	shalt  }
0x41: {  	_ =	shalt  }
0x42: {  	_ =	shalt  }
0x43: {  	_ =	shalt  }
0x44: {  	_ =	shalt  }
0x45: {  	_ =	shalt  }
0x46: {  	_ =	shalt  }
0x47: {  	_ =	shalt  }
0x48: {  	_ =	shalt  }
0x49: {  	_ =	shalt  }
0x4a: {  	_ =	shalt  }
0x4b: {  	_ =	shalt  }
0x4c: {  	_ =	shalt  }
0x4d: {  	_ =	shalt  }
0x4e: {  	_ =	shalt  }
0x4f: {  	_ =	shalt  }
0x50: {  	_ =	shalt  }
0x51: {  	_ =	shalt  }
0x52: {  	_ =	shalt  }
0x53: {  	_ =	shalt  }
0x54: {  	_ =	shalt  }
0x55: {  	_ =	shalt  }
0x56: {  	_ =	shalt  }
0x57: {  	_ =	shalt  }
0x58: {  	_ =	shalt  }
0x59: {  	_ =	shalt  }
0x5a: {  	_ =	shalt  }
0x5b: {  	_ =	shalt  }
0x5c: {  	_ =	shalt  }
0x5d: {  	_ =	shalt  }
0x5e: {  	_ =	shalt  }
0x5f: {  	_ =	shalt  }
0x60: {  	_ =	shalt  }
0x61: {  	_ =	shalt  }
0x62: {  	_ =	shalt  }
0x63: {  	_ =	shalt  }
0x64: {  	_ =	shalt  }
0x65: {  	_ =	shalt  }
0x66: {  	_ =	shalt  }
0x67: {  	_ =	shalt  }
0x68: {  	_ =	shalt  }
0x69: {  	_ =	shalt  }
0x6a: {  	_ =	shalt  }
0x6b: {  	_ =	shalt  }
0x6c: {  	_ =	shalt  }
0x6d: {  	_ =	shalt  }
0x6e: {  	_ =	shalt  }
0x6f: {  	_ =	shalt  }
0x70: {  	_ =	shalt  }
0x71: {  	_ =	shalt  }
0x72: {  	_ =	shalt  }
0x73: {  	_ =	shalt  }
0x74: {  	_ =	shalt  }
0x75: {  	_ =	shalt  }
0x76: {  	_ =	shalt  }
0x77: {  	_ =	shalt  }
0x78: {  	_ =	shalt  }
0x79: {  	_ =	shalt  }
0x7a: {  	_ =	shalt  }
0x7b: {  	_ =	shalt  }
0x7c: {  	_ =	shalt  }
0x7d: {  	_ =	shalt  }
0x7e: {  	_ =	shalt  }
0x7f: {  	_ =	shalt  }
0x80: {  	_ =	shalt  }
0x81: {  	_ =	shalt  }
0x82: {  	_ =	shalt  }
0x83: {  	_ =	shalt  }
0x84: {  	_ =	shalt  }
0x85: {  	_ =	shalt  }
0x86: {  	_ =	shalt  }
0x87: {  	_ =	shalt  }
.Lfunc_end0:
.L_simem_size_0:
called_computation_lowered:
.L_overlay_start_0:
0x88: {  	s2 =	sld [smem:$0x3FD9]  }
0x89: {  	s3 =	sld [smem:$0x3FFE];
	_ =	sdelay $0x1  }
0x8a: {  	s1 =	srdreg.scid  }
0x8b: {  	s0 =	sand.u32 $0x1, s1  }
0x8c: {  	s17 =	sshll.u32 s0, $0xA;
	s2 =	sadd.s32 s3, s2  }
0x8d: {  	s2 =	sadd.s32 s2, s17  }
0x8e: {  	[smem:$0x3FBC] =	sst s2  }
0x8f: {  	_ = 	snop  }
0x90: {  	s2 =	sld [smem:$0x3FC5]  }
0x91: {  	s18 =	sld [smem:$0x3FC4]  }
0x92: {  	s4 =	sld [smem:$0x3FD0];
	(tm) =	ssettm $0x1  }
0x93: {  	s5 =	sld [smem:$0x3FFB];
	_ =	sdelay $0x3  }
0x94: {  	_ =	strace s5  }
0x95: {  	s5 =	sld [smem:$0x3FFC];
	_ =	sdelay $0x3  }
0x96: {  	_ =	strace s5  }
0x97: {  	s5 =	sld [smem:$0x3FFD];
	_ =	sdelay $0x3  }
0x98: {  	_ =	strace s5  }
0x99: {  	_ =	strace $0x8FFFFFFF  }
0x9a: {  	s19 =	sld [smem:$0x3FDB];
	_ =	sdelay $0x1  }
0x9b: {  	s6 =	simm.s32 $_scs_section_size  }
0x9c: {  	s7 =	simm.s32 $_size__tile_overlayer_lowered;
	s8 =	simm.s32 $_tile_overlayer_lowered  }
0x9d: {  	s22 =	simm.s32 $0x1BFF;
	s21 =	sshll.u32 s8, $0x1;
	s5 =	sadd.s32 s6, s19  }
0x9e: {  	s9 =	simm.s32 $0x0;
	s20 =	sshll.u32 s7, $0x1;
	s7 =	sadd.s32 s21, s5  }
0x9f: {  	[timem:s9], [sflag:s22] =	dma.local [hbm:s7], s20  }
0xa0: {  	_ =	swait.ge [sflag:s22], s20  }
0xa1: {  	s6 =	ssub.s32 $0x0, s20;
	[sflag:s22] =	ssyncset.done $0x0  }
0xa2: {  	[sflag:s22] =	ssyncadd.s32 s6;
	_ =	sdelay $0x1  }
0xa3: {  	s23 =	simm.s32 $0x1B8B  }
0xa4: {  	_ =	swait.ge [sflag:s23], $0x1  }
0xa5: {  	[sflag:s23] =	ssyncset.done $0x0  }
0xa6: {  	s25 =	simm.s32 $0x1B8E;
	s24 =	sld [smem:$0x3FFE];
	[sflag:s23] =	ssyncadd.s32 $0xFFFFFFFF  }
0xa7: {  	s26 =	simm.s32 $execute0_lowered;
	[smem:$0x3FD2] =	sst s25  }
0xa8: {  	s7 =	sshll.u32 s26, $0x1;
	_ =	strace $0x80000046;
	[dreg:$0x1] =	wrdreg $0xFFFFFFFF  }
0xa9: {  	s28 =	simm.s32 $_size_execute0_lowered;
	s5 =	sadd.s32 s5, s7;
	[dreg:$0x0] =	wrdreg $0x0  }
0xaa: {  	s7 =	sshll.u32 s28, $0x1;
	[dreg:$0x2] =	wrdreg s5  }
0xab: {  	[dreg:$0x3] =	wrdreg s7  }
0xac: {  	[dreg:$0x4] =	wrdreg $0xC0  }
0xad: {  	_ =	task [dreg:s9], $0x5FFFF  }
0xae: {  	[dreg:$0x1] =	wrdreg $0xFFFFFFFF  }
0xaf: {  	[dreg:$0x0] =	wrdreg $0x60  }
0xb0: {  	[dreg:$0x2] =	wrdreg s2  }
0xb1: {  	[dreg:$0x3] =	wrdreg s18  }
0xb2: {  	[dreg:$0x4] =	wrdreg s24  }
0xb3: {  	[dreg:$0x5] =	wrdreg s4  }
0xb4: {  	[dreg:$0x6] =	wrdreg $0x9  }
0xb5: {  	_ =	task.clear_ibuf [dreg:s9], $0x7FFFF;
	_ =	strace $0x90000046  }
0xb6: {  	s29 =	simm.s32 $0x9;
	_ =	strace $0x8000004C  }
0xb7: {  	_ =	swait.ge [sflag:s29], $0x1  }
0xb8: {  	[sflag:s29] =	ssyncadd.s32 $0xFFFFFFFF  }
0xb9: {  	_ =	strace $0x9000004C  }
0xba: {  	_ =	sfence  }
0xbb: {  	s30 =	sld [smem:$0x0];
	_ =	sdelay $0x2  }
0xbc: {  	s31 =	sshll.u32 s1, $0xD;
	s1 =	sshrl.u32 s1, $0x2  }
0xbd: {  	s3 =	sand.u32 $0x4000, s31;
	s1 =	sadd.s32 s1, s30  }
0xbe: {  	s0 =	sor.u32 s3, s0;
	s1 =	sshll.u32 s1, $0x11  }
0xbf: {  	s0 =	sor.u32 s1, s0  }
0xc0: {  	s0 =	sadd.s32 $0x8F2B, s0  }
0xc1: {  	[sflag:s0] =	ssyncadd.remote.s32 $0x1  }
0xc2: {  	_ =	sfence.sel $0xFFFF  }
0xc3: {  	[dreg:$0x0] =	wrdreg $0xFFFFFFFF;
	(pc) =	sbr.abs _section_cstart, $3  }
0xc4: {  	[dreg:$0x1] =	wrdreg $0xFFFFFFFF  }
0xc5: {  	_ =	task.clear_ibuf [dreg:s9], $0x2FFFF;
	_ =	strace $0x9FFFFFFF  }
0xc6: {  	(tm) =	ssettm $0x7FFFFFFF  }
0xc7: {  	_ =	shalt  }
tec
execute0_lowered:
.L_overlay_start_1:
0x0: {  	(tag) =	ssettag $0x1  }
0x1: {  	s0 =	rddreg [dreg:$0x0]  }
0x2: {  	s1 =	rddreg [dreg:$0x1]  }
0x3: {  	s2 =	rddreg [dreg:$0x2]  }
0x4: {  	s15 =	rddreg [dreg:$0x3]  }
0x5: {  	s3 =	srdreg.scid;
	s14 =	stileid.u32  }
0x6: {  	s4 =	simm.s32 $0x0;
	s9 =	simm.s32 $0xC80;
	s3 =	sand.u32 $0x1, s3  }
0x7: {  	s5 =	sshll.u32 s14, $0x1;
	[smem:$0x7FF] =	sst s4;
	s6 =	sadd.s32 $0x1800, s2  }
0x8: {  	s18 =	sadd.s32 $0x1A00, s2;
	_ =	strace $0x80000047;
	[dreg:$0x5] =	wrdreg s6  }
0x9: {  	s13 =	sadd.s32 $0x30E00, s0;
	s20 =	sadd.s32 $0x1C00, s2;
	[dreg:$0xa] =	wrdreg s18  }
0xa: {  	s28 =	sadd.s32 $0x200, s15;
	s29 =	sadd.s32 $0x400, s15;
	[dreg:$0xb] =	wrdreg s20  }
0xb: {  	s30 =	sadd.s32 $0x600, s15;
	s15 =	simm.s32 $0x10;
	[dreg:$0x12] =	wrdreg s28  }
0xc: {  	s5 =	sor.u32 s3, s5;
	s6 =	sadd.s32 $0x2000, s2;
	[dreg:$0x13] =	wrdreg s29  }
0xd: {  	s3 =	ssub.s32 $0x2, s3;
	[dreg:$0x14] =	wrdreg s30;
	s7 =	smul.u32 $0x18, s5  }
0xe: {  	s8 =	smin.u32 s5, $0xD;
	p0 =	slt.u32 s5, $0xD;
	s10 =	sshrl.u32 s3, $0x1  }
0xf: {  	s19 =	smul.u32 $0xF4, s5;
	s5 =	smin.u32 s5, $0x4;
	s7 =	sadd.s32 s8, s7  }
0x10: {  	s9 =	simm.s32 @!p0 $0xC00;
	s3 =	ssub.s32 s3, s10;
	s7 =	sshll.u32 s7, $0x7  }
0x11: {  	p0 =	slt.u32 s14, $0x2;
	s8 =	sadd.s32 $0x42000, s2;
	s11 =	sadd.s32 s9, s7  }
0x12: {  	s2 =	sadd.s32 $0x1E00, s2;
	s26 =	smax.u32 s3, $0x1;
	s9 =	sadd.s32 $0xFFFFFA00, s11  }
0x13: {  	[dreg:$0xc] =	wrdreg s2;
	s16 =	sadd.s32 $0x600, s7;
	s12 =	smin.u32 s7, s9  }
0x14: {  	[dreg:$0x11] =	wrdreg s26;
	s10 =	smin.u32 s16, s9;
	s16 =	sadd.s32 s0, s12  }
0x15: {  	s14 =	simm.s32 $0x1D080;
	s12 =	sadd.s32 s12, s13;
	[dreg:$0x6] =	wrdreg s16  }
0x16: {  	s5 =	sadd.s32 s5, s19;
	s17 =	sadd.s32 s0, s10;
	[dreg:$0x7] =	wrdreg s12  }
0x17: {  	s3 =	simm.s32 $0x5080;
	s10 =	sadd.s32 s10, s13;
	[dreg:$0x8] =	wrdreg s17  }
0x18: {  	s21 =	sadd.s32 $0xC00, s7;
	[dreg:$0x9] =	wrdreg s10;
	s10 =	simm.s32 $0x7A80  }
0x19: {  	s12 =	smin.u32 s21, s9;
	s16 =	sshll.u32 s5, $0x7;
	s10 =	simm.s32 @!p0 $0x7A00  }
0x1a: {  	s21 =	sadd.s32 $0x1E8500, s1;
	s18 =	sadd.s32 s0, s12;
	s5 =	sadd.s32 s10, s16  }
0x1b: {  	s19 =	sadd.s32 s12, s13;
	s22 =	sadd.s32 $0x600, s16;
	s20 =	sadd.s32 $0xFFFFFA00, s5  }
0x1c: {  	s31 =	sadd.s32 $0xC00, s16;
	s12 =	simm.s32 $0x3;
	s23 =	smin.u32 s16, s20  }
.Ltmp0:
0x1d: {  	s13 =	simm.s32 $0x2;
	s24 =	sadd.s32 s1, s23;
	(pc) =	sbr.rel .LBB2_1-.Ltmp0, $4  }
0x1e: {  	s0 =	smin.u32 s22, s20;
	s2 =	sadd.s32 s23, s21;
	[dreg:$0xd] =	wrdreg s24  }
0x1f: {  	v4 =	vlaneseq.u32;
	v5 =	vimm.s32 $0xFFFFFFFF;
	s10 =	simm.s32 $0x0;
	s25 =	sadd.s32 s1, s0;
	[dreg:$0xe] =	wrdreg s2  }
0x20: {  	v6 =	vimm.f32 $0.0e+00;
	v7 =	vmul.u32 $0x80, v4;
	v1 =	vmov s5;
	s5 =	simm.s32 $0x7A1400;
	s0 =	sadd.s32 s0, s21;
	[dreg:$0xf] =	wrdreg s25  }
0x21: {  	v2 =	vmov s7;
	v0 =	vmov s11;
	v3 =	vmov s16;
	[dreg:$0x10] =	wrdreg s0;
	s0 =	simm.s32 $0x3000;
	s2 =	simm.s32 $0xC3800  }
.LBB2_31:
0x22: {  	p0 =	slt.s32 s11, $0x1  }
0x23: {  	_ =	strace $0x9000004B;
	s17 =	simm.s32 @!p0 $0x1;
	p1 =	seq.s32 @!p0 s11, $0x1  }
0x24: {  	_ =	swait.ge @!p0 [sflag:s17], $0x800;
	p2 =	por p1, p0  }
0x25: {  	[sflag:s17] =	ssyncset.done @!p0 $0x0;
	p3 =	slt.u32 @!p2 s11, $0x3  }
0x26: {  	[sflag:s17] =	ssyncadd.s32 @!p0 $0xFFFFF800;
	s17 =	simm.s32 @!p2 $0x1;
	p4 =	por @!p0 p3, p1  }
0x27: {  	_ =	swait.ge @!p2 [sflag:s17], $0x800;
	p4 =	por p4, p0  }
0x28: {  	[sflag:s17] =	ssyncset.done @!p2 $0x0;
	p5 =	seq.s32 @!p4 s11, $0x3  }
0x29: {  	s11 =	simm.s32 @!p4 $0x1;
	p3 =	por @!p2 p5, p3;
	[sflag:s17] =	ssyncadd.s32 @!p2 $0xFFFFF800  }
0x2a: {  	_ =	swait.ge @!p4 [sflag:s11], $0x800;
	p1 =	por @!p0 p3, p1  }
0x2b: {  	[sflag:s11] =	ssyncset.done @!p4 $0x0;
	p0 =	por p1, p0  }
0x2c: {  	[sflag:s11] =	ssyncadd.s32 @!p4 $0xFFFFF800;
	s11 =	simm.s32 @!p0 $0x1  }
0x2d: {  	_ =	swait.ge @!p0 [sflag:s11], $0x800  }
0x2e: {  	s10 =	sadd.s32 $0x1, s10;
	s30 =	rddreg [dreg:$0x11]  }
0x2f: {  	p1 =	sne.s32 s10, s30  }
.Ltmp1:
0x30: {  	_ = 	snop;
	(pc) =	sbr.rel @!p1 .LBB2_32-.Ltmp1, $3  }
0x31: {  	_ =	sdelay $0x1  }
0x32: {  	[sflag:s11] =	ssyncset.done @!p0 $0x0  }
0x33: {  	[sflag:s11] =	ssyncadd.s32 @!p0 $0xFFFFF800  }
.LBB2_1:
0x34: {  	s11 =	rddreg [dreg:$0x6]  }
0x35: {  	[tilespmem:s3], [sflag:$0x2] =	stream.strided.gather [hbm4b:s11+s0], $0x6000, s2, s0, $0x38;
	[tilespmem:$0x1F280] =	vst v63  }
0x36: {  	s30 =	rddreg [dreg:$0x7];
	s17 =	simm.s32 $0xB080  }
0x37: {  	[tilespmem:s17], [sflag:$0x2] =	stream.strided.gather [hbm4b:s30+s0], $0x6000, s2, s0, $0x38;
	[tilespmem:$0x1F280] =	vst v63  }
0x38: {  	s22 =	rddreg [dreg:$0x8];
	s23 =	simm.s32 $0x11080  }
0x39: {  	[tilespmem:s23], [sflag:$0x2] =	stream.strided.gather [hbm4b:s22+s0], $0x6000, s2, s0, $0x38;
	[tilespmem:$0x1F280] =	vst v63  }
0x3a: {  	s24 =	rddreg [dreg:$0x9];
	s25 =	simm.s32 $0x17080  }
0x3b: {  	[tilespmem:s25], [sflag:$0x2] =	stream.strided.gather [hbm4b:s24+s0], $0x6000, s2, s0, $0x38;
	[tilespmem:$0x1F280] =	vst v63  }
0x3c: {  	_ =	strace $0x80000048  }
0x3d: {  	s26 =	rddreg [dreg:$0x5]  }
0x3e: {  	[tilespmem:s4], [sflag:$0x3] =	stream.linear.gather [hbm4b:s26+s4], $0x1000, $0x200038;
	[tilespmem:$0x1F280] =	vst v63  }
0x3f: {  	_ =	swait.ge [sflag:s12], $0x1000  }
0x40: {  	[sflag:s12] =	ssyncset.done $0x0  }
0x41: {  	[sflag:s12] =	ssyncadd.s32 $0xFFFFF000  }
0x42: {  	v8 =	vld [tilespmem:s15+$0xFFFFFFF0];
	_ =	sdelay $0x4  }
0x43: {  	vm0 =	vge.s32 v8, v2;
	vm1 =	vlt.s32 v8, v0;
	v8 =	vsub.s32 v8, v2  }
0x44: {  	vm0 =	vmand vm0, vm1;
	v8 =	vshll.u32 v8, $0xE  }
0x45: {  	v8 =	vadd.s32 s4, v8;
	v9 =	vmpcnt.ones.xlane vm0  }
0x46: {  	v8 =	vadd.s32 v4, v8  }
0x47: {  	[tilespmem:s4+$0x1000] =	vst.msk vm0, v8;
	v8 =	vxor.u32 $0x80000000, v9  }
0x48: {  	v9 =	vld [tilespmem:s15+$0x0];
	(xrf0) =	vmax.scan.msk.u32 $0xffff, v8;
	_ =	sdelay $0x4  }
0x49: {  	vm0 =	vge.s32 v9, v2;
	vm1 =	vlt.s32 v9, v0  }
0x4a: {  	vm0 =	vmand vm0, vm1;
	v8, _, _ =	vpop (xrf0)  }
0x4b: {  	v10 =	vmpcnt.ones.xlane vm0;
	(v2sf) =	vpush v8, $0xF;
	_ =	sdelay $0x1  }
0x4c: {  	v8 =	vxor.u32 $0x80000000, v10  }
0x4d: {  	(xrf0) =	vmax.scan.msk.u32 $0xffff, v8;
	_ =	sdelay $0x5  }
0x4e: {  	v8, _, _ =	vpop (xrf0)  }
0x4f: {  	(v2sf) =	vpush v8, $0xF;
	_ =	sdelay $0x3  }
0x50: {  	v8 =	vsub.s32 v9, v2  }
0x51: {  	s28 =	simm.s32 $0x10;
	v8 =	vshll.u32 v8, $0xE;
	s29 =	spop (v2sf)  }
0x52: {  	v8 =	vadd.s32 s28, v8;
	s30 =	sadd.s32 $0x0, s29  }
0x53: {  	v8 =	vadd.s32 v4, v8;
	s23 =	sadd.s32 $0x80000000, s30  }
0x54: {  	s17 =	simm.s32 $0x30;
	[tilespmem:s23+$0x1000] =	vst.msk vm0, v8  }
0x55: {  	v8 =	vld [tilespmem:s17+$0xFFFFFFF0];
	_ =	sdelay $0x4  }
0x56: {  	vm0 =	vge.s32 v8, v2;
	vm1 =	vlt.s32 v8, v0;
	v8 =	vsub.s32 v8, v2  }
0x57: {  	s11 =	simm.s32 $0x20;
	vm0 =	vmand vm0, vm1;
	v8 =	vshll.u32 v8, $0xE;
	s24 =	spop (v2sf)  }
0x58: {  	s22 =	simm.s32 $0x40;
	v9 =	vadd.s32 s11, v8;
	v8 =	vmpcnt.ones.xlane vm0;
	s23 =	sadd.s32 s24, s23  }
.LBB2_2:
0x59: {  	p0 =	sne.s32 s22, $0xFE0  }
0x5a: {  	v9 =	vadd.s32 v4, v9;
	s23 =	sadd.s32 $0x80000000, s23;
	s24 =	smov.u32 s22;
	s22 =	sadd.s32 $0x20, s22  }
0x5b: {  	[tilespmem:s23+$0x1000] =	vst.msk vm0, v9;
	v8 =	vxor.u32 $0x80000000, v8  }
0x5c: {  	v9 =	vld [tilespmem:s17+$0x0];
	(xrf0) =	vmax.scan.msk.u32 $0xffff, v8;
	_ =	sdelay $0x4  }
0x5d: {  	vm0 =	vge.s32 v9, v2;
	vm1 =	vlt.s32 v9, v0;
	v8 =	vsub.s32 v9, v2  }
0x5e: {  	s25 =	sadd.s32 $0x10, s11;
	s11 =	smov.u32 s24;
	vm0 =	vmand vm0, vm1;
	v8 =	vshll.u32 v8, $0xE;
	v9, _, _ =	vpop (xrf0)  }
0x5f: {  	v8 =	vadd.s32 s25, v8;
	v10 =	vmpcnt.ones.xlane vm0;
	(v2sf) =	vpush v9, $0xF;
	_ =	sdelay $0x1  }
0x60: {  	v9 =	vxor.u32 $0x80000000, v10  }
0x61: {  	(xrf0) =	vmax.scan.msk.u32 $0xffff, v9;
	_ =	sdelay $0x5  }
0x62: {  	v9, _, _ =	vpop (xrf0)  }
0x63: {  	(v2sf) =	vpush v9, $0xF;
	_ =	sdelay $0x4  }
0x64: {  	s24 =	spop (v2sf)  }
0x65: {  	s23 =	sadd.s32 s24, s23  }
0x66: {  	v8 =	vadd.s32 v4, v8;
	s23 =	sadd.s32 $0x80000000, s23  }
0x67: {  	s17 =	sadd.s32 $0x20, s17;
	[tilespmem:s23+$0x1000] =	vst.msk vm0, v8  }
0x68: {  	v8 =	vld [tilespmem:s17+$0xFFFFFFF0];
	_ =	sdelay $0x2  }
.Ltmp2:
0x69: {  	(pc) =	sbr.rel @p0 .LBB2_2-.Ltmp2, $4  }
0x6a: {  	_ = 	snop  }
0x6b: {  	vm0 =	vge.s32 v8, v2;
	vm1 =	vlt.s32 v8, v0;
	v8 =	vsub.s32 v8, v2  }
0x6c: {  	vm0 =	vmand vm0, vm1;
	v8 =	vshll.u32 v8, $0xE;
	s24 =	spop (v2sf)  }
0x6d: {  	v9 =	vadd.s32 s11, v8;
	v8 =	vmpcnt.ones.xlane vm0;
	s23 =	sadd.s32 s24, s23  }
0x6e: {  	v9 =	vadd.s32 v4, v9;
	s22 =	sadd.s32 $0x80000000, s23  }
0x6f: {  	[tilespmem:s22+$0x1000] =	vst.msk vm0, v9  }
0x70: {  	v9 =	vld [tilespmem:s17+$0x0];
	_ =	sdelay $0x4  }
0x71: {  	vm0 =	vge.s32 v9, v2;
	vm1 =	vlt.s32 v9, v0  }
0x72: {  	v8 =	vxor.u32 $0x80000000, v8;
	vm0 =	vmand vm0, vm1  }
0x73: {  	(xrf0) =	vmax.scan.msk.u32 $0xffff, v8;
	v8 =	vmpcnt.ones.xlane vm0;
	_ =	sdelay $0x1  }
0x74: {  	v8 =	vxor.u32 $0x80000000, v8  }
0x75: {  	(xrf0) =	vmax.scan.msk.u32 $0xffff, v8;
	_ =	sdelay $0x2  }
0x76: {  	v8, _, _ =	vpop (xrf0)  }
0x77: {  	(v2sf) =	vpush v8, $0xF;
	_ =	sdelay $0x1  }
0x78: {  	v8, _, _ =	vpop (xrf0)  }
0x79: {  	(v2sf) =	vpush v8, $0xF;
	_ =	sdelay $0xa  }
0x7a: {  	v8 =	vsub.s32 v9, v2  }
0x7b: {  	s11 =	sadd.s32 $0x10, s11;
	v8 =	vshll.u32 v8, $0xE;
	s30 =	spop (v2sf)  }
0x7c: {  	v8 =	vadd.s32 s11, v8;
	s22 =	sadd.s32 s30, s22  }
0x7d: {  	v8 =	vadd.s32 v4, v8;
	s11 =	sadd.s32 $0x80000000, s22  }
0x7e: {  	s24 =	rddreg [dreg:$0xa];
	[tilespmem:s11+$0x1000] =	vst.msk vm0, v8;
	s23 =	spop (v2sf)  }
0x7f: {  	[tilespmem:s4], [sflag:$0x3] =	stream.linear.gather [hbm4b:s24+s4], $0x1000, $0x200038;
	[tilespmem:$0x1F280] =	vst v63  }
0x80: {  	_ =	swait.ge [sflag:s12], $0x1000  }
0x81: {  	[sflag:s12] =	ssyncset.done $0x0  }
0x82: {  	s25 =	simm.s32 $0x10;
	[sflag:s12] =	ssyncadd.s32 $0xFFFFF000  }
0x83: {  	v8 =	vld [tilespmem:s25+$0xFFFFFFF0];
	_ =	sdelay $0x4  }
0x84: {  	vm0 =	vge.s32 v8, v2;
	vm1 =	vlt.s32 v8, v0;
	v8 =	vsub.s32 v8, v2  }
0x85: {  	s26 =	simm.s32 $0x1000;
	vm0 =	vmand vm0, vm1;
	v8 =	vshll.u32 v8, $0xE  }
0x86: {  	s11 =	sadd.s32 s23, s11;
	v8 =	vadd.s32 s26, v8;
	v9 =	vmpcnt.ones.xlane vm0  }
0x87: {  	s11 =	sadd.s32 $0x80000000, s11;
	v8 =	vadd.s32 v4, v8  }
0x88: {  	[tilespmem:s11+$0x1000] =	vst.msk vm0, v8;
	v8 =	vxor.u32 $0x80000000, v9  }
0x89: {  	v9 =	vld [tilespmem:s25+$0x0];
	(xrf0) =	vmax.scan.msk.u32 $0xffff, v8;
	_ =	sdelay $0x4  }
0x8a: {  	vm0 =	vge.s32 v9, v2;
	vm1 =	vlt.s32 v9, v0  }
0x8b: {  	vm0 =	vmand vm0, vm1;
	v8, _, _ =	vpop (xrf0)  }
0x8c: {  	v10 =	vmpcnt.ones.xlane vm0;
	(v2sf) =	vpush v8, $0xF;
	_ =	sdelay $0x1  }
0x8d: {  	v8 =	vxor.u32 $0x80000000, v10  }
0x8e: {  	(xrf0) =	vmax.scan.msk.u32 $0xffff, v8;
	_ =	sdelay $0x5  }
0x8f: {  	v8, _, _ =	vpop (xrf0)  }
0x90: {  	(v2sf) =	vpush v8, $0xF;
	_ =	sdelay $0x3  }
0x91: {  	v8 =	vsub.s32 v9, v2  }
0x92: {  	s28 =	simm.s32 $0x1010;
	v8 =	vshll.u32 v8, $0xE;
	s29 =	spop (v2sf)  }
0x93: {  	v8 =	vadd.s32 s28, v8;
	s11 =	sadd.s32 s29, s11  }
0x94: {  	v8 =	vadd.s32 v4, v8;
	s30 =	sadd.s32 $0x80000000, s11  }
0x95: {  	s17 =	simm.s32 $0x30;
	[tilespmem:s30+$0x1000] =	vst.msk vm0, v8  }
0x96: {  	v8 =	vld [tilespmem:s17+$0xFFFFFFF0];
	_ =	sdelay $0x4  }
0x97: {  	vm0 =	vge.s32 v8, v2;
	vm1 =	vlt.s32 v8, v0;
	v8 =	vsub.s32 v8, v2  }
0x98: {  	s11 =	simm.s32 $0x1020;
	vm0 =	vmand vm0, vm1;
	v8 =	vshll.u32 v8, $0xE;
	s24 =	spop (v2sf)  }
0x99: {  	s22 =	simm.s32 $0x1040;
	v9 =	vadd.s32 s11, v8;
	v8 =	vmpcnt.ones.xlane vm0;
	s23 =	sadd.s32 s24, s30  }
.LBB2_4:
0x9a: {  	p0 =	sne.s32 s22, $0x1FE0  }
0x9b: {  	v9 =	vadd.s32 v4, v9;
	s23 =	sadd.s32 $0x80000000, s23;
	s24 =	smov.u32 s22;
	s22 =	sadd.s32 $0x20, s22  }
0x9c: {  	[tilespmem:s23+$0x1000] =	vst.msk vm0, v9;
	v8 =	vxor.u32 $0x80000000, v8  }
0x9d: {  	v9 =	vld [tilespmem:s17+$0x0];
	(xrf0) =	vmax.scan.msk.u32 $0xffff, v8;
	_ =	sdelay $0x4  }
0x9e: {  	vm0 =	vge.s32 v9, v2;
	vm1 =	vlt.s32 v9, v0;
	v8 =	vsub.s32 v9, v2  }
0x9f: {  	s25 =	sadd.s32 $0x10, s11;
	s11 =	smov.u32 s24;
	vm0 =	vmand vm0, vm1;
	v8 =	vshll.u32 v8, $0xE;
	v9, _, _ =	vpop (xrf0)  }
0xa0: {  	v8 =	vadd.s32 s25, v8;
	v10 =	vmpcnt.ones.xlane vm0;
	(v2sf) =	vpush v9, $0xF;
	_ =	sdelay $0x1  }
0xa1: {  	v9 =	vxor.u32 $0x80000000, v10  }
0xa2: {  	(xrf0) =	vmax.scan.msk.u32 $0xffff, v9;
	_ =	sdelay $0x5  }
0xa3: {  	v9, _, _ =	vpop (xrf0)  }
0xa4: {  	(v2sf) =	vpush v9, $0xF;
	_ =	sdelay $0x4  }
0xa5: {  	s24 =	spop (v2sf)  }
0xa6: {  	s23 =	sadd.s32 s24, s23  }
0xa7: {  	v8 =	vadd.s32 v4, v8;
	s23 =	sadd.s32 $0x80000000, s23  }
0xa8: {  	s17 =	sadd.s32 $0x20, s17;
	[tilespmem:s23+$0x1000] =	vst.msk vm0, v8  }
0xa9: {  	v8 =	vld [tilespmem:s17+$0xFFFFFFF0];
	_ =	sdelay $0x2  }
.Ltmp3:
0xaa: {  	(pc) =	sbr.rel @p0 .LBB2_4-.Ltmp3, $4  }
0xab: {  	_ = 	snop  }
0xac: {  	vm0 =	vge.s32 v8, v2;
	vm1 =	vlt.s32 v8, v0;
	v8 =	vsub.s32 v8, v2  }
0xad: {  	vm0 =	vmand vm0, vm1;
	v8 =	vshll.u32 v8, $0xE;
	s24 =	spop (v2sf)  }
0xae: {  	v9 =	vadd.s32 s11, v8;
	v8 =	vmpcnt.ones.xlane vm0;
	s23 =	sadd.s32 s24, s23  }
0xaf: {  	v9 =	vadd.s32 v4, v9;
	s22 =	sadd.s32 $0x80000000, s23  }
0xb0: {  	[tilespmem:s22+$0x1000] =	vst.msk vm0, v9  }
0xb1: {  	v9 =	vld [tilespmem:s17+$0x0];
	_ =	sdelay $0x4  }
0xb2: {  	vm0 =	vge.s32 v9, v2;
	vm1 =	vlt.s32 v9, v0  }
0xb3: {  	v8 =	vxor.u32 $0x80000000, v8;
	vm0 =	vmand vm0, vm1  }
0xb4: {  	(xrf0) =	vmax.scan.msk.u32 $0xffff, v8;
	v8 =	vmpcnt.ones.xlane vm0;
	_ =	sdelay $0x1  }
0xb5: {  	v8 =	vxor.u32 $0x80000000, v8  }
0xb6: {  	(xrf0) =	vmax.scan.msk.u32 $0xffff, v8;
	_ =	sdelay $0x2  }
0xb7: {  	v8, _, _ =	vpop (xrf0)  }
0xb8: {  	(v2sf) =	vpush v8, $0xF;
	_ =	sdelay $0x1  }
0xb9: {  	v8, _, _ =	vpop (xrf0)  }
0xba: {  	(v2sf) =	vpush v8, $0xF;
	_ =	sdelay $0xa  }
0xbb: {  	v8 =	vsub.s32 v9, v2  }
0xbc: {  	s11 =	sadd.s32 $0x10, s11;
	v8 =	vshll.u32 v8, $0xE;
	s30 =	spop (v2sf)  }
0xbd: {  	v8 =	vadd.s32 s11, v8;
	s22 =	sadd.s32 s30, s22  }
0xbe: {  	v8 =	vadd.s32 v4, v8;
	s11 =	sadd.s32 $0x80000000, s22  }
0xbf: {  	s24 =	rddreg [dreg:$0xb];
	[tilespmem:s11+$0x1000] =	vst.msk vm0, v8;
	s23 =	spop (v2sf)  }
0xc0: {  	[tilespmem:s4], [sflag:$0x3] =	stream.linear.gather [hbm4b:s24+s4], $0x1000, $0x200038;
	[tilespmem:$0x1F280] =	vst v63  }
0xc1: {  	_ =	swait.ge [sflag:s12], $0x1000  }
0xc2: {  	[sflag:s12] =	ssyncset.done $0x0  }
0xc3: {  	s25 =	simm.s32 $0x10;
	[sflag:s12] =	ssyncadd.s32 $0xFFFFF000  }
0xc4: {  	v8 =	vld [tilespmem:s25+$0xFFFFFFF0];
	_ =	sdelay $0x4  }
0xc5: {  	vm0 =	vge.s32 v8, v2;
	vm1 =	vlt.s32 v8, v0;
	v8 =	vsub.s32 v8, v2  }
0xc6: {  	s26 =	simm.s32 $0x2000;
	vm0 =	vmand vm0, vm1;
	v8 =	vshll.u32 v8, $0xE  }
0xc7: {  	s11 =	sadd.s32 s23, s11;
	v8 =	vadd.s32 s26, v8;
	v9 =	vmpcnt.ones.xlane vm0  }
0xc8: {  	s11 =	sadd.s32 $0x80000000, s11;
	v8 =	vadd.s32 v4, v8  }
0xc9: {  	[tilespmem:s11+$0x1000] =	vst.msk vm0, v8;
	v8 =	vxor.u32 $0x80000000, v9  }
0xca: {  	v9 =	vld [tilespmem:s25+$0x0];
	(xrf0) =	vmax.scan.msk.u32 $0xffff, v8;
	_ =	sdelay $0x4  }
0xcb: {  	vm0 =	vge.s32 v9, v2;
	vm1 =	vlt.s32 v9, v0  }
0xcc: {  	vm0 =	vmand vm0, vm1;
	v8, _, _ =	vpop (xrf0)  }
0xcd: {  	v10 =	vmpcnt.ones.xlane vm0;
	(v2sf) =	vpush v8, $0xF;
	_ =	sdelay $0x1  }
0xce: {  	v8 =	vxor.u32 $0x80000000, v10  }
0xcf: {  	(xrf0) =	vmax.scan.msk.u32 $0xffff, v8;
	_ =	sdelay $0x5  }
0xd0: {  	v8, _, _ =	vpop (xrf0)  }
0xd1: {  	(v2sf) =	vpush v8, $0xF;
	_ =	sdelay $0x3  }
0xd2: {  	v8 =	vsub.s32 v9, v2  }
0xd3: {  	s28 =	simm.s32 $0x2010;
	v8 =	vshll.u32 v8, $0xE;
	s29 =	spop (v2sf)  }
0xd4: {  	v8 =	vadd.s32 s28, v8;
	s11 =	sadd.s32 s29, s11  }
0xd5: {  	v8 =	vadd.s32 v4, v8;
	s30 =	sadd.s32 $0x80000000, s11  }
0xd6: {  	s17 =	simm.s32 $0x30;
	[tilespmem:s30+$0x1000] =	vst.msk vm0, v8  }
0xd7: {  	v8 =	vld [tilespmem:s17+$0xFFFFFFF0];
	_ =	sdelay $0x4  }
0xd8: {  	vm0 =	vge.s32 v8, v2;
	vm1 =	vlt.s32 v8, v0;
	v8 =	vsub.s32 v8, v2  }
0xd9: {  	s11 =	simm.s32 $0x2020;
	vm0 =	vmand vm0, vm1;
	v8 =	vshll.u32 v8, $0xE;
	s24 =	spop (v2sf)  }
0xda: {  	s22 =	simm.s32 $0x2040;
	v9 =	vadd.s32 s11, v8;
	v8 =	vmpcnt.ones.xlane vm0;
	s23 =	sadd.s32 s24, s30  }
.LBB2_6:
0xdb: {  	p0 =	sne.s32 s22, $0x2FE0  }
0xdc: {  	v9 =	vadd.s32 v4, v9;
	s23 =	sadd.s32 $0x80000000, s23;
	s24 =	smov.u32 s22;
	s22 =	sadd.s32 $0x20, s22  }
0xdd: {  	[tilespmem:s23+$0x1000] =	vst.msk vm0, v9;
	v8 =	vxor.u32 $0x80000000, v8  }
0xde: {  	v9 =	vld [tilespmem:s17+$0x0];
	(xrf0) =	vmax.scan.msk.u32 $0xffff, v8;
	_ =	sdelay $0x4  }
0xdf: {  	vm0 =	vge.s32 v9, v2;
	vm1 =	vlt.s32 v9, v0;
	v8 =	vsub.s32 v9, v2  }
0xe0: {  	s25 =	sadd.s32 $0x10, s11;
	s11 =	smov.u32 s24;
	vm0 =	vmand vm0, vm1;
	v8 =	vshll.u32 v8, $0xE;
	v9, _, _ =	vpop (xrf0)  }
0xe1: {  	v8 =	vadd.s32 s25, v8;
	v10 =	vmpcnt.ones.xlane vm0;
	(v2sf) =	vpush v9, $0xF;
	_ =	sdelay $0x1  }
0xe2: {  	v9 =	vxor.u32 $0x80000000, v10  }
0xe3: {  	(xrf0) =	vmax.scan.msk.u32 $0xffff, v9;
	_ =	sdelay $0x5  }
0xe4: {  	v9, _, _ =	vpop (xrf0)  }
0xe5: {  	(v2sf) =	vpush v9, $0xF;
	_ =	sdelay $0x4  }
0xe6: {  	s24 =	spop (v2sf)  }
0xe7: {  	s23 =	sadd.s32 s24, s23  }
0xe8: {  	v8 =	vadd.s32 v4, v8;
	s23 =	sadd.s32 $0x80000000, s23  }
0xe9: {  	s17 =	sadd.s32 $0x20, s17;
	[tilespmem:s23+$0x1000] =	vst.msk vm0, v8  }
0xea: {  	v8 =	vld [tilespmem:s17+$0xFFFFFFF0];
	_ =	sdelay $0x2  }
.Ltmp4:
0xeb: {  	(pc) =	sbr.rel @p0 .LBB2_6-.Ltmp4, $4  }
0xec: {  	_ = 	snop  }
0xed: {  	vm0 =	vge.s32 v8, v2;
	vm1 =	vlt.s32 v8, v0;
	v8 =	vsub.s32 v8, v2  }
0xee: {  	vm0 =	vmand vm0, vm1;
	v8 =	vshll.u32 v8, $0xE;
	s24 =	spop (v2sf)  }
0xef: {  	v9 =	vadd.s32 s11, v8;
	v8 =	vmpcnt.ones.xlane vm0;
	s23 =	sadd.s32 s24, s23  }
0xf0: {  	v9 =	vadd.s32 v4, v9;
	s22 =	sadd.s32 $0x80000000, s23  }
0xf1: {  	[tilespmem:s22+$0x1000] =	vst.msk vm0, v9  }
0xf2: {  	v9 =	vld [tilespmem:s17+$0x0];
	_ =	sdelay $0x4  }
0xf3: {  	vm0 =	vge.s32 v9, v2;
	vm1 =	vlt.s32 v9, v0  }
0xf4: {  	v8 =	vxor.u32 $0x80000000, v8;
	vm0 =	vmand vm0, vm1  }
0xf5: {  	(xrf0) =	vmax.scan.msk.u32 $0xffff, v8;
	v8 =	vmpcnt.ones.xlane vm0;
	_ =	sdelay $0x1  }
0xf6: {  	v8 =	vxor.u32 $0x80000000, v8  }
0xf7: {  	(xrf0) =	vmax.scan.msk.u32 $0xffff, v8;
	_ =	sdelay $0x2  }
0xf8: {  	v8, _, _ =	vpop (xrf0)  }
0xf9: {  	(v2sf) =	vpush v8, $0xF;
	_ =	sdelay $0x1  }
0xfa: {  	v8, _, _ =	vpop (xrf0)  }
0xfb: {  	(v2sf) =	vpush v8, $0xF;
	_ =	sdelay $0xa  }
0xfc: {  	v8 =	vsub.s32 v9, v2  }
0xfd: {  	s11 =	sadd.s32 $0x10, s11;
	v8 =	vshll.u32 v8, $0xE;
	s30 =	spop (v2sf)  }
0xfe: {  	v8 =	vadd.s32 s11, v8;
	s22 =	sadd.s32 s30, s22  }
0xff: {  	v8 =	vadd.s32 v4, v8;
	s11 =	sadd.s32 $0x80000000, s22  }
0x100: {  	s24 =	rddreg [dreg:$0xc];
	[tilespmem:s11+$0x1000] =	vst.msk vm0, v8;
	s23 =	spop (v2sf)  }
0x101: {  	[tilespmem:s4], [sflag:$0x3] =	stream.linear.gather [hbm4b:s24+s4], $0x1000, $0x200038;
	[tilespmem:$0x1F280] =	vst v63  }
0x102: {  	_ =	swait.ge [sflag:s12], $0x1000  }
0x103: {  	[sflag:s12] =	ssyncset.done $0x0  }
0x104: {  	s25 =	simm.s32 $0x10;
	[sflag:s12] =	ssyncadd.s32 $0xFFFFF000  }
0x105: {  	v8 =	vld [tilespmem:s25+$0xFFFFFFF0];
	_ =	sdelay $0x4  }
0x106: {  	vm0 =	vge.s32 v8, v2;
	vm1 =	vlt.s32 v8, v0;
	v8 =	vsub.s32 v8, v2  }
0x107: {  	s26 =	simm.s32 $0x3000;
	vm0 =	vmand vm0, vm1;
	v8 =	vshll.u32 v8, $0xE  }
0x108: {  	s11 =	sadd.s32 s23, s11;
	v8 =	vadd.s32 s26, v8;
	v9 =	vmpcnt.ones.xlane vm0  }
0x109: {  	s11 =	sadd.s32 $0x80000000, s11;
	v8 =	vadd.s32 v4, v8  }
0x10a: {  	[tilespmem:s11+$0x1000] =	vst.msk vm0, v8;
	v8 =	vxor.u32 $0x80000000, v9  }
0x10b: {  	v9 =	vld [tilespmem:s25+$0x0];
	(xrf0) =	vmax.scan.msk.u32 $0xffff, v8;
	_ =	sdelay $0x4  }
0x10c: {  	vm0 =	vge.s32 v9, v2;
	vm1 =	vlt.s32 v9, v0  }
0x10d: {  	vm0 =	vmand vm0, vm1;
	v8, _, _ =	vpop (xrf0)  }
0x10e: {  	v10 =	vmpcnt.ones.xlane vm0;
	(v2sf) =	vpush v8, $0xF;
	_ =	sdelay $0x1  }
0x10f: {  	v8 =	vxor.u32 $0x80000000, v10  }
0x110: {  	(xrf0) =	vmax.scan.msk.u32 $0xffff, v8;
	_ =	sdelay $0x5  }
0x111: {  	v8, _, _ =	vpop (xrf0)  }
0x112: {  	(v2sf) =	vpush v8, $0xF;
	_ =	sdelay $0x3  }
0x113: {  	v8 =	vsub.s32 v9, v2  }
0x114: {  	s28 =	simm.s32 $0x3010;
	v8 =	vshll.u32 v8, $0xE;
	s29 =	spop (v2sf)  }
0x115: {  	v8 =	vadd.s32 s28, v8;
	s11 =	sadd.s32 s29, s11  }
0x116: {  	v8 =	vadd.s32 v4, v8;
	s30 =	sadd.s32 $0x80000000, s11  }
0x117: {  	s17 =	simm.s32 $0x30;
	[tilespmem:s30+$0x1000] =	vst.msk vm0, v8  }
0x118: {  	v8 =	vld [tilespmem:s17+$0xFFFFFFF0];
	_ =	sdelay $0x4  }
0x119: {  	vm0 =	vge.s32 v8, v2;
	vm1 =	vlt.s32 v8, v0;
	v8 =	vsub.s32 v8, v2  }
0x11a: {  	s11 =	simm.s32 $0x3020;
	vm0 =	vmand vm0, vm1;
	v8 =	vshll.u32 v8, $0xE;
	s24 =	spop (v2sf)  }
0x11b: {  	s22 =	simm.s32 $0x3040;
	v9 =	vadd.s32 s11, v8;
	v8 =	vmpcnt.ones.xlane vm0;
	s23 =	sadd.s32 s24, s30  }
.LBB2_8:
0x11c: {  	p0 =	sne.s32 s22, $0x3FE0  }
0x11d: {  	v9 =	vadd.s32 v4, v9;
	s23 =	sadd.s32 $0x80000000, s23;
	s24 =	smov.u32 s22;
	s22 =	sadd.s32 $0x20, s22  }
0x11e: {  	[tilespmem:s23+$0x1000] =	vst.msk vm0, v9;
	v8 =	vxor.u32 $0x80000000, v8  }
0x11f: {  	v9 =	vld [tilespmem:s17+$0x0];
	(xrf0) =	vmax.scan.msk.u32 $0xffff, v8;
	_ =	sdelay $0x4  }
0x120: {  	vm0 =	vge.s32 v9, v2;
	vm1 =	vlt.s32 v9, v0;
	v8 =	vsub.s32 v9, v2  }
0x121: {  	s25 =	sadd.s32 $0x10, s11;
	s11 =	smov.u32 s24;
	vm0 =	vmand vm0, vm1;
	v8 =	vshll.u32 v8, $0xE;
	v9, _, _ =	vpop (xrf0)  }
0x122: {  	v8 =	vadd.s32 s25, v8;
	v10 =	vmpcnt.ones.xlane vm0;
	(v2sf) =	vpush v9, $0xF;
	_ =	sdelay $0x1  }
0x123: {  	v9 =	vxor.u32 $0x80000000, v10  }
0x124: {  	(xrf0) =	vmax.scan.msk.u32 $0xffff, v9;
	_ =	sdelay $0x5  }
0x125: {  	v9, _, _ =	vpop (xrf0)  }
0x126: {  	(v2sf) =	vpush v9, $0xF;
	_ =	sdelay $0x4  }
0x127: {  	s24 =	spop (v2sf)  }
0x128: {  	s23 =	sadd.s32 s24, s23  }
0x129: {  	v8 =	vadd.s32 v4, v8;
	s23 =	sadd.s32 $0x80000000, s23  }
0x12a: {  	s17 =	sadd.s32 $0x20, s17;
	[tilespmem:s23+$0x1000] =	vst.msk vm0, v8  }
0x12b: {  	v8 =	vld [tilespmem:s17+$0xFFFFFFF0];
	_ =	sdelay $0x2  }
.Ltmp5:
0x12c: {  	(pc) =	sbr.rel @p0 .LBB2_8-.Ltmp5, $4  }
0x12d: {  	_ = 	snop  }
0x12e: {  	vm0 =	vge.s32 v8, v2;
	vm1 =	vlt.s32 v8, v0;
	v8 =	vsub.s32 v8, v2  }
0x12f: {  	vm0 =	vmand vm0, vm1;
	v8 =	vshll.u32 v8, $0xE;
	s24 =	spop (v2sf)  }
0x130: {  	v9 =	vadd.s32 s11, v8;
	v8 =	vmpcnt.ones.xlane vm0;
	s23 =	sadd.s32 s24, s23  }
0x131: {  	v9 =	vadd.s32 v4, v9;
	s22 =	sadd.s32 $0x80000000, s23  }
0x132: {  	[tilespmem:s22+$0x1000] =	vst.msk vm0, v9  }
0x133: {  	v9 =	vld [tilespmem:s17+$0x0];
	_ =	sdelay $0x4  }
0x134: {  	vm15 =	vge.s32 v9, v2;
	vm1 =	vlt.s32 v9, v0  }
0x135: {  	vm0 =	vmand vm15, vm1  }
0x136: {  	v8 =	vxor.u32 $0x80000000, v8;
	v10 =	vmpcnt.ones.xlane vm0  }
0x137: {  	(xrf0) =	vmax.scan.msk.u32 $0xffff, v8  }
0x138: {  	v8 =	vxor.u32 $0x80000000, v10  }
0x139: {  	(xrf0) =	vmax.scan.msk.u32 $0xffff, v8;
	_ =	sdelay $0x3  }
0x13a: {  	v8, _, _ =	vpop (xrf0)  }
0x13b: {  	(v2sf) =	vpush v8, $0xF  }
0x13c: {  	v8, _, _ =	vpop (xrf0)  }
0x13d: {  	(v2sf) =	vpush v8, $0xF;
	_ =	sdelay $0xc  }
0x13e: {  	s25 =	spop (v2sf)  }
0x13f: {  	s17 =	sadd.s32 s25, s22  }
0x140: {  	s17 =	sadd.s32 $0x80000000, s17;
	s26 =	spop (v2sf)  }
0x141: {  	s22 =	sadd.s32 s26, s17  }
0x142: {  	v8 =	vsub.s32 v9, v2;
	s22 =	sadd.s32 $0x80000000, s22  }
0x143: {  	s11 =	sadd.s32 $0x10, s11;
	v8 =	vshll.u32 v8, $0xE;
	s28 =	sadd.s32 $0xF, s22  }
0x144: {  	v8 =	vadd.s32 s11, v8;
	s29 =	sand.u32 $0xF, s28  }
0x145: {  	v8 =	vadd.s32 v4, v8;
	s30 =	sshra.s32 s28, $0x1F;
	p1 =	slt.s32 s28, $0x1;
	p0 =	sne.s32 s29, $0x0  }
.Ltmp6:
0x146: {  	[tilespmem:s17+$0x1000] =	vst.msk vm0, v8;
	s17 =	sshrl.u32 s30, $0x1C;
	p0 =	por !p1, !p0;
	(pc) =	sbr.rel .LBB2_10-.Ltmp6, $4  }
0x147: {  	s11 =	sadd.s32 s17, s28;
	s17 =	simm.s32 $0x1;
	p0 =	por !p0, !p0  }
0x148: {  	s11 =	sshra.s32 s11, $0x4;
	s17 =	simm.s32 @!p0 $0x0  }
0x149: {  	_ =	strace $0x90000048;
	[tilespmem:s22+$0x1000] =	vst v5;
	s22 =	simm.s32 $0x0;
	s17 =	ssub.s32 s11, s17  }
0x14a: {  	_ =	strace $0x80000049;
	s11 =	simm.s32 $0x0;
	p0 =	slt.s32 s17, $0x1  }
.LBB2_15:
0x14b: {  	p1 =	sne.s32 s22, $0x0  }
0x14c: {  	s23 =	smul.u32 @!p1 $0x30000, s23;
	_ =	sdelay $0x1  }
0x14d: {  	s23 =	sshrl.u32 @!p1 s23, $0x2  }
0x14e: {  	s25 =	simm.s32 @!p1 $0x3000;
	s26 =	simm.s32 @!p1 $0xC3800;
	s24 =	sadd.s32 @!p1 $0x5080, s23  }
0x14f: {  	[tilespmem:s24], [sflag:$0x2] =	stream.strided.gather @!p1 [hbm4b:s18+s25], $0x6000, s26, s25, $0x200038;
	[tilespmem:$0x1F280] =	vst v63  }
0x150: {  	s22 =	sadd.s32 $0x1, s22;
	s23 =	sadd.s32 @!p1 $0xB080, s23  }
0x151: {  	[tilespmem:s23], [sflag:$0x2] =	stream.strided.gather @!p1 [hbm4b:s19+s25], $0x6000, s26, s25, $0x200038;
	[tilespmem:$0x1F280] =	vst v63  }
0x152: {  	p1 =	sne.s32 s22, $0x3  }
.Ltmp7:
0x153: {  	_ = 	snop;
	(pc) =	sbr.rel @!p1 .LBB2_16-.Ltmp7, $1  }
0x154: {  	_ =	sdelay $0x3  }
.LBB2_10:
.Ltmp8:
0x155: {  	(pc) =	sbr.rel @p0 .LBB2_15-.Ltmp8, $4  }
0x156: {  	_ = 	snop  }
0x157: {  	_ =	swait.ge [sflag:s13], $0xC000  }
0x158: {  	[sflag:s13] =	ssyncset.done $0x0  }
0x159: {  	s23 =	sand.u32 $0x1, s22;
	[sflag:s13] =	ssyncadd.s32 $0xFFFF4000  }
0x15a: {  	s24 =	smul.u32 $0x600, s22;
	_ =	sdelay $0x1  }
0x15b: {  	v8 =	vmov s23;
	s24 =	sadd.s32 s7, s24  }
0x15c: {  	s25 =	smov.u32 s9;
	v8 =	vmul.u32 $0xC000, v8;
	p1 =	slt.s32 s24, s9  }
.Ltmp9:
0x15d: {  	s25 =	smov.u32 @p1 s24;
	(pc) =	sbr.rel .LBB2_12-.Ltmp9, $4  }
0x15e: {  	v8 =	vbroadcast v8, $0x0;
	s24 =	ssub.s32 s25, s7  }
0x15f: {  	s25 =	sshll.u32 s24, $0xE  }
0x160: {  	v12 =	vor.u32 $0x3000, v8;
	v13 =	vadd.s32 $0x6000, v8;
	v14 =	vadd.s32 $0x9000, v8;
	s26 =	sadd.s32 $0x1800000, s25  }
0x161: {  	v11 =	vmov s24;
	s24 =	simm.s32 $0x1000;
	v9 =	vmov s25;
	s25 =	smov.u32 s17;
	v10 =	vmov s26  }
.LBB2_14:
0x162: {  	s25 =	sadd.s32 $0xFFFFFFFF, s25  }
0x163: {  	p1 =	sne.s32 s25, $0x0  }
.Ltmp10:
0x164: {  	_ = 	snop;
	(pc) =	sbr.rel @!p1 .LBB2_15-.Ltmp10, $2  }
0x165: {  	_ =	sdelay $0x2  }
0x166: {  	s24 =	sadd.s32 $0x10, s24  }
.LBB2_12:
0x167: {  	v15 =	vld [tilespmem:s24+$0x0];
	_ =	sdelay $0x4  }
0x168: {  	vm0 =	vge.s32 v15, v9;
	vm1 =	vlt.s32 v15, v10  }
0x169: {  	vm0 =	vmand vm0, vm1  }
0x16a: {  	v16 =	vsel vm0, $0x3F800000, v6  }
0x16b: {  	(xrf0) =	vmax.scan.msk.f32 $0xffff, v16;
	_ =	sdelay $0x5  }
0x16c: {  	v16, _, _ =	vpop (xrf0)  }
0x16d: {  	(v2sf) =	vpush v16, $0xF;
	_ =	sdelay $0xe  }
0x16e: {  	s26 =	spop (v2sf)  }
0x16f: {  	p1 =	sgt.f32 s26, $0.0e+00  }
.Ltmp11:
0x170: {  	_ = 	snop;
	(pc) =	sbr.rel @!p1 .LBB2_14-.Ltmp11, $1  }
0x171: {  	_ =	sdelay $0x3  }
0x172: {  	v16 =	vshrl.u32 v15, $0xE  }
0x173: {  	v16 =	vsub.s32 v16, v11  }
0x174: {  	vm1 =	vgt.s32 v16, $0x0  }
0x175: {  	v16 =	vnsel vm1, $0x0, v16  }
0x176: {  	v16 =	vmin.u32 v16, $0x5FF  }
0x177: {  	v17 =	vshll.u32 v16, $0x3  }
0x178: {  	v17 =	vand.u32 $0x3C00, v17  }
0x179: {  	v16 =	vand.u32 $0x7F, v16;
	v18 =	vor.u32 v8, v17  }
0x17a: {  	p1 =	slt.s32 s11, $0x4;
	v18 =	vor.u32 v16, v18  }
0x17b: {  	s26 =	sand.u32 $0x3, s11;
	s28 =	simm.s32 @!p1 $0x1  }
0x17c: {  	s29 =	sshll.u32 s26, $0x4;
	_ =	swait.ge @!p1 [sflag:s28], $0x800  }
0x17d: {  	v19 =	vmov s29;
	[sflag:s28] =	ssyncset.done @!p1 $0x0  }
0x17e: {  	v19 =	vshll.u32 v19, $0x7;
	[sflag:s28] =	ssyncadd.s32 @!p1 $0xFFFFF800  }
0x17f: {  	v19 =	vor.u32 v7, v19;
	v20 =	vld.idx.msk [tilespmem:v18+s3+$0x0], $0xffff  }
0x180: {  	v21 =	vor.u32 $0x80, v18;
	_ =	sdelay $0x3  }
0x181: {  	[tilespmem:v19+s14+$0x0] =	vst.idx.msk $0xffff, v20  }
0x182: {  	v49 =	vor.u32 $0x1, v19;
	v20 =	vld.idx.msk [tilespmem:v21+s3+$0x0], $0xffff  }
0x183: {  	v22 =	vor.u32 $0x100, v18;
	_ =	sdelay $0x3  }
0x184: {  	[tilespmem:v49+s14+$0x0] =	vst.idx.msk $0xffff, v20  }
0x185: {  	v50 =	vor.u32 $0x2, v19;
	v20 =	vld.idx.msk [tilespmem:v22+s3+$0x0], $0xffff  }
0x186: {  	v51 =	vor.u32 $0x180, v18;
	_ =	sdelay $0x3  }
0x187: {  	[tilespmem:v50+s14+$0x0] =	vst.idx.msk $0xffff, v20  }
0x188: {  	v52 =	vor.u32 $0x3, v19;
	v20 =	vld.idx.msk [tilespmem:v51+s3+$0x0], $0xffff  }
0x189: {  	v53 =	vor.u32 $0x200, v18;
	_ =	sdelay $0x3  }
0x18a: {  	[tilespmem:v52+s14+$0x0] =	vst.idx.msk $0xffff, v20  }
0x18b: {  	v54 =	vor.u32 $0x4, v19;
	v20 =	vld.idx.msk [tilespmem:v53+s3+$0x0], $0xffff  }
0x18c: {  	v55 =	vor.u32 $0x280, v18;
	_ =	sdelay $0x3  }
0x18d: {  	[tilespmem:v54+s14+$0x0] =	vst.idx.msk $0xffff, v20  }
0x18e: {  	v56 =	vor.u32 $0x5, v19;
	v20 =	vld.idx.msk [tilespmem:v55+s3+$0x0], $0xffff  }
0x18f: {  	v57 =	vor.u32 $0x300, v18;
	_ =	sdelay $0x3  }
0x190: {  	[tilespmem:v56+s14+$0x0] =	vst.idx.msk $0xffff, v20  }
0x191: {  	v58 =	vor.u32 $0x6, v19;
	v20 =	vld.idx.msk [tilespmem:v57+s3+$0x0], $0xffff  }
0x192: {  	v18 =	vor.u32 $0x380, v18;
	_ =	sdelay $0x3  }
0x193: {  	[tilespmem:v58+s14+$0x0] =	vst.idx.msk $0xffff, v20  }
0x194: {  	v59 =	vor.u32 $0x7, v19;
	v60 =	vadd.s32 v12, v17;
	v18 =	vld.idx.msk [tilespmem:v18+s3+$0x0], $0xffff  }
0x195: {  	v21 =	vor.u32 v16, v60;
	_ =	sdelay $0x3  }
0x196: {  	[tilespmem:v59+s14+$0x0] =	vst.idx.msk $0xffff, v18  }
0x197: {  	v61 =	vor.u32 $0x8, v19;
	v18 =	vld.idx.msk [tilespmem:v21+s3+$0x0], $0xffff  }
0x198: {  	v62 =	vor.u32 $0x80, v21;
	_ =	sdelay $0x3  }
0x199: {  	[tilespmem:v61+s14+$0x0] =	vst.idx.msk $0xffff, v18  }
0x19a: {  	v63 =	vor.u32 $0x9, v19;
	v18 =	vld.idx.msk [tilespmem:v62+s3+$0x0], $0xffff  }
0x19b: {  	v24 =	vor.u32 $0x100, v21;
	_ =	sdelay $0x3  }
0x19c: {  	[tilespmem:v63+s14+$0x0] =	vst.idx.msk $0xffff, v18  }
0x19d: {  	v25 =	vor.u32 $0xA, v19;
	v18 =	vld.idx.msk [tilespmem:v24+s3+$0x0], $0xffff  }
0x19e: {  	v26 =	vor.u32 $0x180, v21;
	_ =	sdelay $0x3  }
0x19f: {  	[tilespmem:v25+s14+$0x0] =	vst.idx.msk $0xffff, v18  }
0x1a0: {  	v27 =	vor.u32 $0xB, v19;
	v18 =	vld.idx.msk [tilespmem:v26+s3+$0x0], $0xffff  }
0x1a1: {  	v28 =	vor.u32 $0x200, v21;
	_ =	sdelay $0x3  }
0x1a2: {  	[tilespmem:v27+s14+$0x0] =	vst.idx.msk $0xffff, v18  }
0x1a3: {  	v29 =	vor.u32 $0xC, v19;
	v18 =	vld.idx.msk [tilespmem:v28+s3+$0x0], $0xffff  }
0x1a4: {  	v30 =	vor.u32 $0x280, v21;
	_ =	sdelay $0x3  }
0x1a5: {  	[tilespmem:v29+s14+$0x0] =	vst.idx.msk $0xffff, v18  }
0x1a6: {  	v31 =	vor.u32 $0xD, v19;
	v18 =	vld.idx.msk [tilespmem:v30+s3+$0x0], $0xffff  }
0x1a7: {  	v32 =	vor.u32 $0x300, v21;
	_ =	sdelay $0x3  }
0x1a8: {  	[tilespmem:v31+s14+$0x0] =	vst.idx.msk $0xffff, v18  }
0x1a9: {  	v33 =	vor.u32 $0xE, v19;
	v18 =	vld.idx.msk [tilespmem:v32+s3+$0x0], $0xffff  }
0x1aa: {  	v21 =	vor.u32 $0x380, v21;
	_ =	sdelay $0x3  }
0x1ab: {  	[tilespmem:v33+s14+$0x0] =	vst.idx.msk $0xffff, v18  }
0x1ac: {  	v34 =	vor.u32 $0xF, v19;
	v35 =	vadd.s32 v13, v17;
	v18 =	vld.idx.msk [tilespmem:v21+s3+$0x0], $0xffff  }
0x1ad: {  	v21 =	vor.u32 v35, v16;
	_ =	sdelay $0x3  }
0x1ae: {  	[tilespmem:v34+s14+$0x0] =	vst.idx.msk $0xffff, v18  }
0x1af: {  	v36 =	vor.u32 $0x10, v19;
	v18 =	vld.idx.msk [tilespmem:v21+s3+$0x0], $0xffff  }
0x1b0: {  	v37 =	vor.u32 $0x80, v21;
	_ =	sdelay $0x3  }
0x1b1: {  	[tilespmem:v36+s14+$0x0] =	vst.idx.msk $0xffff, v18  }
0x1b2: {  	v38 =	vor.u32 $0x11, v19;
	v18 =	vld.idx.msk [tilespmem:v37+s3+$0x0], $0xffff  }
0x1b3: {  	v39 =	vor.u32 $0x100, v21;
	_ =	sdelay $0x3  }
0x1b4: {  	[tilespmem:v38+s14+$0x0] =	vst.idx.msk $0xffff, v18  }
0x1b5: {  	v40 =	vor.u32 $0x12, v19;
	v18 =	vld.idx.msk [tilespmem:v39+s3+$0x0], $0xffff  }
0x1b6: {  	v41 =	vor.u32 $0x180, v21;
	_ =	sdelay $0x3  }
0x1b7: {  	[tilespmem:v40+s14+$0x0] =	vst.idx.msk $0xffff, v18  }
0x1b8: {  	v42 =	vor.u32 $0x13, v19;
	v18 =	vld.idx.msk [tilespmem:v41+s3+$0x0], $0xffff  }
0x1b9: {  	v43 =	vor.u32 $0x200, v21;
	_ =	sdelay $0x3  }
0x1ba: {  	[tilespmem:v42+s14+$0x0] =	vst.idx.msk $0xffff, v18  }
0x1bb: {  	v44 =	vor.u32 $0x14, v19;
	v18 =	vld.idx.msk [tilespmem:v43+s3+$0x0], $0xffff  }
0x1bc: {  	v45 =	vor.u32 $0x280, v21;
	_ =	sdelay $0x3  }
0x1bd: {  	[tilespmem:v44+s14+$0x0] =	vst.idx.msk $0xffff, v18  }
0x1be: {  	v46 =	vor.u32 $0x15, v19;
	v18 =	vld.idx.msk [tilespmem:v45+s3+$0x0], $0xffff  }
0x1bf: {  	v47 =	vor.u32 $0x300, v21;
	_ =	sdelay $0x3  }
0x1c0: {  	[tilespmem:v46+s14+$0x0] =	vst.idx.msk $0xffff, v18  }
0x1c1: {  	v48 =	vor.u32 $0x16, v19;
	v18 =	vld.idx.msk [tilespmem:v47+s3+$0x0], $0xffff  }
0x1c2: {  	v21 =	vor.u32 $0x380, v21;
	_ =	sdelay $0x3  }
0x1c3: {  	[tilespmem:v48+s14+$0x0] =	vst.idx.msk $0xffff, v18  }
0x1c4: {  	v17 =	vadd.s32 v14, v17;
	v49 =	vor.u32 $0x17, v19;
	v18 =	vld.idx.msk [tilespmem:v21+s3+$0x0], $0xffff  }
0x1c5: {  	v16 =	vor.u32 v17, v16;
	_ =	sdelay $0x3  }
0x1c6: {  	[tilespmem:v49+s14+$0x0] =	vst.idx.msk $0xffff, v18  }
0x1c7: {  	v50 =	vor.u32 $0x18, v19;
	v17 =	vld.idx.msk [tilespmem:v16+s3+$0x0], $0xffff  }
0x1c8: {  	v51 =	vor.u32 $0x80, v16;
	_ =	sdelay $0x3  }
0x1c9: {  	[tilespmem:v50+s14+$0x0] =	vst.idx.msk $0xffff, v17  }
0x1ca: {  	v52 =	vor.u32 $0x19, v19;
	v17 =	vld.idx.msk [tilespmem:v51+s3+$0x0], $0xffff  }
0x1cb: {  	v53 =	vor.u32 $0x100, v16;
	_ =	sdelay $0x3  }
0x1cc: {  	[tilespmem:v52+s14+$0x0] =	vst.idx.msk $0xffff, v17  }
0x1cd: {  	v54 =	vor.u32 $0x1A, v19;
	v17 =	vld.idx.msk [tilespmem:v53+s3+$0x0], $0xffff  }
0x1ce: {  	v55 =	vor.u32 $0x180, v16;
	_ =	sdelay $0x3  }
0x1cf: {  	[tilespmem:v54+s14+$0x0] =	vst.idx.msk $0xffff, v17  }
0x1d0: {  	v56 =	vor.u32 $0x1B, v19;
	v17 =	vld.idx.msk [tilespmem:v55+s3+$0x0], $0xffff  }
0x1d1: {  	v57 =	vor.u32 $0x200, v16;
	_ =	sdelay $0x3  }
0x1d2: {  	[tilespmem:v56+s14+$0x0] =	vst.idx.msk $0xffff, v17  }
0x1d3: {  	v58 =	vor.u32 $0x1C, v19;
	v17 =	vld.idx.msk [tilespmem:v57+s3+$0x0], $0xffff  }
0x1d4: {  	v59 =	vor.u32 $0x280, v16;
	_ =	sdelay $0x3  }
0x1d5: {  	[tilespmem:v58+s14+$0x0] =	vst.idx.msk $0xffff, v17  }
0x1d6: {  	v60 =	vor.u32 $0x1D, v19;
	v17 =	vld.idx.msk [tilespmem:v59+s3+$0x0], $0xffff  }
0x1d7: {  	v61 =	vor.u32 $0x300, v16;
	_ =	sdelay $0x3  }
0x1d8: {  	[tilespmem:v60+s14+$0x0] =	vst.idx.msk $0xffff, v17  }
0x1d9: {  	v62 =	vor.u32 $0x1E, v19;
	v17 =	vld.idx.msk [tilespmem:v61+s3+$0x0], $0xffff  }
0x1da: {  	v16 =	vor.u32 $0x380, v16;
	_ =	sdelay $0x3  }
0x1db: {  	[tilespmem:v62+s14+$0x0] =	vst.idx.msk $0xffff, v17  }
0x1dc: {  	v63 =	vor.u32 $0x1F, v19;
	v16 =	vld.idx.msk [tilespmem:v16+s3+$0x0], $0xffff;
	_ =	sdelay $0x3  }
.Ltmp12:
0x1dd: {  	v15 =	vand.u32 $0x3FFF, v15;
	(pc) =	sbr.rel .LBB2_14-.Ltmp12, $4  }
0x1de: {  	v15 =	vnsel vm0, $0xFFFFFFFF, v15;
	s30 =	sshll.u32 s26, $0x7;
	[tilespmem:v63+s14+$0x0] =	vst.idx.msk $0xffff, v16  }
0x1df: {  	s11 =	sadd.s32 $0x1, s11;
	s26 =	sshll.u32 s26, $0xB;
	[tilespmem:s30+$0x1F080] =	vst v15;
	(ifvalue) =	ssetifvalue $0xFFFFFFFF  }
0x1e0: {  	s26 =	sadd.s32 $0x1D080, s26;
	s28 =	sadd.s32 $0x1F080, s30;
	(ifvalue) =	ssetifvalue $0xFFFFFFFF  }
0x1e1: {  	[hbm4b:s6+s15] =	stream.indirect.scatter [tilespmem:s26], [sflag:$0x1], $0x80, s28, s15, $0x2040b8;
	[tilespmem:$0x1F280] =	vst v63  }
.LBB2_16:
0x1e2: {  	p0 =	slt.s32 s11, $0x1  }
0x1e3: {  	_ =	strace $0x90000049;
	s17 =	simm.s32 @!p0 $0x1;
	p1 =	seq.s32 @!p0 s11, $0x1  }
0x1e4: {  	_ =	swait.ge @!p0 [sflag:s17], $0x800;
	p2 =	por p1, p0  }
0x1e5: {  	[sflag:s17] =	ssyncset.done @!p0 $0x0;
	p3 =	slt.u32 @!p2 s11, $0x3  }
0x1e6: {  	[sflag:s17] =	ssyncadd.s32 @!p0 $0xFFFFF800;
	s17 =	simm.s32 @!p2 $0x1;
	p4 =	por @!p0 p3, p1  }
0x1e7: {  	_ =	swait.ge @!p2 [sflag:s17], $0x800;
	p4 =	por p4, p0  }
0x1e8: {  	[sflag:s17] =	ssyncset.done @!p2 $0x0;
	p5 =	seq.s32 @!p4 s11, $0x3  }
0x1e9: {  	s11 =	simm.s32 @!p4 $0x1;
	p3 =	por @!p2 p5, p3;
	[sflag:s17] =	ssyncadd.s32 @!p2 $0xFFFFF800  }
0x1ea: {  	_ =	swait.ge @!p4 [sflag:s11], $0x800;
	p1 =	por @!p0 p3, p1  }
0x1eb: {  	[sflag:s11] =	ssyncset.done @!p4 $0x0;
	p0 =	por p1, p0  }
0x1ec: {  	[sflag:s11] =	ssyncadd.s32 @!p4 $0xFFFFF800;
	s11 =	simm.s32 @!p0 $0x1  }
0x1ed: {  	_ =	swait.ge @!p0 [sflag:s11], $0x800  }
0x1ee: {  	[sflag:s11] =	ssyncset.done @!p0 $0x0  }
0x1ef: {  	s25 =	rddreg [dreg:$0xd];
	[sflag:s11] =	ssyncadd.s32 @!p0 $0xFFFFF800  }
0x1f0: {  	[tilespmem:s3], [sflag:$0x2] =	stream.strided.gather [hbm4b:s25+s0], $0x6000, s5, s0, $0x38;
	[tilespmem:$0x1F280] =	vst v63  }
0x1f1: {  	s28 =	simm.s32 $0xB080;
	s26 =	rddreg [dreg:$0xe]  }
0x1f2: {  	[tilespmem:s28], [sflag:$0x2] =	stream.strided.gather [hbm4b:s26+s0], $0x6000, s5, s0, $0x38;
	[tilespmem:$0x1F280] =	vst v63  }
0x1f3: {  	s30 =	simm.s32 $0x11080;
	s29 =	rddreg [dreg:$0xf]  }
0x1f4: {  	[tilespmem:s30], [sflag:$0x2] =	stream.strided.gather [hbm4b:s29+s0], $0x6000, s5, s0, $0x38;
	[tilespmem:$0x1F280] =	vst v63  }
0x1f5: {  	s23 =	simm.s32 $0x17080;
	s22 =	rddreg [dreg:$0x10]  }
0x1f6: {  	[tilespmem:s23], [sflag:$0x2] =	stream.strided.gather [hbm4b:s22+s0], $0x6000, s5, s0, $0x38;
	[tilespmem:$0x1F280] =	vst v63  }
0x1f7: {  	_ =	strace $0x8000004A  }
0x1f8: {  	s24 =	simm.s32 $0x0;
	s25 =	rddreg [dreg:$0x3]  }
0x1f9: {  	[tilespmem:s24], [sflag:$0x3] =	stream.linear.gather [hbm4b:s25+s24], $0x1000, $0x200038;
	[tilespmem:$0x1F280] =	vst v63  }
0x1fa: {  	_ =	swait.ge [sflag:s12], $0x1000  }
0x1fb: {  	[sflag:s12] =	ssyncset.done $0x0  }
0x1fc: {  	s26 =	simm.s32 $0x10;
	[sflag:s12] =	ssyncadd.s32 $0xFFFFF000  }
0x1fd: {  	v8 =	vld [tilespmem:s26+$0xFFFFFFF0];
	_ =	sdelay $0x4  }
0x1fe: {  	vm0 =	vge.s32 v8, v3;
	vm1 =	vlt.s32 v8, v1;
	v8 =	vsub.s32 v8, v3  }
0x1ff: {  	vm0 =	vmand vm0, vm1;
	v8 =	vshll.u32 v8, $0xE  }
0x200: {  	v8 =	vadd.s32 s24, v8;
	v9 =	vmpcnt.ones.xlane vm0  }
0x201: {  	v8 =	vadd.s32 v4, v8  }
0x202: {  	[tilespmem:s24+$0x1000] =	vst.msk vm0, v8;
	v8 =	vxor.u32 $0x80000000, v9  }
0x203: {  	v9 =	vld [tilespmem:s26+$0x0];
	(xrf0) =	vmax.scan.msk.u32 $0xffff, v8;
	_ =	sdelay $0x4  }
0x204: {  	vm0 =	vge.s32 v9, v3;
	vm1 =	vlt.s32 v9, v1  }
0x205: {  	vm0 =	vmand vm0, vm1;
	v8, _, _ =	vpop (xrf0)  }
0x206: {  	v10 =	vmpcnt.ones.xlane vm0;
	(v2sf) =	vpush v8, $0xF;
	_ =	sdelay $0x1  }
0x207: {  	v8 =	vxor.u32 $0x80000000, v10  }
0x208: {  	(xrf0) =	vmax.scan.msk.u32 $0xffff, v8;
	_ =	sdelay $0x5  }
0x209: {  	v8, _, _ =	vpop (xrf0)  }
0x20a: {  	(v2sf) =	vpush v8, $0xF;
	_ =	sdelay $0x3  }
0x20b: {  	v8 =	vsub.s32 v9, v3  }
0x20c: {  	s28 =	simm.s32 $0x10;
	v8 =	vshll.u32 v8, $0xE;
	s29 =	spop (v2sf)  }
0x20d: {  	v8 =	vadd.s32 s28, v8;
	s30 =	sadd.s32 $0x0, s29  }
0x20e: {  	v8 =	vadd.s32 v4, v8;
	s23 =	sadd.s32 $0x80000000, s30  }
0x20f: {  	s17 =	simm.s32 $0x30;
	[tilespmem:s23+$0x1000] =	vst.msk vm0, v8  }
0x210: {  	v8 =	vld [tilespmem:s17+$0xFFFFFFF0];
	_ =	sdelay $0x4  }
0x211: {  	vm0 =	vge.s32 v8, v3;
	vm1 =	vlt.s32 v8, v1;
	v8 =	vsub.s32 v8, v3  }
0x212: {  	s11 =	simm.s32 $0x20;
	vm0 =	vmand vm0, vm1;
	v8 =	vshll.u32 v8, $0xE;
	s24 =	spop (v2sf)  }
0x213: {  	s22 =	simm.s32 $0x40;
	v9 =	vadd.s32 s11, v8;
	v8 =	vmpcnt.ones.xlane vm0;
	s23 =	sadd.s32 s24, s23  }
.LBB2_17:
0x214: {  	p0 =	sne.s32 s22, $0xFE0  }
0x215: {  	v9 =	vadd.s32 v4, v9;
	s23 =	sadd.s32 $0x80000000, s23;
	s24 =	smov.u32 s22;
	s22 =	sadd.s32 $0x20, s22  }
0x216: {  	[tilespmem:s23+$0x1000] =	vst.msk vm0, v9;
	v8 =	vxor.u32 $0x80000000, v8  }
0x217: {  	v9 =	vld [tilespmem:s17+$0x0];
	(xrf0) =	vmax.scan.msk.u32 $0xffff, v8;
	_ =	sdelay $0x4  }
0x218: {  	vm0 =	vge.s32 v9, v3;
	vm1 =	vlt.s32 v9, v1;
	v8 =	vsub.s32 v9, v3  }
0x219: {  	s25 =	sadd.s32 $0x10, s11;
	s11 =	smov.u32 s24;
	vm0 =	vmand vm0, vm1;
	v8 =	vshll.u32 v8, $0xE;
	v9, _, _ =	vpop (xrf0)  }
0x21a: {  	v8 =	vadd.s32 s25, v8;
	v10 =	vmpcnt.ones.xlane vm0;
	(v2sf) =	vpush v9, $0xF;
	_ =	sdelay $0x1  }
0x21b: {  	v9 =	vxor.u32 $0x80000000, v10  }
0x21c: {  	(xrf0) =	vmax.scan.msk.u32 $0xffff, v9;
	_ =	sdelay $0x5  }
0x21d: {  	v9, _, _ =	vpop (xrf0)  }
0x21e: {  	(v2sf) =	vpush v9, $0xF;
	_ =	sdelay $0x4  }
0x21f: {  	s24 =	spop (v2sf)  }
0x220: {  	s23 =	sadd.s32 s24, s23  }
0x221: {  	v8 =	vadd.s32 v4, v8;
	s23 =	sadd.s32 $0x80000000, s23  }
0x222: {  	s17 =	sadd.s32 $0x20, s17;
	[tilespmem:s23+$0x1000] =	vst.msk vm0, v8  }
0x223: {  	v8 =	vld [tilespmem:s17+$0xFFFFFFF0];
	_ =	sdelay $0x2  }
.Ltmp13:
0x224: {  	(pc) =	sbr.rel @p0 .LBB2_17-.Ltmp13, $4  }
0x225: {  	_ = 	snop  }
0x226: {  	vm0 =	vge.s32 v8, v3;
	vm1 =	vlt.s32 v8, v1;
	v8 =	vsub.s32 v8, v3  }
0x227: {  	vm0 =	vmand vm0, vm1;
	v8 =	vshll.u32 v8, $0xE;
	s24 =	spop (v2sf)  }
0x228: {  	v9 =	vadd.s32 s11, v8;
	v8 =	vmpcnt.ones.xlane vm0;
	s23 =	sadd.s32 s24, s23  }
0x229: {  	v9 =	vadd.s32 v4, v9;
	s22 =	sadd.s32 $0x80000000, s23  }
0x22a: {  	[tilespmem:s22+$0x1000] =	vst.msk vm0, v9  }
0x22b: {  	v9 =	vld [tilespmem:s17+$0x0];
	_ =	sdelay $0x4  }
0x22c: {  	vm0 =	vge.s32 v9, v3;
	vm1 =	vlt.s32 v9, v1  }
0x22d: {  	v8 =	vxor.u32 $0x80000000, v8;
	vm0 =	vmand vm0, vm1  }
0x22e: {  	(xrf0) =	vmax.scan.msk.u32 $0xffff, v8;
	v8 =	vmpcnt.ones.xlane vm0;
	_ =	sdelay $0x1  }
0x22f: {  	v8 =	vxor.u32 $0x80000000, v8  }
0x230: {  	(xrf0) =	vmax.scan.msk.u32 $0xffff, v8;
	_ =	sdelay $0x2  }
0x231: {  	v8, _, _ =	vpop (xrf0)  }
0x232: {  	(v2sf) =	vpush v8, $0xF;
	_ =	sdelay $0x1  }
0x233: {  	v8, _, _ =	vpop (xrf0)  }
0x234: {  	(v2sf) =	vpush v8, $0xF;
	_ =	sdelay $0xa  }
0x235: {  	v8 =	vsub.s32 v9, v3  }
0x236: {  	s11 =	sadd.s32 $0x10, s11;
	v8 =	vshll.u32 v8, $0xE;
	s30 =	spop (v2sf)  }
0x237: {  	v8 =	vadd.s32 s11, v8;
	s22 =	sadd.s32 s30, s22  }
0x238: {  	v8 =	vadd.s32 v4, v8;
	s11 =	sadd.s32 $0x80000000, s22  }
0x239: {  	s24 =	rddreg [dreg:$0x12];
	[tilespmem:s11+$0x1000] =	vst.msk vm0, v8;
	s23 =	spop (v2sf)  }
0x23a: {  	[tilespmem:s4], [sflag:$0x3] =	stream.linear.gather [hbm4b:s24+s4], $0x1000, $0x200038;
	[tilespmem:$0x1F280] =	vst v63  }
0x23b: {  	_ =	swait.ge [sflag:s12], $0x1000  }
0x23c: {  	[sflag:s12] =	ssyncset.done $0x0  }
0x23d: {  	s25 =	simm.s32 $0x10;
	[sflag:s12] =	ssyncadd.s32 $0xFFFFF000  }
0x23e: {  	v8 =	vld [tilespmem:s25+$0xFFFFFFF0];
	_ =	sdelay $0x4  }
0x23f: {  	vm0 =	vge.s32 v8, v3;
	vm1 =	vlt.s32 v8, v1;
	v8 =	vsub.s32 v8, v3  }
0x240: {  	s26 =	simm.s32 $0x1000;
	vm0 =	vmand vm0, vm1;
	v8 =	vshll.u32 v8, $0xE  }
0x241: {  	s11 =	sadd.s32 s23, s11;
	v8 =	vadd.s32 s26, v8;
	v9 =	vmpcnt.ones.xlane vm0  }
0x242: {  	s11 =	sadd.s32 $0x80000000, s11;
	v8 =	vadd.s32 v4, v8  }
0x243: {  	[tilespmem:s11+$0x1000] =	vst.msk vm0, v8;
	v8 =	vxor.u32 $0x80000000, v9  }
0x244: {  	v9 =	vld [tilespmem:s25+$0x0];
	(xrf0) =	vmax.scan.msk.u32 $0xffff, v8;
	_ =	sdelay $0x4  }
0x245: {  	vm0 =	vge.s32 v9, v3;
	vm1 =	vlt.s32 v9, v1  }
0x246: {  	vm0 =	vmand vm0, vm1;
	v8, _, _ =	vpop (xrf0)  }
0x247: {  	v10 =	vmpcnt.ones.xlane vm0;
	(v2sf) =	vpush v8, $0xF;
	_ =	sdelay $0x1  }
0x248: {  	v8 =	vxor.u32 $0x80000000, v10  }
0x249: {  	(xrf0) =	vmax.scan.msk.u32 $0xffff, v8;
	_ =	sdelay $0x5  }
0x24a: {  	v8, _, _ =	vpop (xrf0)  }
0x24b: {  	(v2sf) =	vpush v8, $0xF;
	_ =	sdelay $0x3  }
0x24c: {  	v8 =	vsub.s32 v9, v3  }
0x24d: {  	s28 =	simm.s32 $0x1010;
	v8 =	vshll.u32 v8, $0xE;
	s29 =	spop (v2sf)  }
0x24e: {  	v8 =	vadd.s32 s28, v8;
	s11 =	sadd.s32 s29, s11  }
0x24f: {  	v8 =	vadd.s32 v4, v8;
	s30 =	sadd.s32 $0x80000000, s11  }
0x250: {  	s17 =	simm.s32 $0x30;
	[tilespmem:s30+$0x1000] =	vst.msk vm0, v8  }
0x251: {  	v8 =	vld [tilespmem:s17+$0xFFFFFFF0];
	_ =	sdelay $0x4  }
0x252: {  	vm0 =	vge.s32 v8, v3;
	vm1 =	vlt.s32 v8, v1;
	v8 =	vsub.s32 v8, v3  }
0x253: {  	s11 =	simm.s32 $0x1020;
	vm0 =	vmand vm0, vm1;
	v8 =	vshll.u32 v8, $0xE;
	s24 =	spop (v2sf)  }
0x254: {  	s22 =	simm.s32 $0x1040;
	v9 =	vadd.s32 s11, v8;
	v8 =	vmpcnt.ones.xlane vm0;
	s23 =	sadd.s32 s24, s30  }
.LBB2_19:
0x255: {  	p0 =	sne.s32 s22, $0x1FE0  }
0x256: {  	v9 =	vadd.s32 v4, v9;
	s23 =	sadd.s32 $0x80000000, s23;
	s24 =	smov.u32 s22;
	s22 =	sadd.s32 $0x20, s22  }
0x257: {  	[tilespmem:s23+$0x1000] =	vst.msk vm0, v9;
	v8 =	vxor.u32 $0x80000000, v8  }
0x258: {  	v9 =	vld [tilespmem:s17+$0x0];
	(xrf0) =	vmax.scan.msk.u32 $0xffff, v8;
	_ =	sdelay $0x4  }
0x259: {  	vm0 =	vge.s32 v9, v3;
	vm1 =	vlt.s32 v9, v1;
	v8 =	vsub.s32 v9, v3  }
0x25a: {  	s25 =	sadd.s32 $0x10, s11;
	s11 =	smov.u32 s24;
	vm0 =	vmand vm0, vm1;
	v8 =	vshll.u32 v8, $0xE;
	v9, _, _ =	vpop (xrf0)  }
0x25b: {  	v8 =	vadd.s32 s25, v8;
	v10 =	vmpcnt.ones.xlane vm0;
	(v2sf) =	vpush v9, $0xF;
	_ =	sdelay $0x1  }
0x25c: {  	v9 =	vxor.u32 $0x80000000, v10  }
0x25d: {  	(xrf0) =	vmax.scan.msk.u32 $0xffff, v9;
	_ =	sdelay $0x5  }
0x25e: {  	v9, _, _ =	vpop (xrf0)  }
0x25f: {  	(v2sf) =	vpush v9, $0xF;
	_ =	sdelay $0x4  }
0x260: {  	s24 =	spop (v2sf)  }
0x261: {  	s23 =	sadd.s32 s24, s23  }
0x262: {  	v8 =	vadd.s32 v4, v8;
	s23 =	sadd.s32 $0x80000000, s23  }
0x263: {  	s17 =	sadd.s32 $0x20, s17;
	[tilespmem:s23+$0x1000] =	vst.msk vm0, v8  }
0x264: {  	v8 =	vld [tilespmem:s17+$0xFFFFFFF0];
	_ =	sdelay $0x2  }
.Ltmp14:
0x265: {  	(pc) =	sbr.rel @p0 .LBB2_19-.Ltmp14, $4  }
0x266: {  	_ = 	snop  }
0x267: {  	vm0 =	vge.s32 v8, v3;
	vm1 =	vlt.s32 v8, v1;
	v8 =	vsub.s32 v8, v3  }
0x268: {  	vm0 =	vmand vm0, vm1;
	v8 =	vshll.u32 v8, $0xE;
	s24 =	spop (v2sf)  }
0x269: {  	v9 =	vadd.s32 s11, v8;
	v8 =	vmpcnt.ones.xlane vm0;
	s23 =	sadd.s32 s24, s23  }
0x26a: {  	v9 =	vadd.s32 v4, v9;
	s22 =	sadd.s32 $0x80000000, s23  }
0x26b: {  	[tilespmem:s22+$0x1000] =	vst.msk vm0, v9  }
0x26c: {  	v9 =	vld [tilespmem:s17+$0x0];
	_ =	sdelay $0x4  }
0x26d: {  	vm0 =	vge.s32 v9, v3;
	vm1 =	vlt.s32 v9, v1  }
0x26e: {  	v8 =	vxor.u32 $0x80000000, v8;
	vm0 =	vmand vm0, vm1  }
0x26f: {  	(xrf0) =	vmax.scan.msk.u32 $0xffff, v8;
	v8 =	vmpcnt.ones.xlane vm0;
	_ =	sdelay $0x1  }
0x270: {  	v8 =	vxor.u32 $0x80000000, v8  }
0x271: {  	(xrf0) =	vmax.scan.msk.u32 $0xffff, v8;
	_ =	sdelay $0x2  }
0x272: {  	v8, _, _ =	vpop (xrf0)  }
0x273: {  	(v2sf) =	vpush v8, $0xF;
	_ =	sdelay $0x1  }
0x274: {  	v8, _, _ =	vpop (xrf0)  }
0x275: {  	(v2sf) =	vpush v8, $0xF;
	_ =	sdelay $0xa  }
0x276: {  	v8 =	vsub.s32 v9, v3  }
0x277: {  	s11 =	sadd.s32 $0x10, s11;
	v8 =	vshll.u32 v8, $0xE;
	s30 =	spop (v2sf)  }
0x278: {  	v8 =	vadd.s32 s11, v8;
	s22 =	sadd.s32 s30, s22  }
0x279: {  	v8 =	vadd.s32 v4, v8;
	s11 =	sadd.s32 $0x80000000, s22  }
0x27a: {  	s24 =	rddreg [dreg:$0x13];
	[tilespmem:s11+$0x1000] =	vst.msk vm0, v8;
	s23 =	spop (v2sf)  }
0x27b: {  	[tilespmem:s4], [sflag:$0x3] =	stream.linear.gather [hbm4b:s24+s4], $0x1000, $0x200038;
	[tilespmem:$0x1F280] =	vst v63  }
0x27c: {  	_ =	swait.ge [sflag:s12], $0x1000  }
0x27d: {  	[sflag:s12] =	ssyncset.done $0x0  }
0x27e: {  	s25 =	simm.s32 $0x10;
	[sflag:s12] =	ssyncadd.s32 $0xFFFFF000  }
0x27f: {  	v8 =	vld [tilespmem:s25+$0xFFFFFFF0];
	_ =	sdelay $0x4  }
0x280: {  	vm0 =	vge.s32 v8, v3;
	vm1 =	vlt.s32 v8, v1;
	v8 =	vsub.s32 v8, v3  }
0x281: {  	s26 =	simm.s32 $0x2000;
	vm0 =	vmand vm0, vm1;
	v8 =	vshll.u32 v8, $0xE  }
0x282: {  	s11 =	sadd.s32 s23, s11;
	v8 =	vadd.s32 s26, v8;
	v9 =	vmpcnt.ones.xlane vm0  }
0x283: {  	s11 =	sadd.s32 $0x80000000, s11;
	v8 =	vadd.s32 v4, v8  }
0x284: {  	[tilespmem:s11+$0x1000] =	vst.msk vm0, v8;
	v8 =	vxor.u32 $0x80000000, v9  }
0x285: {  	v9 =	vld [tilespmem:s25+$0x0];
	(xrf0) =	vmax.scan.msk.u32 $0xffff, v8;
	_ =	sdelay $0x4  }
0x286: {  	vm0 =	vge.s32 v9, v3;
	vm1 =	vlt.s32 v9, v1  }
0x287: {  	vm0 =	vmand vm0, vm1;
	v8, _, _ =	vpop (xrf0)  }
0x288: {  	v10 =	vmpcnt.ones.xlane vm0;
	(v2sf) =	vpush v8, $0xF;
	_ =	sdelay $0x1  }
0x289: {  	v8 =	vxor.u32 $0x80000000, v10  }
0x28a: {  	(xrf0) =	vmax.scan.msk.u32 $0xffff, v8;
	_ =	sdelay $0x5  }
0x28b: {  	v8, _, _ =	vpop (xrf0)  }
0x28c: {  	(v2sf) =	vpush v8, $0xF;
	_ =	sdelay $0x3  }
0x28d: {  	v8 =	vsub.s32 v9, v3  }
0x28e: {  	s28 =	simm.s32 $0x2010;
	v8 =	vshll.u32 v8, $0xE;
	s29 =	spop (v2sf)  }
0x28f: {  	v8 =	vadd.s32 s28, v8;
	s11 =	sadd.s32 s29, s11  }
0x290: {  	v8 =	vadd.s32 v4, v8;
	s30 =	sadd.s32 $0x80000000, s11  }
0x291: {  	s17 =	simm.s32 $0x30;
	[tilespmem:s30+$0x1000] =	vst.msk vm0, v8  }
0x292: {  	v8 =	vld [tilespmem:s17+$0xFFFFFFF0];
	_ =	sdelay $0x4  }
0x293: {  	vm0 =	vge.s32 v8, v3;
	vm1 =	vlt.s32 v8, v1;
	v8 =	vsub.s32 v8, v3  }
0x294: {  	s11 =	simm.s32 $0x2020;
	vm0 =	vmand vm0, vm1;
	v8 =	vshll.u32 v8, $0xE;
	s24 =	spop (v2sf)  }
0x295: {  	s22 =	simm.s32 $0x2040;
	v9 =	vadd.s32 s11, v8;
	v8 =	vmpcnt.ones.xlane vm0;
	s23 =	sadd.s32 s24, s30  }
.LBB2_21:
0x296: {  	p0 =	sne.s32 s22, $0x2FE0  }
0x297: {  	v9 =	vadd.s32 v4, v9;
	s23 =	sadd.s32 $0x80000000, s23;
	s24 =	smov.u32 s22;
	s22 =	sadd.s32 $0x20, s22  }
0x298: {  	[tilespmem:s23+$0x1000] =	vst.msk vm0, v9;
	v8 =	vxor.u32 $0x80000000, v8  }
0x299: {  	v9 =	vld [tilespmem:s17+$0x0];
	(xrf0) =	vmax.scan.msk.u32 $0xffff, v8;
	_ =	sdelay $0x4  }
0x29a: {  	vm0 =	vge.s32 v9, v3;
	vm1 =	vlt.s32 v9, v1;
	v8 =	vsub.s32 v9, v3  }
0x29b: {  	s25 =	sadd.s32 $0x10, s11;
	s11 =	smov.u32 s24;
	vm0 =	vmand vm0, vm1;
	v8 =	vshll.u32 v8, $0xE;
	v9, _, _ =	vpop (xrf0)  }
0x29c: {  	v8 =	vadd.s32 s25, v8;
	v10 =	vmpcnt.ones.xlane vm0;
	(v2sf) =	vpush v9, $0xF;
	_ =	sdelay $0x1  }
0x29d: {  	v9 =	vxor.u32 $0x80000000, v10  }
0x29e: {  	(xrf0) =	vmax.scan.msk.u32 $0xffff, v9;
	_ =	sdelay $0x5  }
0x29f: {  	v9, _, _ =	vpop (xrf0)  }
0x2a0: {  	(v2sf) =	vpush v9, $0xF;
	_ =	sdelay $0x4  }
0x2a1: {  	s24 =	spop (v2sf)  }
0x2a2: {  	s23 =	sadd.s32 s24, s23  }
0x2a3: {  	v8 =	vadd.s32 v4, v8;
	s23 =	sadd.s32 $0x80000000, s23  }
0x2a4: {  	s17 =	sadd.s32 $0x20, s17;
	[tilespmem:s23+$0x1000] =	vst.msk vm0, v8  }
0x2a5: {  	v8 =	vld [tilespmem:s17+$0xFFFFFFF0];
	_ =	sdelay $0x2  }
.Ltmp15:
0x2a6: {  	(pc) =	sbr.rel @p0 .LBB2_21-.Ltmp15, $4  }
0x2a7: {  	_ = 	snop  }
0x2a8: {  	vm0 =	vge.s32 v8, v3;
	vm1 =	vlt.s32 v8, v1;
	v8 =	vsub.s32 v8, v3  }
0x2a9: {  	vm0 =	vmand vm0, vm1;
	v8 =	vshll.u32 v8, $0xE;
	s24 =	spop (v2sf)  }
0x2aa: {  	v9 =	vadd.s32 s11, v8;
	v8 =	vmpcnt.ones.xlane vm0;
	s23 =	sadd.s32 s24, s23  }
0x2ab: {  	v9 =	vadd.s32 v4, v9;
	s22 =	sadd.s32 $0x80000000, s23  }
0x2ac: {  	[tilespmem:s22+$0x1000] =	vst.msk vm0, v9  }
0x2ad: {  	v9 =	vld [tilespmem:s17+$0x0];
	_ =	sdelay $0x4  }
0x2ae: {  	vm0 =	vge.s32 v9, v3;
	vm1 =	vlt.s32 v9, v1  }
0x2af: {  	v8 =	vxor.u32 $0x80000000, v8;
	vm0 =	vmand vm0, vm1  }
0x2b0: {  	(xrf0) =	vmax.scan.msk.u32 $0xffff, v8;
	v8 =	vmpcnt.ones.xlane vm0;
	_ =	sdelay $0x1  }
0x2b1: {  	v8 =	vxor.u32 $0x80000000, v8  }
0x2b2: {  	(xrf0) =	vmax.scan.msk.u32 $0xffff, v8;
	_ =	sdelay $0x2  }
0x2b3: {  	v8, _, _ =	vpop (xrf0)  }
0x2b4: {  	(v2sf) =	vpush v8, $0xF;
	_ =	sdelay $0x1  }
0x2b5: {  	v8, _, _ =	vpop (xrf0)  }
0x2b6: {  	(v2sf) =	vpush v8, $0xF;
	_ =	sdelay $0xa  }
0x2b7: {  	v8 =	vsub.s32 v9, v3  }
0x2b8: {  	s11 =	sadd.s32 $0x10, s11;
	v8 =	vshll.u32 v8, $0xE;
	s30 =	spop (v2sf)  }
0x2b9: {  	v8 =	vadd.s32 s11, v8;
	s22 =	sadd.s32 s30, s22  }
0x2ba: {  	v8 =	vadd.s32 v4, v8;
	s11 =	sadd.s32 $0x80000000, s22  }
0x2bb: {  	s24 =	rddreg [dreg:$0x14];
	[tilespmem:s11+$0x1000] =	vst.msk vm0, v8;
	s23 =	spop (v2sf)  }
0x2bc: {  	[tilespmem:s4], [sflag:$0x3] =	stream.linear.gather [hbm4b:s24+s4], $0x1000, $0x200038;
	[tilespmem:$0x1F280] =	vst v63  }
0x2bd: {  	_ =	swait.ge [sflag:s12], $0x1000  }
0x2be: {  	[sflag:s12] =	ssyncset.done $0x0  }
0x2bf: {  	s25 =	simm.s32 $0x10;
	[sflag:s12] =	ssyncadd.s32 $0xFFFFF000  }
0x2c0: {  	v8 =	vld [tilespmem:s25+$0xFFFFFFF0];
	_ =	sdelay $0x4  }
0x2c1: {  	vm0 =	vge.s32 v8, v3;
	vm1 =	vlt.s32 v8, v1;
	v8 =	vsub.s32 v8, v3  }
0x2c2: {  	s26 =	simm.s32 $0x3000;
	vm0 =	vmand vm0, vm1;
	v8 =	vshll.u32 v8, $0xE  }
0x2c3: {  	s11 =	sadd.s32 s23, s11;
	v8 =	vadd.s32 s26, v8;
	v9 =	vmpcnt.ones.xlane vm0  }
0x2c4: {  	s11 =	sadd.s32 $0x80000000, s11;
	v8 =	vadd.s32 v4, v8  }
0x2c5: {  	[tilespmem:s11+$0x1000] =	vst.msk vm0, v8;
	v8 =	vxor.u32 $0x80000000, v9  }
0x2c6: {  	v9 =	vld [tilespmem:s25+$0x0];
	(xrf0) =	vmax.scan.msk.u32 $0xffff, v8;
	_ =	sdelay $0x4  }
0x2c7: {  	vm0 =	vge.s32 v9, v3;
	vm1 =	vlt.s32 v9, v1  }
0x2c8: {  	vm0 =	vmand vm0, vm1;
	v8, _, _ =	vpop (xrf0)  }
0x2c9: {  	v10 =	vmpcnt.ones.xlane vm0;
	(v2sf) =	vpush v8, $0xF;
	_ =	sdelay $0x1  }
0x2ca: {  	v8 =	vxor.u32 $0x80000000, v10  }
0x2cb: {  	(xrf0) =	vmax.scan.msk.u32 $0xffff, v8;
	_ =	sdelay $0x5  }
0x2cc: {  	v8, _, _ =	vpop (xrf0)  }
0x2cd: {  	(v2sf) =	vpush v8, $0xF;
	_ =	sdelay $0x3  }
0x2ce: {  	v8 =	vsub.s32 v9, v3  }
0x2cf: {  	s28 =	simm.s32 $0x3010;
	v8 =	vshll.u32 v8, $0xE;
	s29 =	spop (v2sf)  }
0x2d0: {  	v8 =	vadd.s32 s28, v8;
	s11 =	sadd.s32 s29, s11  }
0x2d1: {  	v8 =	vadd.s32 v4, v8;
	s30 =	sadd.s32 $0x80000000, s11  }
0x2d2: {  	s17 =	simm.s32 $0x30;
	[tilespmem:s30+$0x1000] =	vst.msk vm0, v8  }
0x2d3: {  	v8 =	vld [tilespmem:s17+$0xFFFFFFF0];
	_ =	sdelay $0x4  }
0x2d4: {  	vm0 =	vge.s32 v8, v3;
	vm1 =	vlt.s32 v8, v1;
	v8 =	vsub.s32 v8, v3  }
0x2d5: {  	s11 =	simm.s32 $0x3020;
	vm0 =	vmand vm0, vm1;
	v8 =	vshll.u32 v8, $0xE;
	s24 =	spop (v2sf)  }
0x2d6: {  	s22 =	simm.s32 $0x3040;
	v9 =	vadd.s32 s11, v8;
	v8 =	vmpcnt.ones.xlane vm0;
	s23 =	sadd.s32 s24, s30  }
.LBB2_23:
0x2d7: {  	p0 =	sne.s32 s22, $0x3FE0  }
0x2d8: {  	v9 =	vadd.s32 v4, v9;
	s23 =	sadd.s32 $0x80000000, s23;
	s24 =	smov.u32 s22;
	s22 =	sadd.s32 $0x20, s22  }
0x2d9: {  	[tilespmem:s23+$0x1000] =	vst.msk vm0, v9;
	v8 =	vxor.u32 $0x80000000, v8  }
0x2da: {  	v9 =	vld [tilespmem:s17+$0x0];
	(xrf0) =	vmax.scan.msk.u32 $0xffff, v8;
	_ =	sdelay $0x4  }
0x2db: {  	vm0 =	vge.s32 v9, v3;
	vm1 =	vlt.s32 v9, v1;
	v8 =	vsub.s32 v9, v3  }
0x2dc: {  	s25 =	sadd.s32 $0x10, s11;
	s11 =	smov.u32 s24;
	vm0 =	vmand vm0, vm1;
	v8 =	vshll.u32 v8, $0xE;
	v9, _, _ =	vpop (xrf0)  }
0x2dd: {  	v8 =	vadd.s32 s25, v8;
	v10 =	vmpcnt.ones.xlane vm0;
	(v2sf) =	vpush v9, $0xF;
	_ =	sdelay $0x1  }
0x2de: {  	v9 =	vxor.u32 $0x80000000, v10  }
0x2df: {  	(xrf0) =	vmax.scan.msk.u32 $0xffff, v9;
	_ =	sdelay $0x5  }
0x2e0: {  	v9, _, _ =	vpop (xrf0)  }
0x2e1: {  	(v2sf) =	vpush v9, $0xF;
	_ =	sdelay $0x4  }
0x2e2: {  	s24 =	spop (v2sf)  }
0x2e3: {  	s23 =	sadd.s32 s24, s23  }
0x2e4: {  	v8 =	vadd.s32 v4, v8;
	s23 =	sadd.s32 $0x80000000, s23  }
0x2e5: {  	s17 =	sadd.s32 $0x20, s17;
	[tilespmem:s23+$0x1000] =	vst.msk vm0, v8  }
0x2e6: {  	v8 =	vld [tilespmem:s17+$0xFFFFFFF0];
	_ =	sdelay $0x2  }
.Ltmp16:
0x2e7: {  	(pc) =	sbr.rel @p0 .LBB2_23-.Ltmp16, $4  }
0x2e8: {  	_ = 	snop  }
0x2e9: {  	vm0 =	vge.s32 v8, v3;
	vm1 =	vlt.s32 v8, v1;
	v8 =	vsub.s32 v8, v3  }
0x2ea: {  	vm0 =	vmand vm0, vm1;
	v8 =	vshll.u32 v8, $0xE;
	s24 =	spop (v2sf)  }
0x2eb: {  	v9 =	vadd.s32 s11, v8;
	v8 =	vmpcnt.ones.xlane vm0;
	s23 =	sadd.s32 s24, s23  }
0x2ec: {  	v9 =	vadd.s32 v4, v9;
	s22 =	sadd.s32 $0x80000000, s23  }
0x2ed: {  	[tilespmem:s22+$0x1000] =	vst.msk vm0, v9  }
0x2ee: {  	v9 =	vld [tilespmem:s17+$0x0];
	_ =	sdelay $0x4  }
0x2ef: {  	vm15 =	vge.s32 v9, v3;
	vm1 =	vlt.s32 v9, v1  }
0x2f0: {  	vm0 =	vmand vm15, vm1  }
0x2f1: {  	v8 =	vxor.u32 $0x80000000, v8;
	v10 =	vmpcnt.ones.xlane vm0  }
0x2f2: {  	(xrf0) =	vmax.scan.msk.u32 $0xffff, v8  }
0x2f3: {  	v8 =	vxor.u32 $0x80000000, v10  }
0x2f4: {  	(xrf0) =	vmax.scan.msk.u32 $0xffff, v8;
	_ =	sdelay $0x3  }
0x2f5: {  	v8, _, _ =	vpop (xrf0)  }
0x2f6: {  	(v2sf) =	vpush v8, $0xF  }
0x2f7: {  	v8, _, _ =	vpop (xrf0)  }
0x2f8: {  	(v2sf) =	vpush v8, $0xF;
	_ =	sdelay $0xc  }
0x2f9: {  	s25 =	spop (v2sf)  }
0x2fa: {  	s17 =	sadd.s32 s25, s22  }
0x2fb: {  	s17 =	sadd.s32 $0x80000000, s17;
	s26 =	spop (v2sf)  }
0x2fc: {  	s22 =	sadd.s32 s26, s17  }
0x2fd: {  	v8 =	vsub.s32 v9, v3;
	s22 =	sadd.s32 $0x80000000, s22  }
0x2fe: {  	s11 =	sadd.s32 $0x10, s11;
	v8 =	vshll.u32 v8, $0xE;
	s28 =	sadd.s32 $0xF, s22  }
0x2ff: {  	v8 =	vadd.s32 s11, v8;
	s29 =	sand.u32 $0xF, s28  }
0x300: {  	v8 =	vadd.s32 v4, v8;
	s30 =	sshra.s32 s28, $0x1F;
	p1 =	slt.s32 s28, $0x1;
	p0 =	sne.s32 s29, $0x0  }
.Ltmp17:
0x301: {  	[tilespmem:s17+$0x1000] =	vst.msk vm0, v8;
	s17 =	sshrl.u32 s30, $0x1C;
	p0 =	por !p1, !p0;
	(pc) =	sbr.rel .LBB2_25-.Ltmp17, $4  }
0x302: {  	s11 =	sadd.s32 s17, s28;
	s17 =	simm.s32 $0x1;
	p0 =	por !p0, !p0  }
0x303: {  	s11 =	sshra.s32 s11, $0x4;
	s17 =	simm.s32 @!p0 $0x0  }
0x304: {  	_ =	strace $0x9000004A;
	[tilespmem:s22+$0x1000] =	vst v5;
	s22 =	simm.s32 $0x0;
	s26 =	ssub.s32 s11, s17  }
0x305: {  	_ =	strace $0x8000004B;
	s11 =	simm.s32 $0x0;
	p0 =	slt.s32 s26, $0x1  }
.LBB2_30:
0x306: {  	p1 =	sgt.u32 s22, $0x12  }
0x307: {  	s17 =	smul.u32 @!p1 $0x30000, s23;
	s23 =	sadd.s32 @!p1 s24, s31  }
0x308: {  	p2 =	slt.s32 @!p1 s23, s20  }
0x309: {  	p2 =	por !p2, p1  }
0x30a: {  	s28 =	simm.s32 @!p1 $0x3000;
	s17 =	sshrl.u32 @!p1 s17, $0x2;
	s23 =	smov.u32 @p2 s20  }
0x30b: {  	s29 =	simm.s32 @!p1 $0x7A1400;
	s24 =	sadd.s32 @!p1 $0x5080, s17;
	s25 =	sadd.s32 @!p1 s1, s23  }
0x30c: {  	[tilespmem:s24], [sflag:$0x2] =	stream.strided.gather @!p1 [hbm4b:s25+s28], $0x6000, s29, s28, $0x200038;
	[tilespmem:$0x1F280] =	vst v63  }
0x30d: {  	s22 =	sadd.s32 $0x1, s22;
	s17 =	sadd.s32 @!p1 $0xB080, s17;
	s23 =	sadd.s32 @!p1 s23, s21  }
0x30e: {  	[tilespmem:s17], [sflag:$0x2] =	stream.strided.gather @!p1 [hbm4b:s23+s28], $0x6000, s29, s28, $0x200038;
	[tilespmem:$0x1F280] =	vst v63  }
0x30f: {  	p1 =	sne.s32 s22, $0x15  }
.Ltmp18:
0x310: {  	_ = 	snop;
	(pc) =	sbr.rel @!p1 .LBB2_31-.Ltmp18, $1  }
0x311: {  	_ =	sdelay $0x3  }
.LBB2_25:
.Ltmp19:
0x312: {  	(pc) =	sbr.rel @p0 .LBB2_30-.Ltmp19, $4  }
0x313: {  	_ = 	snop  }
0x314: {  	_ =	swait.ge [sflag:s13], $0xC000  }
0x315: {  	[sflag:s13] =	ssyncset.done $0x0  }
0x316: {  	s23 =	sand.u32 $0x1, s22;
	s24 =	smul.u32 $0x600, s22;
	[sflag:s13] =	ssyncadd.s32 $0xFFFF4000  }
0x317: {  	_ = 	snop  }
0x318: {  	v8 =	vmov s23;
	s17 =	sadd.s32 s16, s24  }
0x319: {  	s25 =	smov.u32 s20;
	v8 =	vmul.u32 $0xC000, v8;
	p1 =	slt.s32 s17, s20  }
.Ltmp20:
0x31a: {  	s25 =	smov.u32 @p1 s17;
	(pc) =	sbr.rel .LBB2_27-.Ltmp20, $4  }
0x31b: {  	v8 =	vbroadcast v8, $0x0;
	s17 =	ssub.s32 s25, s16  }
0x31c: {  	s25 =	sshll.u32 s17, $0xE  }
0x31d: {  	v11 =	vmov s17;
	v12 =	vor.u32 $0x3000, v8;
	v13 =	vadd.s32 $0x6000, v8;
	s28 =	sadd.s32 $0x1800000, s25  }
0x31e: {  	v14 =	vadd.s32 $0x9000, v8;
	s17 =	smov.u32 s26;
	v9 =	vmov s25;
	s25 =	simm.s32 $0x1000;
	v10 =	vmov s28  }
.LBB2_29:
0x31f: {  	s17 =	sadd.s32 $0xFFFFFFFF, s17  }
0x320: {  	p1 =	sne.s32 s17, $0x0  }
.Ltmp21:
0x321: {  	_ = 	snop;
	(pc) =	sbr.rel @!p1 .LBB2_30-.Ltmp21, $2  }
0x322: {  	_ =	sdelay $0x2  }
0x323: {  	s25 =	sadd.s32 $0x10, s25  }
.LBB2_27:
0x324: {  	v15 =	vld [tilespmem:s25+$0x0];
	_ =	sdelay $0x4  }
0x325: {  	vm0 =	vge.s32 v15, v9;
	vm1 =	vlt.s32 v15, v10  }
0x326: {  	vm0 =	vmand vm0, vm1  }
0x327: {  	v16 =	vsel vm0, $0x3F800000, v6  }
0x328: {  	(xrf0) =	vmax.scan.msk.f32 $0xffff, v16;
	_ =	sdelay $0x5  }
0x329: {  	v16, _, _ =	vpop (xrf0)  }
0x32a: {  	(v2sf) =	vpush v16, $0xF;
	_ =	sdelay $0xe  }
0x32b: {  	s28 =	spop (v2sf)  }
0x32c: {  	p1 =	sgt.f32 s28, $0.0e+00  }
.Ltmp22:
0x32d: {  	_ = 	snop;
	(pc) =	sbr.rel @!p1 .LBB2_29-.Ltmp22, $1  }
0x32e: {  	_ =	sdelay $0x3  }
0x32f: {  	v16 =	vshrl.u32 v15, $0xE  }
0x330: {  	v16 =	vsub.s32 v16, v11  }
0x331: {  	vm1 =	vgt.s32 v16, $0x0  }
0x332: {  	v16 =	vnsel vm1, $0x0, v16  }
0x333: {  	v16 =	vmin.u32 v16, $0x5FF  }
0x334: {  	v17 =	vshll.u32 v16, $0x3  }
0x335: {  	v17 =	vand.u32 $0x3C00, v17  }
0x336: {  	v16 =	vand.u32 $0x7F, v16;
	v18 =	vor.u32 v8, v17  }
0x337: {  	p1 =	slt.s32 s11, $0x4;
	v18 =	vor.u32 v16, v18  }
0x338: {  	s28 =	sand.u32 $0x3, s11;
	s29 =	simm.s32 @!p1 $0x1  }
0x339: {  	s30 =	sshll.u32 s28, $0x4;
	_ =	swait.ge @!p1 [sflag:s29], $0x800  }
0x33a: {  	v19 =	vmov s30;
	[sflag:s29] =	ssyncset.done @!p1 $0x0  }
0x33b: {  	v19 =	vshll.u32 v19, $0x7;
	[sflag:s29] =	ssyncadd.s32 @!p1 $0xFFFFF800  }
0x33c: {  	v19 =	vor.u32 v7, v19;
	v20 =	vld.idx.msk [tilespmem:v18+s3+$0x0], $0xffff  }
0x33d: {  	v21 =	vor.u32 $0x80, v18;
	_ =	sdelay $0x3  }
0x33e: {  	[tilespmem:v19+s14+$0x0] =	vst.idx.msk $0xffff, v20  }
0x33f: {  	v49 =	vor.u32 $0x1, v19;
	v20 =	vld.idx.msk [tilespmem:v21+s3+$0x0], $0xffff  }
0x340: {  	v22 =	vor.u32 $0x100, v18;
	_ =	sdelay $0x3  }
0x341: {  	[tilespmem:v49+s14+$0x0] =	vst.idx.msk $0xffff, v20  }
0x342: {  	v50 =	vor.u32 $0x2, v19;
	v20 =	vld.idx.msk [tilespmem:v22+s3+$0x0], $0xffff  }
0x343: {  	v51 =	vor.u32 $0x180, v18;
	_ =	sdelay $0x3  }
0x344: {  	[tilespmem:v50+s14+$0x0] =	vst.idx.msk $0xffff, v20  }
0x345: {  	v52 =	vor.u32 $0x3, v19;
	v20 =	vld.idx.msk [tilespmem:v51+s3+$0x0], $0xffff  }
0x346: {  	v53 =	vor.u32 $0x200, v18;
	_ =	sdelay $0x3  }
0x347: {  	[tilespmem:v52+s14+$0x0] =	vst.idx.msk $0xffff, v20  }
0x348: {  	v54 =	vor.u32 $0x4, v19;
	v20 =	vld.idx.msk [tilespmem:v53+s3+$0x0], $0xffff  }
0x349: {  	v55 =	vor.u32 $0x280, v18;
	_ =	sdelay $0x3  }
0x34a: {  	[tilespmem:v54+s14+$0x0] =	vst.idx.msk $0xffff, v20  }
0x34b: {  	v56 =	vor.u32 $0x5, v19;
	v20 =	vld.idx.msk [tilespmem:v55+s3+$0x0], $0xffff  }
0x34c: {  	v57 =	vor.u32 $0x300, v18;
	_ =	sdelay $0x3  }
0x34d: {  	[tilespmem:v56+s14+$0x0] =	vst.idx.msk $0xffff, v20  }
0x34e: {  	v58 =	vor.u32 $0x6, v19;
	v20 =	vld.idx.msk [tilespmem:v57+s3+$0x0], $0xffff  }
0x34f: {  	v18 =	vor.u32 $0x380, v18;
	_ =	sdelay $0x3  }
0x350: {  	[tilespmem:v58+s14+$0x0] =	vst.idx.msk $0xffff, v20  }
0x351: {  	v59 =	vor.u32 $0x7, v19;
	v60 =	vadd.s32 v12, v17;
	v18 =	vld.idx.msk [tilespmem:v18+s3+$0x0], $0xffff  }
0x352: {  	v21 =	vor.u32 v16, v60;
	_ =	sdelay $0x3  }
0x353: {  	[tilespmem:v59+s14+$0x0] =	vst.idx.msk $0xffff, v18  }
0x354: {  	v61 =	vor.u32 $0x8, v19;
	v18 =	vld.idx.msk [tilespmem:v21+s3+$0x0], $0xffff  }
0x355: {  	v62 =	vor.u32 $0x80, v21;
	_ =	sdelay $0x3  }
0x356: {  	[tilespmem:v61+s14+$0x0] =	vst.idx.msk $0xffff, v18  }
0x357: {  	v63 =	vor.u32 $0x9, v19;
	v18 =	vld.idx.msk [tilespmem:v62+s3+$0x0], $0xffff  }
0x358: {  	v24 =	vor.u32 $0x100, v21;
	_ =	sdelay $0x3  }
0x359: {  	[tilespmem:v63+s14+$0x0] =	vst.idx.msk $0xffff, v18  }
0x35a: {  	v25 =	vor.u32 $0xA, v19;
	v18 =	vld.idx.msk [tilespmem:v24+s3+$0x0], $0xffff  }
0x35b: {  	v26 =	vor.u32 $0x180, v21;
	_ =	sdelay $0x3  }
0x35c: {  	[tilespmem:v25+s14+$0x0] =	vst.idx.msk $0xffff, v18  }
0x35d: {  	v27 =	vor.u32 $0xB, v19;
	v18 =	vld.idx.msk [tilespmem:v26+s3+$0x0], $0xffff  }
0x35e: {  	v28 =	vor.u32 $0x200, v21;
	_ =	sdelay $0x3  }
0x35f: {  	[tilespmem:v27+s14+$0x0] =	vst.idx.msk $0xffff, v18  }
0x360: {  	v29 =	vor.u32 $0xC, v19;
	v18 =	vld.idx.msk [tilespmem:v28+s3+$0x0], $0xffff  }
0x361: {  	v30 =	vor.u32 $0x280, v21;
	_ =	sdelay $0x3  }
0x362: {  	[tilespmem:v29+s14+$0x0] =	vst.idx.msk $0xffff, v18  }
0x363: {  	v31 =	vor.u32 $0xD, v19;
	v18 =	vld.idx.msk [tilespmem:v30+s3+$0x0], $0xffff  }
0x364: {  	v32 =	vor.u32 $0x300, v21;
	_ =	sdelay $0x3  }
0x365: {  	[tilespmem:v31+s14+$0x0] =	vst.idx.msk $0xffff, v18  }
0x366: {  	v33 =	vor.u32 $0xE, v19;
	v18 =	vld.idx.msk [tilespmem:v32+s3+$0x0], $0xffff  }
0x367: {  	v21 =	vor.u32 $0x380, v21;
	_ =	sdelay $0x3  }
0x368: {  	[tilespmem:v33+s14+$0x0] =	vst.idx.msk $0xffff, v18  }
0x369: {  	v34 =	vor.u32 $0xF, v19;
	v35 =	vadd.s32 v13, v17;
	v18 =	vld.idx.msk [tilespmem:v21+s3+$0x0], $0xffff  }
0x36a: {  	v21 =	vor.u32 v35, v16;
	_ =	sdelay $0x3  }
0x36b: {  	[tilespmem:v34+s14+$0x0] =	vst.idx.msk $0xffff, v18  }
0x36c: {  	v36 =	vor.u32 $0x10, v19;
	v18 =	vld.idx.msk [tilespmem:v21+s3+$0x0], $0xffff  }
0x36d: {  	v37 =	vor.u32 $0x80, v21;
	_ =	sdelay $0x3  }
0x36e: {  	[tilespmem:v36+s14+$0x0] =	vst.idx.msk $0xffff, v18  }
0x36f: {  	v38 =	vor.u32 $0x11, v19;
	v18 =	vld.idx.msk [tilespmem:v37+s3+$0x0], $0xffff  }
0x370: {  	v39 =	vor.u32 $0x100, v21;
	_ =	sdelay $0x3  }
0x371: {  	[tilespmem:v38+s14+$0x0] =	vst.idx.msk $0xffff, v18  }
0x372: {  	v40 =	vor.u32 $0x12, v19;
	v18 =	vld.idx.msk [tilespmem:v39+s3+$0x0], $0xffff  }
0x373: {  	v41 =	vor.u32 $0x180, v21;
	_ =	sdelay $0x3  }
0x374: {  	[tilespmem:v40+s14+$0x0] =	vst.idx.msk $0xffff, v18  }
0x375: {  	v42 =	vor.u32 $0x13, v19;
	v18 =	vld.idx.msk [tilespmem:v41+s3+$0x0], $0xffff  }
0x376: {  	v43 =	vor.u32 $0x200, v21;
	_ =	sdelay $0x3  }
0x377: {  	[tilespmem:v42+s14+$0x0] =	vst.idx.msk $0xffff, v18  }
0x378: {  	v44 =	vor.u32 $0x14, v19;
	v18 =	vld.idx.msk [tilespmem:v43+s3+$0x0], $0xffff  }
0x379: {  	v45 =	vor.u32 $0x280, v21;
	_ =	sdelay $0x3  }
0x37a: {  	[tilespmem:v44+s14+$0x0] =	vst.idx.msk $0xffff, v18  }
0x37b: {  	v46 =	vor.u32 $0x15, v19;
	v18 =	vld.idx.msk [tilespmem:v45+s3+$0x0], $0xffff  }
0x37c: {  	v47 =	vor.u32 $0x300, v21;
	_ =	sdelay $0x3  }
0x37d: {  	[tilespmem:v46+s14+$0x0] =	vst.idx.msk $0xffff, v18  }
0x37e: {  	v48 =	vor.u32 $0x16, v19;
	v18 =	vld.idx.msk [tilespmem:v47+s3+$0x0], $0xffff  }
0x37f: {  	v21 =	vor.u32 $0x380, v21;
	_ =	sdelay $0x3  }
0x380: {  	[tilespmem:v48+s14+$0x0] =	vst.idx.msk $0xffff, v18  }
0x381: {  	v17 =	vadd.s32 v14, v17;
	v49 =	vor.u32 $0x17, v19;
	v18 =	vld.idx.msk [tilespmem:v21+s3+$0x0], $0xffff  }
0x382: {  	v16 =	vor.u32 v17, v16;
	_ =	sdelay $0x3  }
0x383: {  	[tilespmem:v49+s14+$0x0] =	vst.idx.msk $0xffff, v18  }
0x384: {  	v50 =	vor.u32 $0x18, v19;
	v17 =	vld.idx.msk [tilespmem:v16+s3+$0x0], $0xffff  }
0x385: {  	v51 =	vor.u32 $0x80, v16;
	_ =	sdelay $0x3  }
0x386: {  	[tilespmem:v50+s14+$0x0] =	vst.idx.msk $0xffff, v17  }
0x387: {  	v52 =	vor.u32 $0x19, v19;
	v17 =	vld.idx.msk [tilespmem:v51+s3+$0x0], $0xffff  }
0x388: {  	v53 =	vor.u32 $0x100, v16;
	_ =	sdelay $0x3  }
0x389: {  	[tilespmem:v52+s14+$0x0] =	vst.idx.msk $0xffff, v17  }
0x38a: {  	v54 =	vor.u32 $0x1A, v19;
	v17 =	vld.idx.msk [tilespmem:v53+s3+$0x0], $0xffff  }
0x38b: {  	v55 =	vor.u32 $0x180, v16;
	_ =	sdelay $0x3  }
0x38c: {  	[tilespmem:v54+s14+$0x0] =	vst.idx.msk $0xffff, v17  }
0x38d: {  	v56 =	vor.u32 $0x1B, v19;
	v17 =	vld.idx.msk [tilespmem:v55+s3+$0x0], $0xffff  }
0x38e: {  	v57 =	vor.u32 $0x200, v16;
	_ =	sdelay $0x3  }
0x38f: {  	[tilespmem:v56+s14+$0x0] =	vst.idx.msk $0xffff, v17  }
0x390: {  	v58 =	vor.u32 $0x1C, v19;
	v17 =	vld.idx.msk [tilespmem:v57+s3+$0x0], $0xffff  }
0x391: {  	v59 =	vor.u32 $0x280, v16;
	_ =	sdelay $0x3  }
0x392: {  	[tilespmem:v58+s14+$0x0] =	vst.idx.msk $0xffff, v17  }
0x393: {  	v60 =	vor.u32 $0x1D, v19;
	v17 =	vld.idx.msk [tilespmem:v59+s3+$0x0], $0xffff  }
0x394: {  	v61 =	vor.u32 $0x300, v16;
	_ =	sdelay $0x3  }
0x395: {  	[tilespmem:v60+s14+$0x0] =	vst.idx.msk $0xffff, v17  }
0x396: {  	v62 =	vor.u32 $0x1E, v19;
	v17 =	vld.idx.msk [tilespmem:v61+s3+$0x0], $0xffff  }
0x397: {  	v16 =	vor.u32 $0x380, v16;
	_ =	sdelay $0x3  }
0x398: {  	[tilespmem:v62+s14+$0x0] =	vst.idx.msk $0xffff, v17  }
0x399: {  	v63 =	vor.u32 $0x1F, v19;
	v16 =	vld.idx.msk [tilespmem:v16+s3+$0x0], $0xffff;
	_ =	sdelay $0x3  }
.Ltmp23:
0x39a: {  	v15 =	vand.u32 $0x3FFF, v15;
	(pc) =	sbr.rel .LBB2_29-.Ltmp23, $4  }
0x39b: {  	v15 =	vnsel vm0, $0xFFFFFFFF, v15;
	s30 =	sshll.u32 s28, $0x7;
	[tilespmem:v63+s14+$0x0] =	vst.idx.msk $0xffff, v16  }
0x39c: {  	s11 =	sadd.s32 $0x1, s11;
	s28 =	sshll.u32 s28, $0xB;
	[tilespmem:s30+$0x1F080] =	vst v15;
	(ifvalue) =	ssetifvalue $0xFFFFFFFF  }
0x39d: {  	s28 =	sadd.s32 $0x1D080, s28;
	s29 =	sadd.s32 $0x1F080, s30;
	(ifvalue) =	ssetifvalue $0xFFFFFFFF  }
0x39e: {  	[hbm4b:s8+s15] =	stream.indirect.scatter [tilespmem:s28], [sflag:$0x1], $0x80, s29, s15, $0x2040b8;
	[tilespmem:$0x1F280] =	vst v63  }
.LBB2_32:
0x39f: {  	_ =	sfence.sel $0x180000  }
0x3a0: {  	[bflag:$0x0] =	sbarrier.arrive $0xFFFF  }
0x3a1: {  	_ =	strace $0x90000047  }
0x3a2: {  	s0 =	stileid.u32;
	[bflag:$0x2] =	sbarrier.arrive $0xFFFF  }
0x3a3: {  	p0 =	sne.s32 s0, $0x0;
	s0 =	rddreg [dreg:$0x4]  }
0x3a4: {  	s0 =	sadd.s32 @!p0 $0x100000, s0  }
0x3a5: {  	[sflag:s0] =	ssyncadd.tile.s32 @!p0 $0x1;
	_ =	shalt  }
.Lfunc_end2:
_tile_overlayer_lowered:
.L_overlay_start_2:
0x3a6: {  	(tag) =	ssettag $0x2  }
0x3a7: {  	s0 =	rddreg [dreg:$0x0];
	s2 =	stileid.u32  }
0x3a8: {  	s1 =	rddreg [dreg:$0x1];
	p0 =	sne.s32 s2, $0x0  }
0x3a9: {  	s3 =	rddreg [dreg:$0x2];
	[bflag:$0x3] =	sbarrier.arrive $0xFFFF;
	s2 =	simm.s32 @!p0 $0x1C03  }
0x3aa: {  	[timem:s3], [sflag:s2] =	dma.local @!p0 [hbm:s0], s1  }
0x3ab: {  	s0 =	simm.s32 @!p0 $0x3  }
0x3ac: {  	_ =	swait.ge @!p0 [sflag:s0], s1  }
0x3ad: {  	s1 =	ssub.s32 @!p0 $0x0, s1;
	[sflag:s0] =	ssyncset.done @!p0 $0x0  }
0x3ae: {  	[sflag:s0] =	ssyncadd.s32 @!p0 s1  }
0x3af: {  	[bflag:$0x3] =	sbarrier.arrive $0xFFFF  }
0x3b0: {  	_ =	shalt  }

</sc_bundles>
